<compile_context>
chip_gen: v7x
topology: tpu7x:2x2x1
jax: 0.10.2.dev20260603
libtpu: 0.0.44.dev20260713+nightly
codegen_flags: <defaults>
</compile_context>

<pallas_src>
import jax
import jax.numpy as jnp
from jax import lax
from jax.experimental import pallas as pl
from jax.experimental.pallas import tpu as pltpu
from jax.experimental.pallas import tpu_sc as plsc

VOCAB = 30522
SEQ = 2048
BATCH = 4
DIM = 768
EPS = 1e-12

L = 16
NV = DIM // L
NC, NS = 2, 16
NW = NC * NS
B = BATCH * SEQ
ROWS_PER_W = B // NW
CHUNK = 16
NCHUNK = ROWS_PER_W // CHUNK

TC_BLOCK_ROWS = 512


def _sc_body(ids_hbm, pids_hbm, tok_hbm, pos_hbm, out_hbm,
             idx_t, idx_p, tok_buf, pos_buf, outb,
             sem_g0, sem_g1, sem_s0, sem_s1):
    sem_g = (sem_g0, sem_g1)
    sem_s = (sem_s0, sem_s1)
    wid = lax.axis_index("s") * NC + lax.axis_index("c")
    base = wid * ROWS_PER_W
    pltpu.sync_copy(ids_hbm.at[pl.ds(base, ROWS_PER_W)], idx_t)
    pltpu.sync_copy(pids_hbm.at[pl.ds(base, ROWS_PER_W)], idx_p)

    def issue_gather(cc, s):
        pltpu.async_copy(
            tok_hbm.at[idx_t.at[pl.ds(cc * CHUNK, CHUNK)]],
            tok_buf.at[s], sem_g[s])
        pltpu.async_copy(
            pos_hbm.at[idx_p.at[pl.ds(cc * CHUNK, CHUNK)]],
            pos_buf.at[s], sem_g[s])

    def wait_gather(s):
        pltpu.make_async_copy(
            tok_hbm.at[idx_t.at[pl.ds(0, CHUNK)]], tok_buf.at[s],
            sem_g[s]).wait()
        pltpu.make_async_copy(
            pos_hbm.at[idx_p.at[pl.ds(0, CHUNK)]], pos_buf.at[s],
            sem_g[s]).wait()

    def issue_scatter(cc, s):
        pltpu.async_copy(
            outb.at[s], out_hbm.at[pl.ds(base + cc * CHUNK, CHUNK)],
            sem_s[s])

    def wait_scatter(s):
        pltpu.make_async_copy(
            outb.at[s], out_hbm.at[pl.ds(0, CHUNK)], sem_s[s]).wait()

    def compute(s):
        @plsc.parallel_loop(0, CHUNK, unroll=2)
        def _row(r):
            for j in range(NV):
                sl = pl.ds(j * L, L)
                outb[s, r, sl] = tok_buf[s, r, sl] + pos_buf[s, r, sl]

    issue_gather(0, 0)

    @pl.loop(0, NCHUNK, step=2)
    def _group(c0):
        for k in range(2):
            c = c0 + k
            if k == 0:
                issue_gather(c + 1, 1)
            else:
                @pl.when(c0 < NCHUNK - 2)
                def _():
                    issue_gather(c + 1, 0)
            wait_gather(k)
            @pl.when(c0 >= 2 - k)
            def _():
                wait_scatter(k)
            compute(k)
            issue_scatter(c, k)

    wait_scatter(0)
    wait_scatter(1)


def _tc_ln_body(x_ref, g_ref, b_ref, o_ref):
    x = x_ref[...]
    mean = jnp.mean(x, axis=1, keepdims=True)
    var = jnp.mean(x * x, axis=1, keepdims=True) - mean * mean
    rstd = lax.rsqrt(var + jnp.float32(EPS))
    o_ref[...] = (x - mean) * rstd * g_ref[...] + b_ref[...]


@jax.jit
def kernel(input_ids, positional_ids, tok_emb, pos_emb, gamma, beta):
    ids = jnp.asarray(input_ids, jnp.int32).reshape(B)
    pids = jnp.asarray(positional_ids, jnp.int32).reshape(B)
    mesh = plsc.VectorSubcoreMesh(core_axis_name="c", subcore_axis_name="s")
    gather_add = pl.kernel(
        _sc_body,
        out_type=jax.ShapeDtypeStruct((B, DIM), jnp.float32),
        mesh=mesh,
        compiler_params=pltpu.CompilerParams(needs_layout_passes=False),
        scratch_types=[
            pltpu.VMEM((ROWS_PER_W,), jnp.int32),
            pltpu.VMEM((ROWS_PER_W,), jnp.int32),
            pltpu.VMEM((2, CHUNK, DIM), jnp.float32),
            pltpu.VMEM((2, CHUNK, DIM), jnp.float32),
            pltpu.VMEM((2, CHUNK, DIM), jnp.float32),
            pltpu.SemaphoreType.DMA,
            pltpu.SemaphoreType.DMA,
            pltpu.SemaphoreType.DMA,
            pltpu.SemaphoreType.DMA,
        ],
    )
    x = gather_add(ids, pids, tok_emb, pos_emb)

    out = pl.pallas_call(
        _tc_ln_body,
        out_shape=jax.ShapeDtypeStruct((B, DIM), jnp.float32),
        grid=(B // TC_BLOCK_ROWS,),
        in_specs=[
            pl.BlockSpec((TC_BLOCK_ROWS, DIM), lambda i: (i, 0)),
            pl.BlockSpec((1, DIM), lambda i: (0, 0)),
            pl.BlockSpec((1, DIM), lambda i: (0, 0)),
        ],
        out_specs=pl.BlockSpec((TC_BLOCK_ROWS, DIM), lambda i: (i, 0)),
    )(x, gamma.reshape(1, DIM), beta.reshape(1, DIM))
    return out.reshape(BATCH, SEQ, DIM)

# --- scband reference (transcript-rebuilt; emitter-appended) ---
"""Pipeline reference for scband-bonz-embedding-3161095930446 (READ-ONLY COPY).

The authoritative reference and input builder live on the scoring server;
editing this copy changes nothing except your own understanding.
"""

import jax, jax.numpy as jnp
import numpy as np

VOCAB = 30522
SEQ = 2048
BATCH = 4
DIM = 768
EPS = 1e-12


def setup_inputs(seed: int = 0) -> dict:
    key = jax.random.key(seed)
    k1, k2, k3, k4 = jax.random.split(key, 4)
    input_ids = jax.random.randint(k1, (BATCH, SEQ), 0, VOCAB, dtype=jnp.int64 if jax.config.jax_enable_x64 else jnp.int32)
    positional_ids = jax.random.randint(k2, (BATCH, SEQ), 0, SEQ, dtype=jnp.int64 if jax.config.jax_enable_x64 else jnp.int32)
    tok_emb = jax.random.normal(k3, (VOCAB, DIM), dtype=jnp.float32) * 0.02
    tok_emb = tok_emb.at[0].set(0.0)  # padding_idx=0
    pos_emb = jax.random.normal(k4, (SEQ, DIM), dtype=jnp.float32) * 0.02
    pos_emb = pos_emb.at[0].set(0.0)  # padding_idx=0
    gamma = jnp.ones((DIM,), dtype=jnp.float32)
    beta = jnp.zeros((DIM,), dtype=jnp.float32)
    return {
        "input_ids": input_ids,
        "positional_ids": positional_ids,
        "tok_emb": tok_emb,
        "pos_emb": pos_emb,
        "gamma": gamma,
        "beta": beta,
    }


def reference(input_ids, positional_ids, tok_emb, pos_emb, gamma, beta):
    # token + positional embedding lookups (SparseCore gathers)
    token_embeddings = jnp.take(tok_emb, input_ids, axis=0)
    positional_embeddings = jnp.take(pos_emb, positional_ids, axis=0)
    x = token_embeddings + positional_embeddings
    # emb_dim == word_dim, so self.scale is None (no Linear)
    # LayerNorm(emb_dim, eps)
    mean = jnp.mean(x, axis=-1, keepdims=True)
    var = jnp.mean((x - mean) ** 2, axis=-1, keepdims=True)
    out = (x - mean) / jnp.sqrt(var + EPS) * gamma + beta
    return out

if __name__ == "__main__":
    import jax
    _d = setup_inputs()
    print(jax.jit(kernel)(*tuple(_d.values())))

</pallas_src>

<mosaic_0001>
#map = affine_map<(d0, d1) -> (0)>
#map1 = affine_map<(d0, d1) -> (0, 0)>
module attributes {stable_mosaic.version = 14 : i64} {
  func.func @_sc_body(%arg0: i32, %arg1: i32, %arg2: memref<8192xi32, #tpu.memory_space<hbm>>, %arg3: memref<8192xi32, #tpu.memory_space<hbm>>, %arg4: memref<30522x768xf32, #tpu.memory_space<hbm>>, %arg5: memref<2048x768xf32, #tpu.memory_space<hbm>>, %arg6: memref<8192x768xf32, #tpu.memory_space<hbm>>, %arg7: memref<256xi32, #tpu.memory_space<vmem>>, %arg8: memref<256xi32, #tpu.memory_space<vmem>>, %arg9: memref<2x16x768xf32, #tpu.memory_space<vmem>>, %arg10: memref<2x16x768xf32, #tpu.memory_space<vmem>>, %arg11: memref<2x16x768xf32, #tpu.memory_space<vmem>>, %arg12: memref<!tpu.dma_semaphore, #tpu.memory_space<semaphore_mem>>, %arg13: memref<!tpu.dma_semaphore, #tpu.memory_space<semaphore_mem>>, %arg14: memref<!tpu.dma_semaphore, #tpu.memory_space<semaphore_mem>>, %arg15: memref<!tpu.dma_semaphore, #tpu.memory_space<semaphore_mem>>) attributes {dimension_semantics = [#tpu.dimension_semantics<core_parallel>, #tpu.dimension_semantics<subcore_parallel>], iteration_bounds = array<i64: 2, 16>, scalar_prefetch = 0 : i64, scratch_operands = 9 : i64, tpu.core_type = #tpu.core_type<sc_vector_subcore>, window_params = [{transform_indices = #map}, {transform_indices = #map}, {transform_indices = #map1}, {transform_indices = #map1}, {transform_indices = #map1}]} {
    %mul3A = arith.constant 2 : i32
    %mul3A_0 = arith.muli %arg1, %mul3A : i32
    %add3A = arith.addi %mul3A_0, %arg0 : i32
    %mul3A_1 = arith.constant 256 : i32
    %mul3A_2 = arith.muli %add3A, %mul3A_1 : i32
    "tpu.region"() ({
      %run_scoped3A = tpu.sem_alloc : memref<!tpu.dma_semaphore, #tpu.memory_space<semaphore_mem>>
      %dma_start3A_55 = tpu.memref_slice %arg2[%mul3A_2] : memref<8192xi32, #tpu.memory_space<hbm>> -> memref<256xi32, #tpu.memory_space<hbm>>
      %dma_start3A_56 = tpu.memref_slice %arg2[%mul3A_2] : memref<8192xi32, #tpu.memory_space<hbm>> -> memref<256xi32, #tpu.memory_space<hbm>>
      tpu.enqueue_dma source(%dma_start3A_56 : memref<256xi32, #tpu.memory_space<hbm>>) target(%arg7 : memref<256xi32, #tpu.memory_space<vmem>>) target_semaphore(%run_scoped3A : memref<!tpu.dma_semaphore, #tpu.memory_space<semaphore_mem>>)
      %dma_wait3A_57 = tpu.memref_slice %arg2[%mul3A_2] : memref<8192xi32, #tpu.memory_space<hbm>> -> memref<256xi32, #tpu.memory_space<hbm>>
      %dma_wait3A_58 = tpu.memref_slice %arg2[%mul3A_2] : memref<8192xi32, #tpu.memory_space<hbm>> -> memref<256xi32, #tpu.memory_space<hbm>>
      tpu.wait_dma2 semaphore(%run_scoped3A : memref<!tpu.dma_semaphore, #tpu.memory_space<semaphore_mem>>) src(%dma_wait3A_58 : memref<256xi32, #tpu.memory_space<hbm>>) dst(%arg7 : memref<256xi32, #tpu.memory_space<vmem>>)
      tpu.yield
    }) : () -> ()
    "tpu.region"() ({
      %run_scoped3A = tpu.sem_alloc : memref<!tpu.dma_semaphore, #tpu.memory_space<semaphore_mem>>
      %dma_start3A_55 = tpu.memref_slice %arg3[%mul3A_2] : memref<8192xi32, #tpu.memory_space<hbm>> -> memref<256xi32, #tpu.memory_space<hbm>>
      %dma_start3A_56 = tpu.memref_slice %arg3[%mul3A_2] : memref<8192xi32, #tpu.memory_space<hbm>> -> memref<256xi32, #tpu.memory_space<hbm>>
      tpu.enqueue_dma source(%dma_start3A_56 : memref<256xi32, #tpu.memory_space<hbm>>) target(%arg8 : memref<256xi32, #tpu.memory_space<vmem>>) target_semaphore(%run_scoped3A : memref<!tpu.dma_semaphore, #tpu.memory_space<semaphore_mem>>)
      %dma_wait3A_57 = tpu.memref_slice %arg3[%mul3A_2] : memref<8192xi32, #tpu.memory_space<hbm>> -> memref<256xi32, #tpu.memory_space<hbm>>
      %dma_wait3A_58 = tpu.memref_slice %arg3[%mul3A_2] : memref<8192xi32, #tpu.memory_space<hbm>> -> memref<256xi32, #tpu.memory_space<hbm>>
      tpu.wait_dma2 semaphore(%run_scoped3A : memref<!tpu.dma_semaphore, #tpu.memory_space<semaphore_mem>>) src(%dma_wait3A_58 : memref<256xi32, #tpu.memory_space<hbm>>) dst(%arg8 : memref<256xi32, #tpu.memory_space<vmem>>)
      tpu.yield
    }) : () -> ()
    %dma_start3A = arith.constant 0 : i32
    %dma_start3A_3 = arith.constant 0 : i32
    %dma_start3A_4 = arith.constant 0 : i32
    %dma_start3A_5 = tpu.memref_slice %arg9[%dma_start3A, %dma_start3A_3, %dma_start3A_4] : memref<2x16x768xf32, #tpu.memory_space<vmem>> -> memref<1x16x768xf32, #tpu.memory_space<vmem>>
    %dma_start3A_6 = tpu.memref_squeeze %dma_start3A_5 : memref<1x16x768xf32, #tpu.memory_space<vmem>> -> memref<16x768xf32, #tpu.memory_space<vmem>>
    %dma_start3A_7 = arith.constant 0 : i32
    %dma_start3A_8 = tpu.memref_slice %arg7[%dma_start3A_7] : memref<256xi32, #tpu.memory_space<vmem>> -> memref<16xi32, #tpu.memory_space<vmem>>
    %dma_start3A_9 = arith.constant 0 : i32
    %dma_start3A_10 = arith.constant 0 : i32
    %dma_start3A_11 = tpu.memref_slice %arg4[%dma_start3A_9, %dma_start3A_10] : memref<30522x768xf32, #tpu.memory_space<hbm>> -> memref<30522x768xf32, #tpu.memory_space<hbm>>
    tpu.enqueue_indirect_dma source(%dma_start3A_11 : memref<30522x768xf32, #tpu.memory_space<hbm>>) target(%dma_start3A_6 : memref<16x768xf32, #tpu.memory_space<vmem>>) offsets(%dma_start3A_8 : memref<16xi32, #tpu.memory_space<vmem>>) semaphore(%arg12 : memref<!tpu.dma_semaphore, #tpu.memory_space<semaphore_mem>>)
    %dma_start3A_12 = arith.constant 0 : i32
    %dma_start3A_13 = arith.constant 0 : i32
    %dma_start3A_14 = arith.constant 0 : i32
    %dma_start3A_15 = tpu.memref_slice %arg10[%dma_start3A_12, %dma_start3A_13, %dma_start3A_14] : memref<2x16x768xf32, #tpu.memory_space<vmem>> -> memref<1x16x768xf32, #tpu.memory_space<vmem>>
    %dma_start3A_16 = tpu.memref_squeeze %dma_start3A_15 : memref<1x16x768xf32, #tpu.memory_space<vmem>> -> memref<16x768xf32, #tpu.memory_space<vmem>>
    %dma_start3A_17 = arith.constant 0 : i32
    %dma_start3A_18 = tpu.memref_slice %arg8[%dma_start3A_17] : memref<256xi32, #tpu.memory_space<vmem>> -> memref<16xi32, #tpu.memory_space<vmem>>
    %dma_start3A_19 = arith.constant 0 : i32
    %dma_start3A_20 = arith.constant 0 : i32
    %dma_start3A_21 = tpu.memref_slice %arg5[%dma_start3A_19, %dma_start3A_20] : memref<2048x768xf32, #tpu.memory_space<hbm>> -> memref<2048x768xf32, #tpu.memory_space<hbm>>
    tpu.enqueue_indirect_dma source(%dma_start3A_21 : memref<2048x768xf32, #tpu.memory_space<hbm>>) target(%dma_start3A_16 : memref<16x768xf32, #tpu.memory_space<vmem>>) offsets(%dma_start3A_18 : memref<16xi32, #tpu.memory_space<vmem>>) semaphore(%arg12 : memref<!tpu.dma_semaphore, #tpu.memory_space<semaphore_mem>>)
    %scan3A = arith.constant 0 : i32
    %scan3A_22 = arith.constant 8 : i32
    %scan3A_23 = arith.addi %scan3A, %scan3A_22 : i32
    %scan3A_24 = arith.constant 1 : i32
    scf.for %scan3A_55 = %scan3A to %scan3A_23 step %scan3A_24  : i32 {
      %mul3A_56 = arith.constant 2 : i32
      %mul3A_57 = arith.muli %scan3A_55, %mul3A_56 : i32
      %add3A_58 = arith.constant 0 : i32
      %add3A_59 = arith.addi %add3A_58, %mul3A_57 : i32
      %add3A_60 = arith.constant 0 : i32
      %add3A_61 = arith.addi %add3A_59, %add3A_60 : i32
      %add3A_62 = arith.constant 1 : i32
      %add3A_63 = arith.addi %add3A_61, %add3A_62 : i32
      %mul3A_64 = arith.constant 16 : i32
      %mul3A_65 = arith.muli %add3A_63, %mul3A_64 : i32
      %dma_start3A_66 = arith.constant 1 : i32
      %dma_start3A_67 = arith.constant 0 : i32
      %dma_start3A_68 = arith.constant 0 : i32
      %dma_start3A_69 = tpu.memref_slice %arg9[%dma_start3A_66, %dma_start3A_67, %dma_start3A_68] : memref<2x16x768xf32, #tpu.memory_space<vmem>> -> memref<1x16x768xf32, #tpu.memory_space<vmem>>
      %dma_start3A_70 = tpu.memref_squeeze %dma_start3A_69 : memref<1x16x768xf32, #tpu.memory_space<vmem>> -> memref<16x768xf32, #tpu.memory_space<vmem>>
      %dma_start3A_71 = tpu.memref_slice %arg7[%mul3A_65] : memref<256xi32, #tpu.memory_space<vmem>> -> memref<16xi32, #tpu.memory_space<vmem>>
      %dma_start3A_72 = arith.constant 0 : i32
      %dma_start3A_73 = arith.constant 0 : i32
      %dma_start3A_74 = tpu.memref_slice %arg4[%dma_start3A_72, %dma_start3A_73] : memref<30522x768xf32, #tpu.memory_space<hbm>> -> memref<30522x768xf32, #tpu.memory_space<hbm>>
      tpu.enqueue_indirect_dma source(%dma_start3A_74 : memref<30522x768xf32, #tpu.memory_space<hbm>>) target(%dma_start3A_70 : memref<16x768xf32, #tpu.memory_space<vmem>>) offsets(%dma_start3A_71 : memref<16xi32, #tpu.memory_space<vmem>>) semaphore(%arg13 : memref<!tpu.dma_semaphore, #tpu.memory_space<semaphore_mem>>)
      %mul3A_75 = arith.constant 16 : i32
      %mul3A_76 = arith.muli %add3A_63, %mul3A_75 : i32
      %dma_start3A_77 = arith.constant 1 : i32
      %dma_start3A_78 = arith.constant 0 : i32
      %dma_start3A_79 = arith.constant 0 : i32
      %dma_start3A_80 = tpu.memref_slice %arg10[%dma_start3A_77, %dma_start3A_78, %dma_start3A_79] : memref<2x16x768xf32, #tpu.memory_space<vmem>> -> memref<1x16x768xf32, #tpu.memory_space<vmem>>
      %dma_start3A_81 = tpu.memref_squeeze %dma_start3A_80 : memref<1x16x768xf32, #tpu.memory_space<vmem>> -> memref<16x768xf32, #tpu.memory_space<vmem>>
      %dma_start3A_82 = tpu.memref_slice %arg8[%mul3A_76] : memref<256xi32, #tpu.memory_space<vmem>> -> memref<16xi32, #tpu.memory_space<vmem>>
      %dma_start3A_83 = arith.constant 0 : i32
      %dma_start3A_84 = arith.constant 0 : i32
      %dma_start3A_85 = tpu.memref_slice %arg5[%dma_start3A_83, %dma_start3A_84] : memref<2048x768xf32, #tpu.memory_space<hbm>> -> memref<2048x768xf32, #tpu.memory_space<hbm>>
      tpu.enqueue_indirect_dma source(%dma_start3A_85 : memref<2048x768xf32, #tpu.memory_space<hbm>>) target(%dma_start3A_81 : memref<16x768xf32, #tpu.memory_space<vmem>>) offsets(%dma_start3A_82 : memref<16xi32, #tpu.memory_space<vmem>>) semaphore(%arg13 : memref<!tpu.dma_semaphore, #tpu.memory_space<semaphore_mem>>)
      %dma_wait3A_86 = arith.constant 0 : i32
      %dma_wait3A_87 = arith.constant 0 : i32
      %dma_wait3A_88 = arith.constant 0 : i32
      %dma_wait3A_89 = tpu.memref_slice %arg9[%dma_wait3A_86, %dma_wait3A_87, %dma_wait3A_88] : memref<2x16x768xf32, #tpu.memory_space<vmem>> -> memref<1x16x768xf32, #tpu.memory_space<vmem>>
      %dma_wait3A_90 = tpu.memref_squeeze %dma_wait3A_89 : memref<1x16x768xf32, #tpu.memory_space<vmem>> -> memref<16x768xf32, #tpu.memory_space<vmem>>
      %dma_wait3A_91 = arith.constant 0 : i32
      %dma_wait3A_92 = tpu.memref_slice %arg7[%dma_wait3A_91] : memref<256xi32, #tpu.memory_space<vmem>> -> memref<16xi32, #tpu.memory_space<vmem>>
      %dma_wait3A_93 = arith.constant 0 : i32
      %dma_wait3A_94 = arith.constant 0 : i32
      %dma_wait3A_95 = tpu.memref_slice %arg4[%dma_wait3A_93, %dma_wait3A_94] : memref<30522x768xf32, #tpu.memory_space<hbm>> -> memref<30522x768xf32, #tpu.memory_space<hbm>>
      tpu.wait_indirect_dma semaphore(%arg12 : memref<!tpu.dma_semaphore, #tpu.memory_space<semaphore_mem>>) src(%dma_wait3A_95 : memref<30522x768xf32, #tpu.memory_space<hbm>>) dst(%dma_wait3A_90 : memref<16x768xf32, #tpu.memory_space<vmem>>)
      %dma_wait3A_96 = arith.constant 0 : i32
      %dma_wait3A_97 = arith.constant 0 : i32
      %dma_wait3A_98 = arith.constant 0 : i32
      %dma_wait3A_99 = tpu.memref_slice %arg10[%dma_wait3A_96, %dma_wait3A_97, %dma_wait3A_98] : memref<2x16x768xf32, #tpu.memory_space<vmem>> -> memref<1x16x768xf32, #tpu.memory_space<vmem>>
      %dma_wait3A_100 = tpu.memref_squeeze %dma_wait3A_99 : memref<1x16x768xf32, #tpu.memory_space<vmem>> -> memref<16x768xf32, #tpu.memory_space<vmem>>
      %dma_wait3A_101 = arith.constant 0 : i32
      %dma_wait3A_102 = tpu.memref_slice %arg8[%dma_wait3A_101] : memref<256xi32, #tpu.memory_space<vmem>> -> memref<16xi32, #tpu.memory_space<vmem>>
      %dma_wait3A_103 = arith.constant 0 : i32
      %dma_wait3A_104 = arith.constant 0 : i32
      %dma_wait3A_105 = tpu.memref_slice %arg5[%dma_wait3A_103, %dma_wait3A_104] : memref<2048x768xf32, #tpu.memory_space<hbm>> -> memref<2048x768xf32, #tpu.memory_space<hbm>>
      tpu.wait_indirect_dma semaphore(%arg12 : memref<!tpu.dma_semaphore, #tpu.memory_space<semaphore_mem>>) src(%dma_wait3A_105 : memref<2048x768xf32, #tpu.memory_space<hbm>>) dst(%dma_wait3A_100 : memref<16x768xf32, #tpu.memory_space<vmem>>)
      %ge3A = arith.constant 2 : i32
      %ge3A_106 = arith.cmpi sge, %add3A_59, %ge3A : i32
      %convert_element_type3A = arith.extui %ge3A_106 : i1 to i32
      %cond3A = arith.constant 0 : i32
      %cond3A_107 = arith.cmpi ne, %convert_element_type3A, %cond3A : i32
      scf.if %cond3A_107 {
        %dma_wait3A_176 = arith.constant 0 : i32
        %dma_wait3A_177 = arith.constant 0 : i32
        %dma_wait3A_178 = arith.constant 0 : i32
        %dma_wait3A_179 = tpu.memref_slice %arg11[%dma_wait3A_176, %dma_wait3A_177, %dma_wait3A_178] : memref<2x16x768xf32, #tpu.memory_space<vmem>> -> memref<1x16x768xf32, #tpu.memory_space<vmem>>
        %dma_wait3A_180 = tpu.memref_squeeze %dma_wait3A_179 : memref<1x16x768xf32, #tpu.memory_space<vmem>> -> memref<16x768xf32, #tpu.memory_space<vmem>>
        %dma_wait3A_181 = arith.constant 0 : i32
        %dma_wait3A_182 = arith.constant 0 : i32
        %dma_wait3A_183 = tpu.memref_slice %arg6[%dma_wait3A_181, %dma_wait3A_182] : memref<8192x768xf32, #tpu.memory_space<hbm>> -> memref<16x768xf32, #tpu.memory_space<hbm>>
        %dma_wait3A_184 = arith.constant 0 : i32
        %dma_wait3A_185 = arith.constant 0 : i32
        %dma_wait3A_186 = tpu.memref_slice %arg6[%dma_wait3A_184, %dma_wait3A_185] : memref<8192x768xf32, #tpu.memory_space<hbm>> -> memref<16x768xf32, #tpu.memory_space<hbm>>
        %dma_wait3A_187 = arith.constant 0 : i32
        %dma_wait3A_188 = arith.constant 0 : i32
        %dma_wait3A_189 = tpu.memref_slice %arg11[%dma_wait3A_176, %dma_wait3A_187, %dma_wait3A_188] : memref<2x16x768xf32, #tpu.memory_space<vmem>> -> memref<1x16x768xf32, #tpu.memory_space<vmem>>
        %dma_wait3A_190 = tpu.memref_squeeze %dma_wait3A_189 : memref<1x16x768xf32, #tpu.memory_space<vmem>> -> memref<16x768xf32, #tpu.memory_space<vmem>>
        tpu.wait_dma2 semaphore(%arg14 : memref<!tpu.dma_semaphore, #tpu.memory_space<semaphore_mem>>) src(%dma_wait3A_190 : memref<16x768xf32, #tpu.memory_space<vmem>>) dst(%dma_wait3A_186 : memref<16x768xf32, #tpu.memory_space<hbm>>)
      } else {
      }
      %parallel_loop3A = arith.constant 0 : i32
      %parallel_loop3A_108 = arith.constant 16 : i32
      %parallel_loop3A_109 = arith.constant 1 : i32
      scf.for %parallel_loop3A_176 = %parallel_loop3A to %parallel_loop3A_108 step %parallel_loop3A_109  : i32 {
        %parallel_loop3A_177 = arith.constant 0 : i32
        %parallel_loop3A_178 = arith.index_cast %parallel_loop3A_177 : i32 to index
        %parallel_loop3A_179 = arith.index_cast %parallel_loop3A_176 : i32 to index
        %parallel_loop3A_180 = arith.constant 0 : index
        %parallel_loop3A_181 = tpu.vector_load %arg9[%parallel_loop3A_178, %parallel_loop3A_179, %parallel_loop3A_180] {strides = array<i32>} : memref<2x16x768xf32, #tpu.memory_space<vmem>>, vector<16xf32>,
        %parallel_loop3A_182 = arith.constant 0 : i32
        %parallel_loop3A_183 = arith.index_cast %parallel_loop3A_182 : i32 to index
        %parallel_loop3A_184 = arith.index_cast %parallel_loop3A_176 : i32 to index
        %parallel_loop3A_185 = arith.constant 0 : index
        %parallel_loop3A_186 = tpu.vector_load %arg10[%parallel_loop3A_183, %parallel_loop3A_184, %parallel_loop3A_185] {strides = array<i32>} : memref<2x16x768xf32, #tpu.memory_space<vmem>>, vector<16xf32>,
        %parallel_loop3A_187 = arith.addf %parallel_loop3A_181, %parallel_loop3A_186 : vector<16xf32>
        %parallel_loop3A_188 = arith.constant 0 : i32
        %parallel_loop3A_189 = arith.index_cast %parallel_loop3A_188 : i32 to index
        %parallel_loop3A_190 = arith.index_cast %parallel_loop3A_176 : i32 to index
        %parallel_loop3A_191 = arith.constant 0 : index
        %parallel_loop3A_192 = tpu.vector_load %arg11[%parallel_loop3A_189, %parallel_loop3A_190, %parallel_loop3A_191] {strides = array<i32>} : memref<2x16x768xf32, #tpu.memory_space<vmem>>, vector<16xf32>,
        tpu.vector_store %arg11[%parallel_loop3A_189, %parallel_loop3A_190, %parallel_loop3A_191], %parallel_loop3A_187 {strides = array<i32>} : memref<2x16x768xf32, #tpu.memory_space<vmem>>, vector<16xf32>,
        %parallel_loop3A_193 = arith.constant 0 : i32
        %parallel_loop3A_194 = arith.index_cast %parallel_loop3A_193 : i32 to index
        %parallel_loop3A_195 = arith.index_cast %parallel_loop3A_176 : i32 to index
        %parallel_loop3A_196 = arith.constant 16 : index
        %parallel_loop3A_197 = tpu.vector_load %arg9[%parallel_loop3A_194, %parallel_loop3A_195, %parallel_loop3A_196] {strides = array<i32>} : memref<2x16x768xf32, #tpu.memory_space<vmem>>, vector<16xf32>,
        %parallel_loop3A_198 = arith.constant 0 : i32
        %parallel_loop3A_199 = arith.index_cast %parallel_loop3A_198 : i32 to index
        %parallel_loop3A_200 = arith.index_cast %parallel_loop3A_176 : i32 to index
        %parallel_loop3A_201 = arith.constant 16 : index
        %parallel_loop3A_202 = tpu.vector_load %arg10[%parallel_loop3A_199, %parallel_loop3A_200, %parallel_loop3A_201] {strides = array<i32>} : memref<2x16x768xf32, #tpu.memory_space<vmem>>, vector<16xf32>,
        %parallel_loop3A_203 = arith.addf %parallel_loop3A_197, %parallel_loop3A_202 : vector<16xf32>
        %parallel_loop3A_204 = arith.constant 0 : i32
        %parallel_loop3A_205 = arith.index_cast %parallel_loop3A_204 : i32 to index
        %parallel_loop3A_206 = arith.index_cast %parallel_loop3A_176 : i32 to index
        %parallel_loop3A_207 = arith.constant 16 : index
        %parallel_loop3A_208 = tpu.vector_load %arg11[%parallel_loop3A_205, %parallel_loop3A_206, %parallel_loop3A_207] {strides = array<i32>} : memref<2x16x768xf32, #tpu.memory_space<vmem>>, vector<16xf32>,
        tpu.vector_store %arg11[%parallel_loop3A_205, %parallel_loop3A_206, %parallel_loop3A_207], %parallel_loop3A_203 {strides = array<i32>} : memref<2x16x768xf32, #tpu.memory_space<vmem>>, vector<16xf32>,
        %parallel_loop3A_209 = arith.constant 0 : i32
        %parallel_loop3A_210 = arith.index_cast %parallel_loop3A_209 : i32 to index
        %parallel_loop3A_211 = arith.index_cast %parallel_loop3A_176 : i32 to index
        %parallel_loop3A_212 = arith.constant 32 : index
        %parallel_loop3A_213 = tpu.vector_load %arg9[%parallel_loop3A_210, %parallel_loop3A_211, %parallel_loop3A_212] {strides = array<i32>} : memref<2x16x768xf32, #tpu.memory_space<vmem>>, vector<16xf32>,
        %parallel_loop3A_214 = arith.constant 0 : i32
        %parallel_loop3A_215 = arith.index_cast %parallel_loop3A_214 : i32 to index
        %parallel_loop3A_216 = arith.index_cast %parallel_loop3A_176 : i32 to index
        %parallel_loop3A_217 = arith.constant 32 : index
        %parallel_loop3A_218 = tpu.vector_load %arg10[%parallel_loop3A_215, %parallel_loop3A_216, %parallel_loop3A_217] {strides = array<i32>} : memref<2x16x768xf32, #tpu.memory_space<vmem>>, vector<16xf32>,
        %parallel_loop3A_219 = arith.addf %parallel_loop3A_213, %parallel_loop3A_218 : vector<16xf32>
        %parallel_loop3A_220 = arith.constant 0 : i32
        %parallel_loop3A_221 = arith.index_cast %parallel_loop3A_220 : i32 to index
        %parallel_loop3A_222 = arith.index_cast %parallel_loop3A_176 : i32 to index
        %parallel_loop3A_223 = arith.constant 32 : index
        %parallel_loop3A_224 = tpu.vector_load %arg11[%parallel_loop3A_221, %parallel_loop3A_222, %parallel_loop3A_223] {strides = array<i32>} : memref<2x16x768xf32, #tpu.memory_space<vmem>>, vector<16xf32>,
        tpu.vector_store %arg11[%parallel_loop3A_221, %parallel_loop3A_222, %parallel_loop3A_223], %parallel_loop3A_219 {strides = array<i32>} : memref<2x16x768xf32, #tpu.memory_space<vmem>>, vector<16xf32>,
        %parallel_loop3A_225 = arith.constant 0 : i32
        %parallel_loop3A_226 = arith.index_cast %parallel_loop3A_225 : i32 to index
        %parallel_loop3A_227 = arith.index_cast %parallel_loop3A_176 : i32 to index
        %parallel_loop3A_228 = arith.constant 48 : index
        %parallel_loop3A_229 = tpu.vector_load %arg9[%parallel_loop3A_226, %parallel_loop3A_227, %parallel_loop3A_228] {strides = array<i32>} : memref<2x16x768xf32, #tpu.memory_space<vmem>>, vector<16xf32>,
        %parallel_loop3A_230 = arith.constant 0 : i32
        %parallel_loop3A_231 = arith.index_cast %parallel_loop3A_230 : i32 to index
        %parallel_loop3A_232 = arith.index_cast %parallel_loop3A_176 : i32 to index
        %parallel_loop3A_233 = arith.constant 48 : index
        %parallel_loop3A_234 = tpu.vector_load %arg10[%parallel_loop3A_231, %parallel_loop3A_232, %parallel_loop3A_233] {strides = array<i32>} : memref<2x16x768xf32, #tpu.memory_space<vmem>>, vector<16xf32>,
        %parallel_loop3A_235 = arith.addf %parallel_loop3A_229, %parallel_loop3A_234 : vector<16xf32>
        %parallel_loop3A_236 = arith.constant 0 : i32
        %parallel_loop3A_237 = arith.index_cast %parallel_loop3A_236 : i32 to index
        %parallel_loop3A_238 = arith.index_cast %parallel_loop3A_176 : i32 to index
        %parallel_loop3A_239 = arith.constant 48 : index
        %parallel_loop3A_240 = tpu.vector_load %arg11[%parallel_loop3A_237, %parallel_loop3A_238, %parallel_loop3A_239] {strides = array<i32>} : memref<2x16x768xf32, #tpu.memory_space<vmem>>, vector<16xf32>,
        tpu.vector_store %arg11[%parallel_loop3A_237, %parallel_loop3A_238, %parallel_loop3A_239], %parallel_loop3A_235 {strides = array<i32>} : memref<2x16x768xf32, #tpu.memory_space<vmem>>, vector<16xf32>,
        %parallel_loop3A_241 = arith.constant 0 : i32
        %parallel_loop3A_242 = arith.index_cast %parallel_loop3A_241 : i32 to index
        %parallel_loop3A_243 = arith.index_cast %parallel_loop3A_176 : i32 to index
        %parallel_loop3A_244 = arith.constant 64 : index
        %parallel_loop3A_245 = tpu.vector_load %arg9[%parallel_loop3A_242, %parallel_loop3A_243, %parallel_loop3A_244] {strides = array<i32>} : memref<2x16x768xf32, #tpu.memory_space<vmem>>, vector<16xf32>,
        %parallel_loop3A_246 = arith.constant 0 : i32
        %parallel_loop3A_247 = arith.index_cast %parallel_loop3A_246 : i32 to index
        %parallel_loop3A_248 = arith.index_cast %parallel_loop3A_176 : i32 to index
        %parallel_loop3A_249 = arith.constant 64 : index
        %parallel_loop3A_250 = tpu.vector_load %arg10[%parallel_loop3A_247, %parallel_loop3A_248, %parallel_loop3A_249] {strides = array<i32>} : memref<2x16x768xf32, #tpu.memory_space<vmem>>, vector<16xf32>,
        %parallel_loop3A_251 = arith.addf %parallel_loop3A_245, %parallel_loop3A_250 : vector<16xf32>
        %parallel_loop3A_252 = arith.constant 0 : i32
        %parallel_loop3A_253 = arith.index_cast %parallel_loop3A_252 : i32 to index
        %parallel_loop3A_254 = arith.index_cast %parallel_loop3A_176 : i32 to index
        %parallel_loop3A_255 = arith.constant 64 : index
        %parallel_loop3A_256 = tpu.vector_load %arg11[%parallel_loop3A_253, %parallel_loop3A_254, %parallel_loop3A_255] {strides = array<i32>} : memref<2x16x768xf32, #tpu.memory_space<vmem>>, vector<16xf32>,
        tpu.vector_store %arg11[%parallel_loop3A_253, %parallel_loop3A_254, %parallel_loop3A_255], %parallel_loop3A_251 {strides = array<i32>} : memref<2x16x768xf32, #tpu.memory_space<vmem>>, vector<16xf32>,
        %parallel_loop3A_257 = arith.constant 0 : i32
        %parallel_loop3A_258 = arith.index_cast %parallel_loop3A_257 : i32 to index
        %parallel_loop3A_259 = arith.index_cast %parallel_loop3A_176 : i32 to index
        %parallel_loop3A_260 = arith.constant 80 : index
        %parallel_loop3A_261 = tpu.vector_load %arg9[%parallel_loop3A_258, %parallel_loop3A_259, %parallel_loop3A_260] {strides = array<i32>} : memref<2x16x768xf32, #tpu.memory_space<vmem>>, vector<16xf32>,
        %parallel_loop3A_262 = arith.constant 0 : i32
        %parallel_loop3A_263 = arith.index_cast %parallel_loop3A_262 : i32 to index
        %parallel_loop3A_264 = arith.index_cast %parallel_loop3A_176 : i32 to index
        %parallel_loop3A_265 = arith.constant 80 : index
        %parallel_loop3A_266 = tpu.vector_load %arg10[%parallel_loop3A_263, %parallel_loop3A_264, %parallel_loop3A_265] {strides = array<i32>} : memref<2x16x768xf32, #tpu.memory_space<vmem>>, vector<16xf32>,
        %parallel_loop3A_267 = arith.addf %parallel_loop3A_261, %parallel_loop3A_266 : vector<16xf32>
        %parallel_loop3A_268 = arith.constant 0 : i32
        %parallel_loop3A_269 = arith.index_cast %parallel_loop3A_268 : i32 to index
        %parallel_loop3A_270 = arith.index_cast %parallel_loop3A_176 : i32 to index
        %parallel_loop3A_271 = arith.constant 80 : index
        %parallel_loop3A_272 = tpu.vector_load %arg11[%parallel_loop3A_269, %parallel_loop3A_270, %parallel_loop3A_271] {strides = array<i32>} : memref<2x16x768xf32, #tpu.memory_space<vmem>>, vector<16xf32>,
        tpu.vector_store %arg11[%parallel_loop3A_269, %parallel_loop3A_270, %parallel_loop3A_271], %parallel_loop3A_267 {strides = array<i32>} : memref<2x16x768xf32, #tpu.memory_space<vmem>>, vector<16xf32>,
        %parallel_loop3A_273 = arith.constant 0 : i32
        %parallel_loop3A_274 = arith.index_cast %parallel_loop3A_273 : i32 to index
        %parallel_loop3A_275 = arith.index_cast %parallel_loop3A_176 : i32 to index
        %parallel_loop3A_276 = arith.constant 96 : index
        %parallel_loop3A_277 = tpu.vector_load %arg9[%parallel_loop3A_274, %parallel_loop3A_275, %parallel_loop3A_276] {strides = array<i32>} : memref<2x16x768xf32, #tpu.memory_space<vmem>>, vector<16xf32>,
        %parallel_loop3A_278 = arith.constant 0 : i32
        %parallel_loop3A_279 = arith.index_cast %parallel_loop3A_278 : i32 to index
        %parallel_loop3A_280 = arith.index_cast %parallel_loop3A_176 : i32 to index
        %parallel_loop3A_281 = arith.constant 96 : index
        %parallel_loop3A_282 = tpu.vector_load %arg10[%parallel_loop3A_279, %parallel_loop3A_280, %parallel_loop3A_281] {strides = array<i32>} : memref<2x16x768xf32, #tpu.memory_space<vmem>>, vector<16xf32>,
        %parallel_loop3A_283 = arith.addf %parallel_loop3A_277, %parallel_loop3A_282 : vector<16xf32>
        %parallel_loop3A_284 = arith.constant 0 : i32
        %parallel_loop3A_285 = arith.index_cast %parallel_loop3A_284 : i32 to index
        %parallel_loop3A_286 = arith.index_cast %parallel_loop3A_176 : i32 to index
        %parallel_loop3A_287 = arith.constant 96 : index
        %parallel_loop3A_288 = tpu.vector_load %arg11[%parallel_loop3A_285, %parallel_loop3A_286, %parallel_loop3A_287] {strides = array<i32>} : memref<2x16x768xf32, #tpu.memory_space<vmem>>, vector<16xf32>,
        tpu.vector_store %arg11[%parallel_loop3A_285, %parallel_loop3A_286, %parallel_loop3A_287], %parallel_loop3A_283 {strides = array<i32>} : memref<2x16x768xf32, #tpu.memory_space<vmem>>, vector<16xf32>,
        %parallel_loop3A_289 = arith.constant 0 : i32
        %parallel_loop3A_290 = arith.index_cast %parallel_loop3A_289 : i32 to index
        %parallel_loop3A_291 = arith.index_cast %parallel_loop3A_176 : i32 to index
        %parallel_loop3A_292 = arith.constant 112 : index
        %parallel_loop3A_293 = tpu.vector_load %arg9[%parallel_loop3A_290, %parallel_loop3A_291, %parallel_loop3A_292] {strides = array<i32>} : memref<2x16x768xf32, #tpu.memory_space<vmem>>, vector<16xf32>,
        %parallel_loop3A_294 = arith.constant 0 : i32
        %parallel_loop3A_295 = arith.index_cast %parallel_loop3A_294 : i32 to index
        %parallel_loop3A_296 = arith.index_cast %parallel_loop3A_176 : i32 to index
        %parallel_loop3A_297 = arith.constant 112 : index
        %parallel_loop3A_298 = tpu.vector_load %arg10[%parallel_loop3A_295, %parallel_loop3A_296, %parallel_loop3A_297] {strides = array<i32>} : memref<2x16x768xf32, #tpu.memory_space<vmem>>, vector<16xf32>,
        %parallel_loop3A_299 = arith.addf %parallel_loop3A_293, %parallel_loop3A_298 : vector<16xf32>
        %parallel_loop3A_300 = arith.constant 0 : i32
        %parallel_loop3A_301 = arith.index_cast %parallel_loop3A_300 : i32 to index
        %parallel_loop3A_302 = arith.index_cast %parallel_loop3A_176 : i32 to index
        %parallel_loop3A_303 = arith.constant 112 : index
        %parallel_loop3A_304 = tpu.vector_load %arg11[%parallel_loop3A_301, %parallel_loop3A_302, %parallel_loop3A_303] {strides = array<i32>} : memref<2x16x768xf32, #tpu.memory_space<vmem>>, vector<16xf32>,
        tpu.vector_store %arg11[%parallel_loop3A_301, %parallel_loop3A_302, %parallel_loop3A_303], %parallel_loop3A_299 {strides = array<i32>} : memref<2x16x768xf32, #tpu.memory_space<vmem>>, vector<16xf32>,
        %parallel_loop3A_305 = arith.constant 0 : i32
        %parallel_loop3A_306 = arith.index_cast %parallel_loop3A_305 : i32 to index
        %parallel_loop3A_307 = arith.index_cast %parallel_loop3A_176 : i32 to index
        %parallel_loop3A_308 = arith.constant 128 : index
        %parallel_loop3A_309 = tpu.vector_load %arg9[%parallel_loop3A_306, %parallel_loop3A_307, %parallel_loop3A_308] {strides = array<i32>} : memref<2x16x768xf32, #tpu.memory_space<vmem>>, vector<16xf32>,
        %parallel_loop3A_310 = arith.constant 0 : i32
        %parallel_loop3A_311 = arith.index_cast %parallel_loop3A_310 : i32 to index
        %parallel_loop3A_312 = arith.index_cast %parallel_loop3A_176 : i32 to index
        %parallel_loop3A_313 = arith.constant 128 : index
        %parallel_loop3A_314 = tpu.vector_load %arg10[%parallel_loop3A_311, %parallel_loop3A_312, %parallel_loop3A_313] {strides = array<i32>} : memref<2x16x768xf32, #tpu.memory_space<vmem>>, vector<16xf32>,
        %parallel_loop3A_315 = arith.addf %parallel_loop3A_309, %parallel_loop3A_314 : vector<16xf32>
        %parallel_loop3A_316 = arith.constant 0 : i32
        %parallel_loop3A_317 = arith.index_cast %parallel_loop3A_316 : i32 to index
        %parallel_loop3A_318 = arith.index_cast %parallel_loop3A_176 : i32 to index
        %parallel_loop3A_319 = arith.constant 128 : index
        %parallel_loop3A_320 = tpu.vector_load %arg11[%parallel_loop3A_317, %parallel_loop3A_318, %parallel_loop3A_319] {strides = array<i32>} : memref<2x16x768xf32, #tpu.memory_space<vmem>>, vector<16xf32>,
        tpu.vector_store %arg11[%parallel_loop3A_317, %parallel_loop3A_318, %parallel_loop3A_319], %parallel_loop3A_315 {strides = array<i32>} : memref<2x16x768xf32, #tpu.memory_space<vmem>>, vector<16xf32>,
        %parallel_loop3A_321 = arith.constant 0 : i32
        %parallel_loop3A_322 = arith.index_cast %parallel_loop3A_321 : i32 to index
        %parallel_loop3A_323 = arith.index_cast %parallel_loop3A_176 : i32 to index
        %parallel_loop3A_324 = arith.constant 144 : index
        %parallel_loop3A_325 = tpu.vector_load %arg9[%parallel_loop3A_322, %parallel_loop3A_323, %parallel_loop3A_324] {strides = array<i32>} : memref<2x16x768xf32, #tpu.memory_space<vmem>>, vector<16xf32>,
        %parallel_loop3A_326 = arith.constant 0 : i32
        %parallel_loop3A_327 = arith.index_cast %parallel_loop3A_326 : i32 to index
        %parallel_loop3A_328 = arith.index_cast %parallel_loop3A_176 : i32 to index
        %parallel_loop3A_329 = arith.constant 144 : index
        %parallel_loop3A_330 = tpu.vector_load %arg10[%parallel_loop3A_327, %parallel_loop3A_328, %parallel_loop3A_329] {strides = array<i32>} : memref<2x16x768xf32, #tpu.memory_space<vmem>>, vector<16xf32>,
        %parallel_loop3A_331 = arith.addf %parallel_loop3A_325, %parallel_loop3A_330 : vector<16xf32>
        %parallel_loop3A_332 = arith.constant 0 : i32
        %parallel_loop3A_333 = arith.index_cast %parallel_loop3A_332 : i32 to index
        %parallel_loop3A_334 = arith.index_cast %parallel_loop3A_176 : i32 to index
        %parallel_loop3A_335 = arith.constant 144 : index
        %parallel_loop3A_336 = tpu.vector_load %arg11[%parallel_loop3A_333, %parallel_loop3A_334, %parallel_loop3A_335] {strides = array<i32>} : memref<2x16x768xf32, #tpu.memory_space<vmem>>, vector<16xf32>,
        tpu.vector_store %arg11[%parallel_loop3A_333, %parallel_loop3A_334, %parallel_loop3A_335], %parallel_loop3A_331 {strides = array<i32>} : memref<2x16x768xf32, #tpu.memory_space<vmem>>, vector<16xf32>,
        %parallel_loop3A_337 = arith.constant 0 : i32
        %parallel_loop3A_338 = arith.index_cast %parallel_loop3A_337 : i32 to index
        %parallel_loop3A_339 = arith.index_cast %parallel_loop3A_176 : i32 to index
        %parallel_loop3A_340 = arith.constant 160 : index
        %parallel_loop3A_341 = tpu.vector_load %arg9[%parallel_loop3A_338, %parallel_loop3A_339, %parallel_loop3A_340] {strides = array<i32>} : memref<2x16x768xf32, #tpu.memory_space<vmem>>, vector<16xf32>,
        %parallel_loop3A_342 = arith.constant 0 : i32
        %parallel_loop3A_343 = arith.index_cast %parallel_loop3A_342 : i32 to index
        %parallel_loop3A_344 = arith.index_cast %parallel_loop3A_176 : i32 to index
        %parallel_loop3A_345 = arith.constant 160 : index
        %parallel_loop3A_346 = tpu.vector_load %arg10[%parallel_loop3A_343, %parallel_loop3A_344, %parallel_loop3A_345] {strides = array<i32>} : memref<2x16x768xf32, #tpu.memory_space<vmem>>, vector<16xf32>,
        %parallel_loop3A_347 = arith.addf %parallel_loop3A_341, %parallel_loop3A_346 : vector<16xf32>
        %parallel_loop3A_348 = arith.constant 0 : i32
        %parallel_loop3A_349 = arith.index_cast %parallel_loop3A_348 : i32 to index
        %parallel_loop3A_350 = arith.index_cast %parallel_loop3A_176 : i32 to index
        %parallel_loop3A_351 = arith.constant 160 : index
        %parallel_loop3A_352 = tpu.vector_load %arg11[%parallel_loop3A_349, %parallel_loop3A_350, %parallel_loop3A_351] {strides = array<i32>} : memref<2x16x768xf32, #tpu.memory_space<vmem>>, vector<16xf32>,
        tpu.vector_store %arg11[%parallel_loop3A_349, %parallel_loop3A_350, %parallel_loop3A_351], %parallel_loop3A_347 {strides = array<i32>} : memref<2x16x768xf32, #tpu.memory_space<vmem>>, vector<16xf32>,
        %parallel_loop3A_353 = arith.constant 0 : i32
        %parallel_loop3A_354 = arith.index_cast %parallel_loop3A_353 : i32 to index
        %parallel_loop3A_355 = arith.index_cast %parallel_loop3A_176 : i32 to index
        %parallel_loop3A_356 = arith.constant 176 : index
        %parallel_loop3A_357 = tpu.vector_load %arg9[%parallel_loop3A_354, %parallel_loop3A_355, %parallel_loop3A_356] {strides = array<i32>} : memref<2x16x768xf32, #tpu.memory_space<vmem>>, vector<16xf32>,
        %parallel_loop3A_358 = arith.constant 0 : i32
        %parallel_loop3A_359 = arith.index_cast %parallel_loop3A_358 : i32 to index
        %parallel_loop3A_360 = arith.index_cast %parallel_loop3A_176 : i32 to index
        %parallel_loop3A_361 = arith.constant 176 : index
        %parallel_loop3A_362 = tpu.vector_load %arg10[%parallel_loop3A_359, %parallel_loop3A_360, %parallel_loop3A_361] {strides = array<i32>} : memref<2x16x768xf32, #tpu.memory_space<vmem>>, vector<16xf32>,
        %parallel_loop3A_363 = arith.addf %parallel_loop3A_357, %parallel_loop3A_362 : vector<16xf32>
        %parallel_loop3A_364 = arith.constant 0 : i32
        %parallel_loop3A_365 = arith.index_cast %parallel_loop3A_364 : i32 to index
        %parallel_loop3A_366 = arith.index_cast %parallel_loop3A_176 : i32 to index
        %parallel_loop3A_367 = arith.constant 176 : index
        %parallel_loop3A_368 = tpu.vector_load %arg11[%parallel_loop3A_365, %parallel_loop3A_366, %parallel_loop3A_367] {strides = array<i32>} : memref<2x16x768xf32, #tpu.memory_space<vmem>>, vector<16xf32>,
        tpu.vector_store %arg11[%parallel_loop3A_365, %parallel_loop3A_366, %parallel_loop3A_367], %parallel_loop3A_363 {strides = array<i32>} : memref<2x16x768xf32, #tpu.memory_space<vmem>>, vector<16xf32>,
        %parallel_loop3A_369 = arith.constant 0 : i32
        %parallel_loop3A_370 = arith.index_cast %parallel_loop3A_369 : i32 to index
        %parallel_loop3A_371 = arith.index_cast %parallel_loop3A_176 : i32 to index
        %parallel_loop3A_372 = arith.constant 192 : index
        %parallel_loop3A_373 = tpu.vector_load %arg9[%parallel_loop3A_370, %parallel_loop3A_371, %parallel_loop3A_372] {strides = array<i32>} : memref<2x16x768xf32, #tpu.memory_space<vmem>>, vector<16xf32>,
        %parallel_loop3A_374 = arith.constant 0 : i32
        %parallel_loop3A_375 = arith.index_cast %parallel_loop3A_374 : i32 to index
        %parallel_loop3A_376 = arith.index_cast %parallel_loop3A_176 : i32 to index
        %parallel_loop3A_377 = arith.constant 192 : index
        %parallel_loop3A_378 = tpu.vector_load %arg10[%parallel_loop3A_375, %parallel_loop3A_376, %parallel_loop3A_377] {strides = array<i32>} : memref<2x16x768xf32, #tpu.memory_space<vmem>>, vector<16xf32>,
        %parallel_loop3A_379 = arith.addf %parallel_loop3A_373, %parallel_loop3A_378 : vector<16xf32>
        %parallel_loop3A_380 = arith.constant 0 : i32
        %parallel_loop3A_381 = arith.index_cast %parallel_loop3A_380 : i32 to index
        %parallel_loop3A_382 = arith.index_cast %parallel_loop3A_176 : i32 to index
        %parallel_loop3A_383 = arith.constant 192 : index
        %parallel_loop3A_384 = tpu.vector_load %arg11[%parallel_loop3A_381, %parallel_loop3A_382, %parallel_loop3A_383] {strides = array<i32>} : memref<2x16x768xf32, #tpu.memory_space<vmem>>, vector<16xf32>,
        tpu.vector_store %arg11[%parallel_loop3A_381, %parallel_loop3A_382, %parallel_loop3A_383], %parallel_loop3A_379 {strides = array<i32>} : memref<2x16x768xf32, #tpu.memory_space<vmem>>, vector<16xf32>,
        %parallel_loop3A_385 = arith.constant 0 : i32
        %parallel_loop3A_386 = arith.index_cast %parallel_loop3A_385 : i32 to index
        %parallel_loop3A_387 = arith.index_cast %parallel_loop3A_176 : i32 to index
        %parallel_loop3A_388 = arith.constant 208 : index
        %parallel_loop3A_389 = tpu.vector_load %arg9[%parallel_loop3A_386, %parallel_loop3A_387, %parallel_loop3A_388] {strides = array<i32>} : memref<2x16x768xf32, #tpu.memory_space<vmem>>, vector<16xf32>,
        %parallel_loop3A_390 = arith.constant 0 : i32
        %parallel_loop3A_391 = arith.index_cast %parallel_loop3A_390 : i32 to index
        %parallel_loop3A_392 = arith.index_cast %parallel_loop3A_176 : i32 to index
        %parallel_loop3A_393 = arith.constant 208 : index
        %parallel_loop3A_394 = tpu.vector_load %arg10[%parallel_loop3A_391, %parallel_loop3A_392, %parallel_loop3A_393] {strides = array<i32>} : memref<2x16x768xf32, #tpu.memory_space<vmem>>, vector<16xf32>,
        %parallel_loop3A_395 = arith.addf %parallel_loop3A_389, %parallel_loop3A_394 : vector<16xf32>
        %parallel_loop3A_396 = arith.constant 0 : i32
        %parallel_loop3A_397 = arith.index_cast %parallel_loop3A_396 : i32 to index
        %parallel_loop3A_398 = arith.index_cast %parallel_loop3A_176 : i32 to index
        %parallel_loop3A_399 = arith.constant 208 : index
        %parallel_loop3A_400 = tpu.vector_load %arg11[%parallel_loop3A_397, %parallel_loop3A_398, %parallel_loop3A_399] {strides = array<i32>} : memref<2x16x768xf32, #tpu.memory_space<vmem>>, vector<16xf32>,
        tpu.vector_store %arg11[%parallel_loop3A_397, %parallel_loop3A_398, %parallel_loop3A_399], %parallel_loop3A_395 {strides = array<i32>} : memref<2x16x768xf32, #tpu.memory_space<vmem>>, vector<16xf32>,
        %parallel_loop3A_401 = arith.constant 0 : i32
        %parallel_loop3A_402 = arith.index_cast %parallel_loop3A_401 : i32 to index
        %parallel_loop3A_403 = arith.index_cast %parallel_loop3A_176 : i32 to index
        %parallel_loop3A_404 = arith.constant 224 : index
        %parallel_loop3A_405 = tpu.vector_load %arg9[%parallel_loop3A_402, %parallel_loop3A_403, %parallel_loop3A_404] {strides = array<i32>} : memref<2x16x768xf32, #tpu.memory_space<vmem>>, vector<16xf32>,
        %parallel_loop3A_406 = arith.constant 0 : i32
        %parallel_loop3A_407 = arith.index_cast %parallel_loop3A_406 : i32 to index
        %parallel_loop3A_408 = arith.index_cast %parallel_loop3A_176 : i32 to index
        %parallel_loop3A_409 = arith.constant 224 : index
        %parallel_loop3A_410 = tpu.vector_load %arg10[%parallel_loop3A_407, %parallel_loop3A_408, %parallel_loop3A_409] {strides = array<i32>} : memref<2x16x768xf32, #tpu.memory_space<vmem>>, vector<16xf32>,
        %parallel_loop3A_411 = arith.addf %parallel_loop3A_405, %parallel_loop3A_410 : vector<16xf32>
        %parallel_loop3A_412 = arith.constant 0 : i32
        %parallel_loop3A_413 = arith.index_cast %parallel_loop3A_412 : i32 to index
        %parallel_loop3A_414 = arith.index_cast %parallel_loop3A_176 : i32 to index
        %parallel_loop3A_415 = arith.constant 224 : index
        %parallel_loop3A_416 = tpu.vector_load %arg11[%parallel_loop3A_413, %parallel_loop3A_414, %parallel_loop3A_415] {strides = array<i32>} : memref<2x16x768xf32, #tpu.memory_space<vmem>>, vector<16xf32>,
        tpu.vector_store %arg11[%parallel_loop3A_413, %parallel_loop3A_414, %parallel_loop3A_415], %parallel_loop3A_411 {strides = array<i32>} : memref<2x16x768xf32, #tpu.memory_space<vmem>>, vector<16xf32>,
        %parallel_loop3A_417 = arith.constant 0 : i32
        %parallel_loop3A_418 = arith.index_cast %parallel_loop3A_417 : i32 to index
        %parallel_loop3A_419 = arith.index_cast %parallel_loop3A_176 : i32 to index
        %parallel_loop3A_420 = arith.constant 240 : index
        %parallel_loop3A_421 = tpu.vector_load %arg9[%parallel_loop3A_418, %parallel_loop3A_419, %parallel_loop3A_420] {strides = array<i32>} : memref<2x16x768xf32, #tpu.memory_space<vmem>>, vector<16xf32>,
        %parallel_loop3A_422 = arith.constant 0 : i32
        %parallel_loop3A_423 = arith.index_cast %parallel_loop3A_422 : i32 to index
        %parallel_loop3A_424 = arith.index_cast %parallel_loop3A_176 : i32 to index
        %parallel_loop3A_425 = arith.constant 240 : index
        %parallel_loop3A_426 = tpu.vector_load %arg10[%parallel_loop3A_423, %parallel_loop3A_424, %parallel_loop3A_425] {strides = array<i32>} : memref<2x16x768xf32, #tpu.memory_space<vmem>>, vector<16xf32>,
        %parallel_loop3A_427 = arith.addf %parallel_loop3A_421, %parallel_loop3A_426 : vector<16xf32>
        %parallel_loop3A_428 = arith.constant 0 : i32
        %parallel_loop3A_429 = arith.index_cast %parallel_loop3A_428 : i32 to index
        %parallel_loop3A_430 = arith.index_cast %parallel_loop3A_176 : i32 to index
        %parallel_loop3A_431 = arith.constant 240 : index
        %parallel_loop3A_432 = tpu.vector_load %arg11[%parallel_loop3A_429, %parallel_loop3A_430, %parallel_loop3A_431] {strides = array<i32>} : memref<2x16x768xf32, #tpu.memory_space<vmem>>, vector<16xf32>,
        tpu.vector_store %arg11[%parallel_loop3A_429, %parallel_loop3A_430, %parallel_loop3A_431], %parallel_loop3A_427 {strides = array<i32>} : memref<2x16x768xf32, #tpu.memory_space<vmem>>, vector<16xf32>,
        %parallel_loop3A_433 = arith.constant 0 : i32
        %parallel_loop3A_434 = arith.index_cast %parallel_loop3A_433 : i32 to index
        %parallel_loop3A_435 = arith.index_cast %parallel_loop3A_176 : i32 to index
        %parallel_loop3A_436 = arith.constant 256 : index
        %parallel_loop3A_437 = tpu.vector_load %arg9[%parallel_loop3A_434, %parallel_loop3A_435, %parallel_loop3A_436] {strides = array<i32>} : memref<2x16x768xf32, #tpu.memory_space<vmem>>, vector<16xf32>,
        %parallel_loop3A_438 = arith.constant 0 : i32
        %parallel_loop3A_439 = arith.index_cast %parallel_loop3A_438 : i32 to index
        %parallel_loop3A_440 = arith.index_cast %parallel_loop3A_176 : i32 to index
        %parallel_loop3A_441 = arith.constant 256 : index
        %parallel_loop3A_442 = tpu.vector_load %arg10[%parallel_loop3A_439, %parallel_loop3A_440, %parallel_loop3A_441] {strides = array<i32>} : memref<2x16x768xf32, #tpu.memory_space<vmem>>, vector<16xf32>,
        %parallel_loop3A_443 = arith.addf %parallel_loop3A_437, %parallel_loop3A_442 : vector<16xf32>
        %parallel_loop3A_444 = arith.constant 0 : i32
        %parallel_loop3A_445 = arith.index_cast %parallel_loop3A_444 : i32 to index
        %parallel_loop3A_446 = arith.index_cast %parallel_loop3A_176 : i32 to index
        %parallel_loop3A_447 = arith.constant 256 : index
        %parallel_loop3A_448 = tpu.vector_load %arg11[%parallel_loop3A_445, %parallel_loop3A_446, %parallel_loop3A_447] {strides = array<i32>} : memref<2x16x768xf32, #tpu.memory_space<vmem>>, vector<16xf32>,
        tpu.vector_store %arg11[%parallel_loop3A_445, %parallel_loop3A_446, %parallel_loop3A_447], %parallel_loop3A_443 {strides = array<i32>} : memref<2x16x768xf32, #tpu.memory_space<vmem>>, vector<16xf32>,
        %parallel_loop3A_449 = arith.constant 0 : i32
        %parallel_loop3A_450 = arith.index_cast %parallel_loop3A_449 : i32 to index
        %parallel_loop3A_451 = arith.index_cast %parallel_loop3A_176 : i32 to index
        %parallel_loop3A_452 = arith.constant 272 : index
        %parallel_loop3A_453 = tpu.vector_load %arg9[%parallel_loop3A_450, %parallel_loop3A_451, %parallel_loop3A_452] {strides = array<i32>} : memref<2x16x768xf32, #tpu.memory_space<vmem>>, vector<16xf32>,
        %parallel_loop3A_454 = arith.constant 0 : i32
        %parallel_loop3A_455 = arith.index_cast %parallel_loop3A_454 : i32 to index
        %parallel_loop3A_456 = arith.index_cast %parallel_loop3A_176 : i32 to index
        %parallel_loop3A_457 = arith.constant 272 : index
        %parallel_loop3A_458 = tpu.vector_load %arg10[%parallel_loop3A_455, %parallel_loop3A_456, %parallel_loop3A_457] {strides = array<i32>} : memref<2x16x768xf32, #tpu.memory_space<vmem>>, vector<16xf32>,
        %parallel_loop3A_459 = arith.addf %parallel_loop3A_453, %parallel_loop3A_458 : vector<16xf32>
        %parallel_loop3A_460 = arith.constant 0 : i32
        %parallel_loop3A_461 = arith.index_cast %parallel_loop3A_460 : i32 to index
        %parallel_loop3A_462 = arith.index_cast %parallel_loop3A_176 : i32 to index
        %parallel_loop3A_463 = arith.constant 272 : index
        %parallel_loop3A_464 = tpu.vector_load %arg11[%parallel_loop3A_461, %parallel_loop3A_462, %parallel_loop3A_463] {strides = array<i32>} : memref<2x16x768xf32, #tpu.memory_space<vmem>>, vector<16xf32>,
        tpu.vector_store %arg11[%parallel_loop3A_461, %parallel_loop3A_462, %parallel_loop3A_463], %parallel_loop3A_459 {strides = array<i32>} : memref<2x16x768xf32, #tpu.memory_space<vmem>>, vector<16xf32>,
        %parallel_loop3A_465 = arith.constant 0 : i32
        %parallel_loop3A_466 = arith.index_cast %parallel_loop3A_465 : i32 to index
        %parallel_loop3A_467 = arith.index_cast %parallel_loop3A_176 : i32 to index
        %parallel_loop3A_468 = arith.constant 288 : index
        %parallel_loop3A_469 = tpu.vector_load %arg9[%parallel_loop3A_466, %parallel_loop3A_467, %parallel_loop3A_468] {strides = array<i32>} : memref<2x16x768xf32, #tpu.memory_space<vmem>>, vector<16xf32>,
        %parallel_loop3A_470 = arith.constant 0 : i32
        %parallel_loop3A_471 = arith.index_cast %parallel_loop3A_470 : i32 to index
        %parallel_loop3A_472 = arith.index_cast %parallel_loop3A_176 : i32 to index
        %parallel_loop3A_473 = arith.constant 288 : index
        %parallel_loop3A_474 = tpu.vector_load %arg10[%parallel_loop3A_471, %parallel_loop3A_472, %parallel_loop3A_473] {strides = array<i32>} : memref<2x16x768xf32, #tpu.memory_space<vmem>>, vector<16xf32>,
        %parallel_loop3A_475 = arith.addf %parallel_loop3A_469, %parallel_loop3A_474 : vector<16xf32>
        %parallel_loop3A_476 = arith.constant 0 : i32
        %parallel_loop3A_477 = arith.index_cast %parallel_loop3A_476 : i32 to index
        %parallel_loop3A_478 = arith.index_cast %parallel_loop3A_176 : i32 to index
        %parallel_loop3A_479 = arith.constant 288 : index
        %parallel_loop3A_480 = tpu.vector_load %arg11[%parallel_loop3A_477, %parallel_loop3A_478, %parallel_loop3A_479] {strides = array<i32>} : memref<2x16x768xf32, #tpu.memory_space<vmem>>, vector<16xf32>,
        tpu.vector_store %arg11[%parallel_loop3A_477, %parallel_loop3A_478, %parallel_loop3A_479], %parallel_loop3A_475 {strides = array<i32>} : memref<2x16x768xf32, #tpu.memory_space<vmem>>, vector<16xf32>,
        %parallel_loop3A_481 = arith.constant 0 : i32
        %parallel_loop3A_482 = arith.index_cast %parallel_loop3A_481 : i32 to index
        %parallel_loop3A_483 = arith.index_cast %parallel_loop3A_176 : i32 to index
        %parallel_loop3A_484 = arith.constant 304 : index
        %parallel_loop3A_485 = tpu.vector_load %arg9[%parallel_loop3A_482, %parallel_loop3A_483, %parallel_loop3A_484] {strides = array<i32>} : memref<2x16x768xf32, #tpu.memory_space<vmem>>, vector<16xf32>,
        %parallel_loop3A_486 = arith.constant 0 : i32
        %parallel_loop3A_487 = arith.index_cast %parallel_loop3A_486 : i32 to index
        %parallel_loop3A_488 = arith.index_cast %parallel_loop3A_176 : i32 to index
        %parallel_loop3A_489 = arith.constant 304 : index
        %parallel_loop3A_490 = tpu.vector_load %arg10[%parallel_loop3A_487, %parallel_loop3A_488, %parallel_loop3A_489] {strides = array<i32>} : memref<2x16x768xf32, #tpu.memory_space<vmem>>, vector<16xf32>,
        %parallel_loop3A_491 = arith.addf %parallel_loop3A_485, %parallel_loop3A_490 : vector<16xf32>
        %parallel_loop3A_492 = arith.constant 0 : i32
        %parallel_loop3A_493 = arith.index_cast %parallel_loop3A_492 : i32 to index
        %parallel_loop3A_494 = arith.index_cast %parallel_loop3A_176 : i32 to index
        %parallel_loop3A_495 = arith.constant 304 : index
        %parallel_loop3A_496 = tpu.vector_load %arg11[%parallel_loop3A_493, %parallel_loop3A_494, %parallel_loop3A_495] {strides = array<i32>} : memref<2x16x768xf32, #tpu.memory_space<vmem>>, vector<16xf32>,
        tpu.vector_store %arg11[%parallel_loop3A_493, %parallel_loop3A_494, %parallel_loop3A_495], %parallel_loop3A_491 {strides = array<i32>} : memref<2x16x768xf32, #tpu.memory_space<vmem>>, vector<16xf32>,
        %parallel_loop3A_497 = arith.constant 0 : i32
        %parallel_loop3A_498 = arith.index_cast %parallel_loop3A_497 : i32 to index
        %parallel_loop3A_499 = arith.index_cast %parallel_loop3A_176 : i32 to index
        %parallel_loop3A_500 = arith.constant 320 : index
        %parallel_loop3A_501 = tpu.vector_load %arg9[%parallel_loop3A_498, %parallel_loop3A_499, %parallel_loop3A_500] {strides = array<i32>} : memref<2x16x768xf32, #tpu.memory_space<vmem>>, vector<16xf32>,
        %parallel_loop3A_502 = arith.constant 0 : i32
        %parallel_loop3A_503 = arith.index_cast %parallel_loop3A_502 : i32 to index
        %parallel_loop3A_504 = arith.index_cast %parallel_loop3A_176 : i32 to index
        %parallel_loop3A_505 = arith.constant 320 : index
        %parallel_loop3A_506 = tpu.vector_load %arg10[%parallel_loop3A_503, %parallel_loop3A_504, %parallel_loop3A_505] {strides = array<i32>} : memref<2x16x768xf32, #tpu.memory_space<vmem>>, vector<16xf32>,
        %parallel_loop3A_507 = arith.addf %parallel_loop3A_501, %parallel_loop3A_506 : vector<16xf32>
        %parallel_loop3A_508 = arith.constant 0 : i32
        %parallel_loop3A_509 = arith.index_cast %parallel_loop3A_508 : i32 to index
        %parallel_loop3A_510 = arith.index_cast %parallel_loop3A_176 : i32 to index
        %parallel_loop3A_511 = arith.constant 320 : index
        %parallel_loop3A_512 = tpu.vector_load %arg11[%parallel_loop3A_509, %parallel_loop3A_510, %parallel_loop3A_511] {strides = array<i32>} : memref<2x16x768xf32, #tpu.memory_space<vmem>>, vector<16xf32>,
        tpu.vector_store %arg11[%parallel_loop3A_509, %parallel_loop3A_510, %parallel_loop3A_511], %parallel_loop3A_507 {strides = array<i32>} : memref<2x16x768xf32, #tpu.memory_space<vmem>>, vector<16xf32>,
        %parallel_loop3A_513 = arith.constant 0 : i32
        %parallel_loop3A_514 = arith.index_cast %parallel_loop3A_513 : i32 to index
        %parallel_loop3A_515 = arith.index_cast %parallel_loop3A_176 : i32 to index
        %parallel_loop3A_516 = arith.constant 336 : index
        %parallel_loop3A_517 = tpu.vector_load %arg9[%parallel_loop3A_514, %parallel_loop3A_515, %parallel_loop3A_516] {strides = array<i32>} : memref<2x16x768xf32, #tpu.memory_space<vmem>>, vector<16xf32>,
        %parallel_loop3A_518 = arith.constant 0 : i32
        %parallel_loop3A_519 = arith.index_cast %parallel_loop3A_518 : i32 to index
        %parallel_loop3A_520 = arith.index_cast %parallel_loop3A_176 : i32 to index
        %parallel_loop3A_521 = arith.constant 336 : index
        %parallel_loop3A_522 = tpu.vector_load %arg10[%parallel_loop3A_519, %parallel_loop3A_520, %parallel_loop3A_521] {strides = array<i32>} : memref<2x16x768xf32, #tpu.memory_space<vmem>>, vector<16xf32>,
        %parallel_loop3A_523 = arith.addf %parallel_loop3A_517, %parallel_loop3A_522 : vector<16xf32>
        %parallel_loop3A_524 = arith.constant 0 : i32
        %parallel_loop3A_525 = arith.index_cast %parallel_loop3A_524 : i32 to index
        %parallel_loop3A_526 = arith.index_cast %parallel_loop3A_176 : i32 to index
        %parallel_loop3A_527 = arith.constant 336 : index
        %parallel_loop3A_528 = tpu.vector_load %arg11[%parallel_loop3A_525, %parallel_loop3A_526, %parallel_loop3A_527] {strides = array<i32>} : memref<2x16x768xf32, #tpu.memory_space<vmem>>, vector<16xf32>,
        tpu.vector_store %arg11[%parallel_loop3A_525, %parallel_loop3A_526, %parallel_loop3A_527], %parallel_loop3A_523 {strides = array<i32>} : memref<2x16x768xf32, #tpu.memory_space<vmem>>, vector<16xf32>,
        %parallel_loop3A_529 = arith.constant 0 : i32
        %parallel_loop3A_530 = arith.index_cast %parallel_loop3A_529 : i32 to index
        %parallel_loop3A_531 = arith.index_cast %parallel_loop3A_176 : i32 to index
        %parallel_loop3A_532 = arith.constant 352 : index
        %parallel_loop3A_533 = tpu.vector_load %arg9[%parallel_loop3A_530, %parallel_loop3A_531, %parallel_loop3A_532] {strides = array<i32>} : memref<2x16x768xf32, #tpu.memory_space<vmem>>, vector<16xf32>,
        %parallel_loop3A_534 = arith.constant 0 : i32
        %parallel_loop3A_535 = arith.index_cast %parallel_loop3A_534 : i32 to index
        %parallel_loop3A_536 = arith.index_cast %parallel_loop3A_176 : i32 to index
        %parallel_loop3A_537 = arith.constant 352 : index
        %parallel_loop3A_538 = tpu.vector_load %arg10[%parallel_loop3A_535, %parallel_loop3A_536, %parallel_loop3A_537] {strides = array<i32>} : memref<2x16x768xf32, #tpu.memory_space<vmem>>, vector<16xf32>,
        %parallel_loop3A_539 = arith.addf %parallel_loop3A_533, %parallel_loop3A_538 : vector<16xf32>
        %parallel_loop3A_540 = arith.constant 0 : i32
        %parallel_loop3A_541 = arith.index_cast %parallel_loop3A_540 : i32 to index
        %parallel_loop3A_542 = arith.index_cast %parallel_loop3A_176 : i32 to index
        %parallel_loop3A_543 = arith.constant 352 : index
        %parallel_loop3A_544 = tpu.vector_load %arg11[%parallel_loop3A_541, %parallel_loop3A_542, %parallel_loop3A_543] {strides = array<i32>} : memref<2x16x768xf32, #tpu.memory_space<vmem>>, vector<16xf32>,
        tpu.vector_store %arg11[%parallel_loop3A_541, %parallel_loop3A_542, %parallel_loop3A_543], %parallel_loop3A_539 {strides = array<i32>} : memref<2x16x768xf32, #tpu.memory_space<vmem>>, vector<16xf32>,
        %parallel_loop3A_545 = arith.constant 0 : i32
        %parallel_loop3A_546 = arith.index_cast %parallel_loop3A_545 : i32 to index
        %parallel_loop3A_547 = arith.index_cast %parallel_loop3A_176 : i32 to index
        %parallel_loop3A_548 = arith.constant 368 : index
        %parallel_loop3A_549 = tpu.vector_load %arg9[%parallel_loop3A_546, %parallel_loop3A_547, %parallel_loop3A_548] {strides = array<i32>} : memref<2x16x768xf32, #tpu.memory_space<vmem>>, vector<16xf32>,
        %parallel_loop3A_550 = arith.constant 0 : i32
        %parallel_loop3A_551 = arith.index_cast %parallel_loop3A_550 : i32 to index
        %parallel_loop3A_552 = arith.index_cast %parallel_loop3A_176 : i32 to index
        %parallel_loop3A_553 = arith.constant 368 : index
        %parallel_loop3A_554 = tpu.vector_load %arg10[%parallel_loop3A_551, %parallel_loop3A_552, %parallel_loop3A_553] {strides = array<i32>} : memref<2x16x768xf32, #tpu.memory_space<vmem>>, vector<16xf32>,
        %parallel_loop3A_555 = arith.addf %parallel_loop3A_549, %parallel_loop3A_554 : vector<16xf32>
        %parallel_loop3A_556 = arith.constant 0 : i32
        %parallel_loop3A_557 = arith.index_cast %parallel_loop3A_556 : i32 to index
        %parallel_loop3A_558 = arith.index_cast %parallel_loop3A_176 : i32 to index
        %parallel_loop3A_559 = arith.constant 368 : index
        %parallel_loop3A_560 = tpu.vector_load %arg11[%parallel_loop3A_557, %parallel_loop3A_558, %parallel_loop3A_559] {strides = array<i32>} : memref<2x16x768xf32, #tpu.memory_space<vmem>>, vector<16xf32>,
        tpu.vector_store %arg11[%parallel_loop3A_557, %parallel_loop3A_558, %parallel_loop3A_559], %parallel_loop3A_555 {strides = array<i32>} : memref<2x16x768xf32, #tpu.memory_space<vmem>>, vector<16xf32>,
        %parallel_loop3A_561 = arith.constant 0 : i32
        %parallel_loop3A_562 = arith.index_cast %parallel_loop3A_561 : i32 to index
        %parallel_loop3A_563 = arith.index_cast %parallel_loop3A_176 : i32 to index
        %parallel_loop3A_564 = arith.constant 384 : index
        %parallel_loop3A_565 = tpu.vector_load %arg9[%parallel_loop3A_562, %parallel_loop3A_563, %parallel_loop3A_564] {strides = array<i32>} : memref<2x16x768xf32, #tpu.memory_space<vmem>>, vector<16xf32>,
        %parallel_loop3A_566 = arith.constant 0 : i32
        %parallel_loop3A_567 = arith.index_cast %parallel_loop3A_566 : i32 to index
        %parallel_loop3A_568 = arith.index_cast %parallel_loop3A_176 : i32 to index
        %parallel_loop3A_569 = arith.constant 384 : index
        %parallel_loop3A_570 = tpu.vector_load %arg10[%parallel_loop3A_567, %parallel_loop3A_568, %parallel_loop3A_569] {strides = array<i32>} : memref<2x16x768xf32, #tpu.memory_space<vmem>>, vector<16xf32>,
        %parallel_loop3A_571 = arith.addf %parallel_loop3A_565, %parallel_loop3A_570 : vector<16xf32>
        %parallel_loop3A_572 = arith.constant 0 : i32
        %parallel_loop3A_573 = arith.index_cast %parallel_loop3A_572 : i32 to index
        %parallel_loop3A_574 = arith.index_cast %parallel_loop3A_176 : i32 to index
        %parallel_loop3A_575 = arith.constant 384 : index
        %parallel_loop3A_576 = tpu.vector_load %arg11[%parallel_loop3A_573, %parallel_loop3A_574, %parallel_loop3A_575] {strides = array<i32>} : memref<2x16x768xf32, #tpu.memory_space<vmem>>, vector<16xf32>,
        tpu.vector_store %arg11[%parallel_loop3A_573, %parallel_loop3A_574, %parallel_loop3A_575], %parallel_loop3A_571 {strides = array<i32>} : memref<2x16x768xf32, #tpu.memory_space<vmem>>, vector<16xf32>,
        %parallel_loop3A_577 = arith.constant 0 : i32
        %parallel_loop3A_578 = arith.index_cast %parallel_loop3A_577 : i32 to index
        %parallel_loop3A_579 = arith.index_cast %parallel_loop3A_176 : i32 to index
        %parallel_loop3A_580 = arith.constant 400 : index
        %parallel_loop3A_581 = tpu.vector_load %arg9[%parallel_loop3A_578, %parallel_loop3A_579, %parallel_loop3A_580] {strides = array<i32>} : memref<2x16x768xf32, #tpu.memory_space<vmem>>, vector<16xf32>,
        %parallel_loop3A_582 = arith.constant 0 : i32
        %parallel_loop3A_583 = arith.index_cast %parallel_loop3A_582 : i32 to index
        %parallel_loop3A_584 = arith.index_cast %parallel_loop3A_176 : i32 to index
        %parallel_loop3A_585 = arith.constant 400 : index
        %parallel_loop3A_586 = tpu.vector_load %arg10[%parallel_loop3A_583, %parallel_loop3A_584, %parallel_loop3A_585] {strides = array<i32>} : memref<2x16x768xf32, #tpu.memory_space<vmem>>, vector<16xf32>,
        %parallel_loop3A_587 = arith.addf %parallel_loop3A_581, %parallel_loop3A_586 : vector<16xf32>
        %parallel_loop3A_588 = arith.constant 0 : i32
        %parallel_loop3A_589 = arith.index_cast %parallel_loop3A_588 : i32 to index
        %parallel_loop3A_590 = arith.index_cast %parallel_loop3A_176 : i32 to index
        %parallel_loop3A_591 = arith.constant 400 : index
        %parallel_loop3A_592 = tpu.vector_load %arg11[%parallel_loop3A_589, %parallel_loop3A_590, %parallel_loop3A_591] {strides = array<i32>} : memref<2x16x768xf32, #tpu.memory_space<vmem>>, vector<16xf32>,
        tpu.vector_store %arg11[%parallel_loop3A_589, %parallel_loop3A_590, %parallel_loop3A_591], %parallel_loop3A_587 {strides = array<i32>} : memref<2x16x768xf32, #tpu.memory_space<vmem>>, vector<16xf32>,
        %parallel_loop3A_593 = arith.constant 0 : i32
        %parallel_loop3A_594 = arith.index_cast %parallel_loop3A_593 : i32 to index
        %parallel_loop3A_595 = arith.index_cast %parallel_loop3A_176 : i32 to index
        %parallel_loop3A_596 = arith.constant 416 : index
        %parallel_loop3A_597 = tpu.vector_load %arg9[%parallel_loop3A_594, %parallel_loop3A_595, %parallel_loop3A_596] {strides = array<i32>} : memref<2x16x768xf32, #tpu.memory_space<vmem>>, vector<16xf32>,
        %parallel_loop3A_598 = arith.constant 0 : i32
        %parallel_loop3A_599 = arith.index_cast %parallel_loop3A_598 : i32 to index
        %parallel_loop3A_600 = arith.index_cast %parallel_loop3A_176 : i32 to index
        %parallel_loop3A_601 = arith.constant 416 : index
        %parallel_loop3A_602 = tpu.vector_load %arg10[%parallel_loop3A_599, %parallel_loop3A_600, %parallel_loop3A_601] {strides = array<i32>} : memref<2x16x768xf32, #tpu.memory_space<vmem>>, vector<16xf32>,
        %parallel_loop3A_603 = arith.addf %parallel_loop3A_597, %parallel_loop3A_602 : vector<16xf32>
        %parallel_loop3A_604 = arith.constant 0 : i32
        %parallel_loop3A_605 = arith.index_cast %parallel_loop3A_604 : i32 to index
        %parallel_loop3A_606 = arith.index_cast %parallel_loop3A_176 : i32 to index
        %parallel_loop3A_607 = arith.constant 416 : index
        %parallel_loop3A_608 = tpu.vector_load %arg11[%parallel_loop3A_605, %parallel_loop3A_606, %parallel_loop3A_607] {strides = array<i32>} : memref<2x16x768xf32, #tpu.memory_space<vmem>>, vector<16xf32>,
        tpu.vector_store %arg11[%parallel_loop3A_605, %parallel_loop3A_606, %parallel_loop3A_607], %parallel_loop3A_603 {strides = array<i32>} : memref<2x16x768xf32, #tpu.memory_space<vmem>>, vector<16xf32>,
        %parallel_loop3A_609 = arith.constant 0 : i32
        %parallel_loop3A_610 = arith.index_cast %parallel_loop3A_609 : i32 to index
        %parallel_loop3A_611 = arith.index_cast %parallel_loop3A_176 : i32 to index
        %parallel_loop3A_612 = arith.constant 432 : index
        %parallel_loop3A_613 = tpu.vector_load %arg9[%parallel_loop3A_610, %parallel_loop3A_611, %parallel_loop3A_612] {strides = array<i32>} : memref<2x16x768xf32, #tpu.memory_space<vmem>>, vector<16xf32>,
        %parallel_loop3A_614 = arith.constant 0 : i32
        %parallel_loop3A_615 = arith.index_cast %parallel_loop3A_614 : i32 to index
        %parallel_loop3A_616 = arith.index_cast %parallel_loop3A_176 : i32 to index
        %parallel_loop3A_617 = arith.constant 432 : index
        %parallel_loop3A_618 = tpu.vector_load %arg10[%parallel_loop3A_615, %parallel_loop3A_616, %parallel_loop3A_617] {strides = array<i32>} : memref<2x16x768xf32, #tpu.memory_space<vmem>>, vector<16xf32>,
        %parallel_loop3A_619 = arith.addf %parallel_loop3A_613, %parallel_loop3A_618 : vector<16xf32>
        %parallel_loop3A_620 = arith.constant 0 : i32
        %parallel_loop3A_621 = arith.index_cast %parallel_loop3A_620 : i32 to index
        %parallel_loop3A_622 = arith.index_cast %parallel_loop3A_176 : i32 to index
        %parallel_loop3A_623 = arith.constant 432 : index
        %parallel_loop3A_624 = tpu.vector_load %arg11[%parallel_loop3A_621, %parallel_loop3A_622, %parallel_loop3A_623] {strides = array<i32>} : memref<2x16x768xf32, #tpu.memory_space<vmem>>, vector<16xf32>,
        tpu.vector_store %arg11[%parallel_loop3A_621, %parallel_loop3A_622, %parallel_loop3A_623], %parallel_loop3A_619 {strides = array<i32>} : memref<2x16x768xf32, #tpu.memory_space<vmem>>, vector<16xf32>,
        %parallel_loop3A_625 = arith.constant 0 : i32
        %parallel_loop3A_626 = arith.index_cast %parallel_loop3A_625 : i32 to index
        %parallel_loop3A_627 = arith.index_cast %parallel_loop3A_176 : i32 to index
        %parallel_loop3A_628 = arith.constant 448 : index
        %parallel_loop3A_629 = tpu.vector_load %arg9[%parallel_loop3A_626, %parallel_loop3A_627, %parallel_loop3A_628] {strides = array<i32>} : memref<2x16x768xf32, #tpu.memory_space<vmem>>, vector<16xf32>,
        %parallel_loop3A_630 = arith.constant 0 : i32
        %parallel_loop3A_631 = arith.index_cast %parallel_loop3A_630 : i32 to index
        %parallel_loop3A_632 = arith.index_cast %parallel_loop3A_176 : i32 to index
        %parallel_loop3A_633 = arith.constant 448 : index
        %parallel_loop3A_634 = tpu.vector_load %arg10[%parallel_loop3A_631, %parallel_loop3A_632, %parallel_loop3A_633] {strides = array<i32>} : memref<2x16x768xf32, #tpu.memory_space<vmem>>, vector<16xf32>,
        %parallel_loop3A_635 = arith.addf %parallel_loop3A_629, %parallel_loop3A_634 : vector<16xf32>
        %parallel_loop3A_636 = arith.constant 0 : i32
        %parallel_loop3A_637 = arith.index_cast %parallel_loop3A_636 : i32 to index
        %parallel_loop3A_638 = arith.index_cast %parallel_loop3A_176 : i32 to index
        %parallel_loop3A_639 = arith.constant 448 : index
        %parallel_loop3A_640 = tpu.vector_load %arg11[%parallel_loop3A_637, %parallel_loop3A_638, %parallel_loop3A_639] {strides = array<i32>} : memref<2x16x768xf32, #tpu.memory_space<vmem>>, vector<16xf32>,
        tpu.vector_store %arg11[%parallel_loop3A_637, %parallel_loop3A_638, %parallel_loop3A_639], %parallel_loop3A_635 {strides = array<i32>} : memref<2x16x768xf32, #tpu.memory_space<vmem>>, vector<16xf32>,
        %parallel_loop3A_641 = arith.constant 0 : i32
        %parallel_loop3A_642 = arith.index_cast %parallel_loop3A_641 : i32 to index
        %parallel_loop3A_643 = arith.index_cast %parallel_loop3A_176 : i32 to index
        %parallel_loop3A_644 = arith.constant 464 : index
        %parallel_loop3A_645 = tpu.vector_load %arg9[%parallel_loop3A_642, %parallel_loop3A_643, %parallel_loop3A_644] {strides = array<i32>} : memref<2x16x768xf32, #tpu.memory_space<vmem>>, vector<16xf32>,
        %parallel_loop3A_646 = arith.constant 0 : i32
        %parallel_loop3A_647 = arith.index_cast %parallel_loop3A_646 : i32 to index
        %parallel_loop3A_648 = arith.index_cast %parallel_loop3A_176 : i32 to index
        %parallel_loop3A_649 = arith.constant 464 : index
        %parallel_loop3A_650 = tpu.vector_load %arg10[%parallel_loop3A_647, %parallel_loop3A_648, %parallel_loop3A_649] {strides = array<i32>} : memref<2x16x768xf32, #tpu.memory_space<vmem>>, vector<16xf32>,
        %parallel_loop3A_651 = arith.addf %parallel_loop3A_645, %parallel_loop3A_650 : vector<16xf32>
        %parallel_loop3A_652 = arith.constant 0 : i32
        %parallel_loop3A_653 = arith.index_cast %parallel_loop3A_652 : i32 to index
        %parallel_loop3A_654 = arith.index_cast %parallel_loop3A_176 : i32 to index
        %parallel_loop3A_655 = arith.constant 464 : index
        %parallel_loop3A_656 = tpu.vector_load %arg11[%parallel_loop3A_653, %parallel_loop3A_654, %parallel_loop3A_655] {strides = array<i32>} : memref<2x16x768xf32, #tpu.memory_space<vmem>>, vector<16xf32>,
        tpu.vector_store %arg11[%parallel_loop3A_653, %parallel_loop3A_654, %parallel_loop3A_655], %parallel_loop3A_651 {strides = array<i32>} : memref<2x16x768xf32, #tpu.memory_space<vmem>>, vector<16xf32>,
        %parallel_loop3A_657 = arith.constant 0 : i32
        %parallel_loop3A_658 = arith.index_cast %parallel_loop3A_657 : i32 to index
        %parallel_loop3A_659 = arith.index_cast %parallel_loop3A_176 : i32 to index
        %parallel_loop3A_660 = arith.constant 480 : index
        %parallel_loop3A_661 = tpu.vector_load %arg9[%parallel_loop3A_658, %parallel_loop3A_659, %parallel_loop3A_660] {strides = array<i32>} : memref<2x16x768xf32, #tpu.memory_space<vmem>>, vector<16xf32>,
        %parallel_loop3A_662 = arith.constant 0 : i32
        %parallel_loop3A_663 = arith.index_cast %parallel_loop3A_662 : i32 to index
        %parallel_loop3A_664 = arith.index_cast %parallel_loop3A_176 : i32 to index
        %parallel_loop3A_665 = arith.constant 480 : index
        %parallel_loop3A_666 = tpu.vector_load %arg10[%parallel_loop3A_663, %parallel_loop3A_664, %parallel_loop3A_665] {strides = array<i32>} : memref<2x16x768xf32, #tpu.memory_space<vmem>>, vector<16xf32>,
        %parallel_loop3A_667 = arith.addf %parallel_loop3A_661, %parallel_loop3A_666 : vector<16xf32>
        %parallel_loop3A_668 = arith.constant 0 : i32
        %parallel_loop3A_669 = arith.index_cast %parallel_loop3A_668 : i32 to index
        %parallel_loop3A_670 = arith.index_cast %parallel_loop3A_176 : i32 to index
        %parallel_loop3A_671 = arith.constant 480 : index
        %parallel_loop3A_672 = tpu.vector_load %arg11[%parallel_loop3A_669, %parallel_loop3A_670, %parallel_loop3A_671] {strides = array<i32>} : memref<2x16x768xf32, #tpu.memory_space<vmem>>, vector<16xf32>,
        tpu.vector_store %arg11[%parallel_loop3A_669, %parallel_loop3A_670, %parallel_loop3A_671], %parallel_loop3A_667 {strides = array<i32>} : memref<2x16x768xf32, #tpu.memory_space<vmem>>, vector<16xf32>,
        %parallel_loop3A_673 = arith.constant 0 : i32
        %parallel_loop3A_674 = arith.index_cast %parallel_loop3A_673 : i32 to index
        %parallel_loop3A_675 = arith.index_cast %parallel_loop3A_176 : i32 to index
        %parallel_loop3A_676 = arith.constant 496 : index
        %parallel_loop3A_677 = tpu.vector_load %arg9[%parallel_loop3A_674, %parallel_loop3A_675, %parallel_loop3A_676] {strides = array<i32>} : memref<2x16x768xf32, #tpu.memory_space<vmem>>, vector<16xf32>,
        %parallel_loop3A_678 = arith.constant 0 : i32
        %parallel_loop3A_679 = arith.index_cast %parallel_loop3A_678 : i32 to index
        %parallel_loop3A_680 = arith.index_cast %parallel_loop3A_176 : i32 to index
        %parallel_loop3A_681 = arith.constant 496 : index
        %parallel_loop3A_682 = tpu.vector_load %arg10[%parallel_loop3A_679, %parallel_loop3A_680, %parallel_loop3A_681] {strides = array<i32>} : memref<2x16x768xf32, #tpu.memory_space<vmem>>, vector<16xf32>,
        %parallel_loop3A_683 = arith.addf %parallel_loop3A_677, %parallel_loop3A_682 : vector<16xf32>
        %parallel_loop3A_684 = arith.constant 0 : i32
        %parallel_loop3A_685 = arith.index_cast %parallel_loop3A_684 : i32 to index
        %parallel_loop3A_686 = arith.index_cast %parallel_loop3A_176 : i32 to index
        %parallel_loop3A_687 = arith.constant 496 : index
        %parallel_loop3A_688 = tpu.vector_load %arg11[%parallel_loop3A_685, %parallel_loop3A_686, %parallel_loop3A_687] {strides = array<i32>} : memref<2x16x768xf32, #tpu.memory_space<vmem>>, vector<16xf32>,
        tpu.vector_store %arg11[%parallel_loop3A_685, %parallel_loop3A_686, %parallel_loop3A_687], %parallel_loop3A_683 {strides = array<i32>} : memref<2x16x768xf32, #tpu.memory_space<vmem>>, vector<16xf32>,
        %parallel_loop3A_689 = arith.constant 0 : i32
        %parallel_loop3A_690 = arith.index_cast %parallel_loop3A_689 : i32 to index
        %parallel_loop3A_691 = arith.index_cast %parallel_loop3A_176 : i32 to index
        %parallel_loop3A_692 = arith.constant 512 : index
        %parallel_loop3A_693 = tpu.vector_load %arg9[%parallel_loop3A_690, %parallel_loop3A_691, %parallel_loop3A_692] {strides = array<i32>} : memref<2x16x768xf32, #tpu.memory_space<vmem>>, vector<16xf32>,
        %parallel_loop3A_694 = arith.constant 0 : i32
        %parallel_loop3A_695 = arith.index_cast %parallel_loop3A_694 : i32 to index
        %parallel_loop3A_696 = arith.index_cast %parallel_loop3A_176 : i32 to index
        %parallel_loop3A_697 = arith.constant 512 : index
        %parallel_loop3A_698 = tpu.vector_load %arg10[%parallel_loop3A_695, %parallel_loop3A_696, %parallel_loop3A_697] {strides = array<i32>} : memref<2x16x768xf32, #tpu.memory_space<vmem>>, vector<16xf32>,
        %parallel_loop3A_699 = arith.addf %parallel_loop3A_693, %parallel_loop3A_698 : vector<16xf32>
        %parallel_loop3A_700 = arith.constant 0 : i32
        %parallel_loop3A_701 = arith.index_cast %parallel_loop3A_700 : i32 to index
        %parallel_loop3A_702 = arith.index_cast %parallel_loop3A_176 : i32 to index
        %parallel_loop3A_703 = arith.constant 512 : index
        %parallel_loop3A_704 = tpu.vector_load %arg11[%parallel_loop3A_701, %parallel_loop3A_702, %parallel_loop3A_703] {strides = array<i32>} : memref<2x16x768xf32, #tpu.memory_space<vmem>>, vector<16xf32>,
        tpu.vector_store %arg11[%parallel_loop3A_701, %parallel_loop3A_702, %parallel_loop3A_703], %parallel_loop3A_699 {strides = array<i32>} : memref<2x16x768xf32, #tpu.memory_space<vmem>>, vector<16xf32>,
        %parallel_loop3A_705 = arith.constant 0 : i32
        %parallel_loop3A_706 = arith.index_cast %parallel_loop3A_705 : i32 to index
        %parallel_loop3A_707 = arith.index_cast %parallel_loop3A_176 : i32 to index
        %parallel_loop3A_708 = arith.constant 528 : index
        %parallel_loop3A_709 = tpu.vector_load %arg9[%parallel_loop3A_706, %parallel_loop3A_707, %parallel_loop3A_708] {strides = array<i32>} : memref<2x16x768xf32, #tpu.memory_space<vmem>>, vector<16xf32>,
        %parallel_loop3A_710 = arith.constant 0 : i32
        %parallel_loop3A_711 = arith.index_cast %parallel_loop3A_710 : i32 to index
        %parallel_loop3A_712 = arith.index_cast %parallel_loop3A_176 : i32 to index
        %parallel_loop3A_713 = arith.constant 528 : index
        %parallel_loop3A_714 = tpu.vector_load %arg10[%parallel_loop3A_711, %parallel_loop3A_712, %parallel_loop3A_713] {strides = array<i32>} : memref<2x16x768xf32, #tpu.memory_space<vmem>>, vector<16xf32>,
        %parallel_loop3A_715 = arith.addf %parallel_loop3A_709, %parallel_loop3A_714 : vector<16xf32>
        %parallel_loop3A_716 = arith.constant 0 : i32
        %parallel_loop3A_717 = arith.index_cast %parallel_loop3A_716 : i32 to index
        %parallel_loop3A_718 = arith.index_cast %parallel_loop3A_176 : i32 to index
        %parallel_loop3A_719 = arith.constant 528 : index
        %parallel_loop3A_720 = tpu.vector_load %arg11[%parallel_loop3A_717, %parallel_loop3A_718, %parallel_loop3A_719] {strides = array<i32>} : memref<2x16x768xf32, #tpu.memory_space<vmem>>, vector<16xf32>,
        tpu.vector_store %arg11[%parallel_loop3A_717, %parallel_loop3A_718, %parallel_loop3A_719], %parallel_loop3A_715 {strides = array<i32>} : memref<2x16x768xf32, #tpu.memory_space<vmem>>, vector<16xf32>,
        %parallel_loop3A_721 = arith.constant 0 : i32
        %parallel_loop3A_722 = arith.index_cast %parallel_loop3A_721 : i32 to index
        %parallel_loop3A_723 = arith.index_cast %parallel_loop3A_176 : i32 to index
        %parallel_loop3A_724 = arith.constant 544 : index
        %parallel_loop3A_725 = tpu.vector_load %arg9[%parallel_loop3A_722, %parallel_loop3A_723, %parallel_loop3A_724] {strides = array<i32>} : memref<2x16x768xf32, #tpu.memory_space<vmem>>, vector<16xf32>,
        %parallel_loop3A_726 = arith.constant 0 : i32
        %parallel_loop3A_727 = arith.index_cast %parallel_loop3A_726 : i32 to index
        %parallel_loop3A_728 = arith.index_cast %parallel_loop3A_176 : i32 to index
        %parallel_loop3A_729 = arith.constant 544 : index
        %parallel_loop3A_730 = tpu.vector_load %arg10[%parallel_loop3A_727, %parallel_loop3A_728, %parallel_loop3A_729] {strides = array<i32>} : memref<2x16x768xf32, #tpu.memory_space<vmem>>, vector<16xf32>,
        %parallel_loop3A_731 = arith.addf %parallel_loop3A_725, %parallel_loop3A_730 : vector<16xf32>
        %parallel_loop3A_732 = arith.constant 0 : i32
        %parallel_loop3A_733 = arith.index_cast %parallel_loop3A_732 : i32 to index
        %parallel_loop3A_734 = arith.index_cast %parallel_loop3A_176 : i32 to index
        %parallel_loop3A_735 = arith.constant 544 : index
        %parallel_loop3A_736 = tpu.vector_load %arg11[%parallel_loop3A_733, %parallel_loop3A_734, %parallel_loop3A_735] {strides = array<i32>} : memref<2x16x768xf32, #tpu.memory_space<vmem>>, vector<16xf32>,
        tpu.vector_store %arg11[%parallel_loop3A_733, %parallel_loop3A_734, %parallel_loop3A_735], %parallel_loop3A_731 {strides = array<i32>} : memref<2x16x768xf32, #tpu.memory_space<vmem>>, vector<16xf32>,
        %parallel_loop3A_737 = arith.constant 0 : i32
        %parallel_loop3A_738 = arith.index_cast %parallel_loop3A_737 : i32 to index
        %parallel_loop3A_739 = arith.index_cast %parallel_loop3A_176 : i32 to index
        %parallel_loop3A_740 = arith.constant 560 : index
        %parallel_loop3A_741 = tpu.vector_load %arg9[%parallel_loop3A_738, %parallel_loop3A_739, %parallel_loop3A_740] {strides = array<i32>} : memref<2x16x768xf32, #tpu.memory_space<vmem>>, vector<16xf32>,
        %parallel_loop3A_742 = arith.constant 0 : i32
        %parallel_loop3A_743 = arith.index_cast %parallel_loop3A_742 : i32 to index
        %parallel_loop3A_744 = arith.index_cast %parallel_loop3A_176 : i32 to index
        %parallel_loop3A_745 = arith.constant 560 : index
        %parallel_loop3A_746 = tpu.vector_load %arg10[%parallel_loop3A_743, %parallel_loop3A_744, %parallel_loop3A_745] {strides = array<i32>} : memref<2x16x768xf32, #tpu.memory_space<vmem>>, vector<16xf32>,
        %parallel_loop3A_747 = arith.addf %parallel_loop3A_741, %parallel_loop3A_746 : vector<16xf32>
        %parallel_loop3A_748 = arith.constant 0 : i32
        %parallel_loop3A_749 = arith.index_cast %parallel_loop3A_748 : i32 to index
        %parallel_loop3A_750 = arith.index_cast %parallel_loop3A_176 : i32 to index
        %parallel_loop3A_751 = arith.constant 560 : index
        %parallel_loop3A_752 = tpu.vector_load %arg11[%parallel_loop3A_749, %parallel_loop3A_750, %parallel_loop3A_751] {strides = array<i32>} : memref<2x16x768xf32, #tpu.memory_space<vmem>>, vector<16xf32>,
        tpu.vector_store %arg11[%parallel_loop3A_749, %parallel_loop3A_750, %parallel_loop3A_751], %parallel_loop3A_747 {strides = array<i32>} : memref<2x16x768xf32, #tpu.memory_space<vmem>>, vector<16xf32>,
        %parallel_loop3A_753 = arith.constant 0 : i32
        %parallel_loop3A_754 = arith.index_cast %parallel_loop3A_753 : i32 to index
        %parallel_loop3A_755 = arith.index_cast %parallel_loop3A_176 : i32 to index
        %parallel_loop3A_756 = arith.constant 576 : index
        %parallel_loop3A_757 = tpu.vector_load %arg9[%parallel_loop3A_754, %parallel_loop3A_755, %parallel_loop3A_756] {strides = array<i32>} : memref<2x16x768xf32, #tpu.memory_space<vmem>>, vector<16xf32>,
        %parallel_loop3A_758 = arith.constant 0 : i32
        %parallel_loop3A_759 = arith.index_cast %parallel_loop3A_758 : i32 to index
        %parallel_loop3A_760 = arith.index_cast %parallel_loop3A_176 : i32 to index
        %parallel_loop3A_761 = arith.constant 576 : index
        %parallel_loop3A_762 = tpu.vector_load %arg10[%parallel_loop3A_759, %parallel_loop3A_760, %parallel_loop3A_761] {strides = array<i32>} : memref<2x16x768xf32, #tpu.memory_space<vmem>>, vector<16xf32>,
        %parallel_loop3A_763 = arith.addf %parallel_loop3A_757, %parallel_loop3A_762 : vector<16xf32>
        %parallel_loop3A_764 = arith.constant 0 : i32
        %parallel_loop3A_765 = arith.index_cast %parallel_loop3A_764 : i32 to index
        %parallel_loop3A_766 = arith.index_cast %parallel_loop3A_176 : i32 to index
        %parallel_loop3A_767 = arith.constant 576 : index
        %parallel_loop3A_768 = tpu.vector_load %arg11[%parallel_loop3A_765, %parallel_loop3A_766, %parallel_loop3A_767] {strides = array<i32>} : memref<2x16x768xf32, #tpu.memory_space<vmem>>, vector<16xf32>,
        tpu.vector_store %arg11[%parallel_loop3A_765, %parallel_loop3A_766, %parallel_loop3A_767], %parallel_loop3A_763 {strides = array<i32>} : memref<2x16x768xf32, #tpu.memory_space<vmem>>, vector<16xf32>,
        %parallel_loop3A_769 = arith.constant 0 : i32
        %parallel_loop3A_770 = arith.index_cast %parallel_loop3A_769 : i32 to index
        %parallel_loop3A_771 = arith.index_cast %parallel_loop3A_176 : i32 to index
        %parallel_loop3A_772 = arith.constant 592 : index
        %parallel_loop3A_773 = tpu.vector_load %arg9[%parallel_loop3A_770, %parallel_loop3A_771, %parallel_loop3A_772] {strides = array<i32>} : memref<2x16x768xf32, #tpu.memory_space<vmem>>, vector<16xf32>,
        %parallel_loop3A_774 = arith.constant 0 : i32
        %parallel_loop3A_775 = arith.index_cast %parallel_loop3A_774 : i32 to index
        %parallel_loop3A_776 = arith.index_cast %parallel_loop3A_176 : i32 to index
        %parallel_loop3A_777 = arith.constant 592 : index
        %parallel_loop3A_778 = tpu.vector_load %arg10[%parallel_loop3A_775, %parallel_loop3A_776, %parallel_loop3A_777] {strides = array<i32>} : memref<2x16x768xf32, #tpu.memory_space<vmem>>, vector<16xf32>,
        %parallel_loop3A_779 = arith.addf %parallel_loop3A_773, %parallel_loop3A_778 : vector<16xf32>
        %parallel_loop3A_780 = arith.constant 0 : i32
        %parallel_loop3A_781 = arith.index_cast %parallel_loop3A_780 : i32 to index
        %parallel_loop3A_782 = arith.index_cast %parallel_loop3A_176 : i32 to index
        %parallel_loop3A_783 = arith.constant 592 : index
        %parallel_loop3A_784 = tpu.vector_load %arg11[%parallel_loop3A_781, %parallel_loop3A_782, %parallel_loop3A_783] {strides = array<i32>} : memref<2x16x768xf32, #tpu.memory_space<vmem>>, vector<16xf32>,
        tpu.vector_store %arg11[%parallel_loop3A_781, %parallel_loop3A_782, %parallel_loop3A_783], %parallel_loop3A_779 {strides = array<i32>} : memref<2x16x768xf32, #tpu.memory_space<vmem>>, vector<16xf32>,
        %parallel_loop3A_785 = arith.constant 0 : i32
        %parallel_loop3A_786 = arith.index_cast %parallel_loop3A_785 : i32 to index
        %parallel_loop3A_787 = arith.index_cast %parallel_loop3A_176 : i32 to index
        %parallel_loop3A_788 = arith.constant 608 : index
        %parallel_loop3A_789 = tpu.vector_load %arg9[%parallel_loop3A_786, %parallel_loop3A_787, %parallel_loop3A_788] {strides = array<i32>} : memref<2x16x768xf32, #tpu.memory_space<vmem>>, vector<16xf32>,
        %parallel_loop3A_790 = arith.constant 0 : i32
        %parallel_loop3A_791 = arith.index_cast %parallel_loop3A_790 : i32 to index
        %parallel_loop3A_792 = arith.index_cast %parallel_loop3A_176 : i32 to index
        %parallel_loop3A_793 = arith.constant 608 : index
        %parallel_loop3A_794 = tpu.vector_load %arg10[%parallel_loop3A_791, %parallel_loop3A_792, %parallel_loop3A_793] {strides = array<i32>} : memref<2x16x768xf32, #tpu.memory_space<vmem>>, vector<16xf32>,
        %parallel_loop3A_795 = arith.addf %parallel_loop3A_789, %parallel_loop3A_794 : vector<16xf32>
        %parallel_loop3A_796 = arith.constant 0 : i32
        %parallel_loop3A_797 = arith.index_cast %parallel_loop3A_796 : i32 to index
        %parallel_loop3A_798 = arith.index_cast %parallel_loop3A_176 : i32 to index
        %parallel_loop3A_799 = arith.constant 608 : index
        %parallel_loop3A_800 = tpu.vector_load %arg11[%parallel_loop3A_797, %parallel_loop3A_798, %parallel_loop3A_799] {strides = array<i32>} : memref<2x16x768xf32, #tpu.memory_space<vmem>>, vector<16xf32>,
        tpu.vector_store %arg11[%parallel_loop3A_797, %parallel_loop3A_798, %parallel_loop3A_799], %parallel_loop3A_795 {strides = array<i32>} : memref<2x16x768xf32, #tpu.memory_space<vmem>>, vector<16xf32>,
        %parallel_loop3A_801 = arith.constant 0 : i32
        %parallel_loop3A_802 = arith.index_cast %parallel_loop3A_801 : i32 to index
        %parallel_loop3A_803 = arith.index_cast %parallel_loop3A_176 : i32 to index
        %parallel_loop3A_804 = arith.constant 624 : index
        %parallel_loop3A_805 = tpu.vector_load %arg9[%parallel_loop3A_802, %parallel_loop3A_803, %parallel_loop3A_804] {strides = array<i32>} : memref<2x16x768xf32, #tpu.memory_space<vmem>>, vector<16xf32>,
        %parallel_loop3A_806 = arith.constant 0 : i32
        %parallel_loop3A_807 = arith.index_cast %parallel_loop3A_806 : i32 to index
        %parallel_loop3A_808 = arith.index_cast %parallel_loop3A_176 : i32 to index
        %parallel_loop3A_809 = arith.constant 624 : index
        %parallel_loop3A_810 = tpu.vector_load %arg10[%parallel_loop3A_807, %parallel_loop3A_808, %parallel_loop3A_809] {strides = array<i32>} : memref<2x16x768xf32, #tpu.memory_space<vmem>>, vector<16xf32>,
        %parallel_loop3A_811 = arith.addf %parallel_loop3A_805, %parallel_loop3A_810 : vector<16xf32>
        %parallel_loop3A_812 = arith.constant 0 : i32
        %parallel_loop3A_813 = arith.index_cast %parallel_loop3A_812 : i32 to index
        %parallel_loop3A_814 = arith.index_cast %parallel_loop3A_176 : i32 to index
        %parallel_loop3A_815 = arith.constant 624 : index
        %parallel_loop3A_816 = tpu.vector_load %arg11[%parallel_loop3A_813, %parallel_loop3A_814, %parallel_loop3A_815] {strides = array<i32>} : memref<2x16x768xf32, #tpu.memory_space<vmem>>, vector<16xf32>,
        tpu.vector_store %arg11[%parallel_loop3A_813, %parallel_loop3A_814, %parallel_loop3A_815], %parallel_loop3A_811 {strides = array<i32>} : memref<2x16x768xf32, #tpu.memory_space<vmem>>, vector<16xf32>,
        %parallel_loop3A_817 = arith.constant 0 : i32
        %parallel_loop3A_818 = arith.index_cast %parallel_loop3A_817 : i32 to index
        %parallel_loop3A_819 = arith.index_cast %parallel_loop3A_176 : i32 to index
        %parallel_loop3A_820 = arith.constant 640 : index
        %parallel_loop3A_821 = tpu.vector_load %arg9[%parallel_loop3A_818, %parallel_loop3A_819, %parallel_loop3A_820] {strides = array<i32>} : memref<2x16x768xf32, #tpu.memory_space<vmem>>, vector<16xf32>,
        %parallel_loop3A_822 = arith.constant 0 : i32
        %parallel_loop3A_823 = arith.index_cast %parallel_loop3A_822 : i32 to index
        %parallel_loop3A_824 = arith.index_cast %parallel_loop3A_176 : i32 to index
        %parallel_loop3A_825 = arith.constant 640 : index
        %parallel_loop3A_826 = tpu.vector_load %arg10[%parallel_loop3A_823, %parallel_loop3A_824, %parallel_loop3A_825] {strides = array<i32>} : memref<2x16x768xf32, #tpu.memory_space<vmem>>, vector<16xf32>,
        %parallel_loop3A_827 = arith.addf %parallel_loop3A_821, %parallel_loop3A_826 : vector<16xf32>
        %parallel_loop3A_828 = arith.constant 0 : i32
        %parallel_loop3A_829 = arith.index_cast %parallel_loop3A_828 : i32 to index
        %parallel_loop3A_830 = arith.index_cast %parallel_loop3A_176 : i32 to index
        %parallel_loop3A_831 = arith.constant 640 : index
        %parallel_loop3A_832 = tpu.vector_load %arg11[%parallel_loop3A_829, %parallel_loop3A_830, %parallel_loop3A_831] {strides = array<i32>} : memref<2x16x768xf32, #tpu.memory_space<vmem>>, vector<16xf32>,
        tpu.vector_store %arg11[%parallel_loop3A_829, %parallel_loop3A_830, %parallel_loop3A_831], %parallel_loop3A_827 {strides = array<i32>} : memref<2x16x768xf32, #tpu.memory_space<vmem>>, vector<16xf32>,
        %parallel_loop3A_833 = arith.constant 0 : i32
        %parallel_loop3A_834 = arith.index_cast %parallel_loop3A_833 : i32 to index
        %parallel_loop3A_835 = arith.index_cast %parallel_loop3A_176 : i32 to index
        %parallel_loop3A_836 = arith.constant 656 : index
        %parallel_loop3A_837 = tpu.vector_load %arg9[%parallel_loop3A_834, %parallel_loop3A_835, %parallel_loop3A_836] {strides = array<i32>} : memref<2x16x768xf32, #tpu.memory_space<vmem>>, vector<16xf32>,
        %parallel_loop3A_838 = arith.constant 0 : i32
        %parallel_loop3A_839 = arith.index_cast %parallel_loop3A_838 : i32 to index
        %parallel_loop3A_840 = arith.index_cast %parallel_loop3A_176 : i32 to index
        %parallel_loop3A_841 = arith.constant 656 : index
        %parallel_loop3A_842 = tpu.vector_load %arg10[%parallel_loop3A_839, %parallel_loop3A_840, %parallel_loop3A_841] {strides = array<i32>} : memref<2x16x768xf32, #tpu.memory_space<vmem>>, vector<16xf32>,
        %parallel_loop3A_843 = arith.addf %parallel_loop3A_837, %parallel_loop3A_842 : vector<16xf32>
        %parallel_loop3A_844 = arith.constant 0 : i32
        %parallel_loop3A_845 = arith.index_cast %parallel_loop3A_844 : i32 to index
        %parallel_loop3A_846 = arith.index_cast %parallel_loop3A_176 : i32 to index
        %parallel_loop3A_847 = arith.constant 656 : index
        %parallel_loop3A_848 = tpu.vector_load %arg11[%parallel_loop3A_845, %parallel_loop3A_846, %parallel_loop3A_847] {strides = array<i32>} : memref<2x16x768xf32, #tpu.memory_space<vmem>>, vector<16xf32>,
        tpu.vector_store %arg11[%parallel_loop3A_845, %parallel_loop3A_846, %parallel_loop3A_847], %parallel_loop3A_843 {strides = array<i32>} : memref<2x16x768xf32, #tpu.memory_space<vmem>>, vector<16xf32>,
        %parallel_loop3A_849 = arith.constant 0 : i32
        %parallel_loop3A_850 = arith.index_cast %parallel_loop3A_849 : i32 to index
        %parallel_loop3A_851 = arith.index_cast %parallel_loop3A_176 : i32 to index
        %parallel_loop3A_852 = arith.constant 672 : index
        %parallel_loop3A_853 = tpu.vector_load %arg9[%parallel_loop3A_850, %parallel_loop3A_851, %parallel_loop3A_852] {strides = array<i32>} : memref<2x16x768xf32, #tpu.memory_space<vmem>>, vector<16xf32>,
        %parallel_loop3A_854 = arith.constant 0 : i32
        %parallel_loop3A_855 = arith.index_cast %parallel_loop3A_854 : i32 to index
        %parallel_loop3A_856 = arith.index_cast %parallel_loop3A_176 : i32 to index
        %parallel_loop3A_857 = arith.constant 672 : index
        %parallel_loop3A_858 = tpu.vector_load %arg10[%parallel_loop3A_855, %parallel_loop3A_856, %parallel_loop3A_857] {strides = array<i32>} : memref<2x16x768xf32, #tpu.memory_space<vmem>>, vector<16xf32>,
        %parallel_loop3A_859 = arith.addf %parallel_loop3A_853, %parallel_loop3A_858 : vector<16xf32>
        %parallel_loop3A_860 = arith.constant 0 : i32
        %parallel_loop3A_861 = arith.index_cast %parallel_loop3A_860 : i32 to index
        %parallel_loop3A_862 = arith.index_cast %parallel_loop3A_176 : i32 to index
        %parallel_loop3A_863 = arith.constant 672 : index
        %parallel_loop3A_864 = tpu.vector_load %arg11[%parallel_loop3A_861, %parallel_loop3A_862, %parallel_loop3A_863] {strides = array<i32>} : memref<2x16x768xf32, #tpu.memory_space<vmem>>, vector<16xf32>,
        tpu.vector_store %arg11[%parallel_loop3A_861, %parallel_loop3A_862, %parallel_loop3A_863], %parallel_loop3A_859 {strides = array<i32>} : memref<2x16x768xf32, #tpu.memory_space<vmem>>, vector<16xf32>,
        %parallel_loop3A_865 = arith.constant 0 : i32
        %parallel_loop3A_866 = arith.index_cast %parallel_loop3A_865 : i32 to index
        %parallel_loop3A_867 = arith.index_cast %parallel_loop3A_176 : i32 to index
        %parallel_loop3A_868 = arith.constant 688 : index
        %parallel_loop3A_869 = tpu.vector_load %arg9[%parallel_loop3A_866, %parallel_loop3A_867, %parallel_loop3A_868] {strides = array<i32>} : memref<2x16x768xf32, #tpu.memory_space<vmem>>, vector<16xf32>,
        %parallel_loop3A_870 = arith.constant 0 : i32
        %parallel_loop3A_871 = arith.index_cast %parallel_loop3A_870 : i32 to index
        %parallel_loop3A_872 = arith.index_cast %parallel_loop3A_176 : i32 to index
        %parallel_loop3A_873 = arith.constant 688 : index
        %parallel_loop3A_874 = tpu.vector_load %arg10[%parallel_loop3A_871, %parallel_loop3A_872, %parallel_loop3A_873] {strides = array<i32>} : memref<2x16x768xf32, #tpu.memory_space<vmem>>, vector<16xf32>,
        %parallel_loop3A_875 = arith.addf %parallel_loop3A_869, %parallel_loop3A_874 : vector<16xf32>
        %parallel_loop3A_876 = arith.constant 0 : i32
        %parallel_loop3A_877 = arith.index_cast %parallel_loop3A_876 : i32 to index
        %parallel_loop3A_878 = arith.index_cast %parallel_loop3A_176 : i32 to index
        %parallel_loop3A_879 = arith.constant 688 : index
        %parallel_loop3A_880 = tpu.vector_load %arg11[%parallel_loop3A_877, %parallel_loop3A_878, %parallel_loop3A_879] {strides = array<i32>} : memref<2x16x768xf32, #tpu.memory_space<vmem>>, vector<16xf32>,
        tpu.vector_store %arg11[%parallel_loop3A_877, %parallel_loop3A_878, %parallel_loop3A_879], %parallel_loop3A_875 {strides = array<i32>} : memref<2x16x768xf32, #tpu.memory_space<vmem>>, vector<16xf32>,
        %parallel_loop3A_881 = arith.constant 0 : i32
        %parallel_loop3A_882 = arith.index_cast %parallel_loop3A_881 : i32 to index
        %parallel_loop3A_883 = arith.index_cast %parallel_loop3A_176 : i32 to index
        %parallel_loop3A_884 = arith.constant 704 : index
        %parallel_loop3A_885 = tpu.vector_load %arg9[%parallel_loop3A_882, %parallel_loop3A_883, %parallel_loop3A_884] {strides = array<i32>} : memref<2x16x768xf32, #tpu.memory_space<vmem>>, vector<16xf32>,
        %parallel_loop3A_886 = arith.constant 0 : i32
        %parallel_loop3A_887 = arith.index_cast %parallel_loop3A_886 : i32 to index
        %parallel_loop3A_888 = arith.index_cast %parallel_loop3A_176 : i32 to index
        %parallel_loop3A_889 = arith.constant 704 : index
        %parallel_loop3A_890 = tpu.vector_load %arg10[%parallel_loop3A_887, %parallel_loop3A_888, %parallel_loop3A_889] {strides = array<i32>} : memref<2x16x768xf32, #tpu.memory_space<vmem>>, vector<16xf32>,
        %parallel_loop3A_891 = arith.addf %parallel_loop3A_885, %parallel_loop3A_890 : vector<16xf32>
        %parallel_loop3A_892 = arith.constant 0 : i32
        %parallel_loop3A_893 = arith.index_cast %parallel_loop3A_892 : i32 to index
        %parallel_loop3A_894 = arith.index_cast %parallel_loop3A_176 : i32 to index
        %parallel_loop3A_895 = arith.constant 704 : index
        %parallel_loop3A_896 = tpu.vector_load %arg11[%parallel_loop3A_893, %parallel_loop3A_894, %parallel_loop3A_895] {strides = array<i32>} : memref<2x16x768xf32, #tpu.memory_space<vmem>>, vector<16xf32>,
        tpu.vector_store %arg11[%parallel_loop3A_893, %parallel_loop3A_894, %parallel_loop3A_895], %parallel_loop3A_891 {strides = array<i32>} : memref<2x16x768xf32, #tpu.memory_space<vmem>>, vector<16xf32>,
        %parallel_loop3A_897 = arith.constant 0 : i32
        %parallel_loop3A_898 = arith.index_cast %parallel_loop3A_897 : i32 to index
        %parallel_loop3A_899 = arith.index_cast %parallel_loop3A_176 : i32 to index
        %parallel_loop3A_900 = arith.constant 720 : index
        %parallel_loop3A_901 = tpu.vector_load %arg9[%parallel_loop3A_898, %parallel_loop3A_899, %parallel_loop3A_900] {strides = array<i32>} : memref<2x16x768xf32, #tpu.memory_space<vmem>>, vector<16xf32>,
        %parallel_loop3A_902 = arith.constant 0 : i32
        %parallel_loop3A_903 = arith.index_cast %parallel_loop3A_902 : i32 to index
        %parallel_loop3A_904 = arith.index_cast %parallel_loop3A_176 : i32 to index
        %parallel_loop3A_905 = arith.constant 720 : index
        %parallel_loop3A_906 = tpu.vector_load %arg10[%parallel_loop3A_903, %parallel_loop3A_904, %parallel_loop3A_905] {strides = array<i32>} : memref<2x16x768xf32, #tpu.memory_space<vmem>>, vector<16xf32>,
        %parallel_loop3A_907 = arith.addf %parallel_loop3A_901, %parallel_loop3A_906 : vector<16xf32>
        %parallel_loop3A_908 = arith.constant 0 : i32
        %parallel_loop3A_909 = arith.index_cast %parallel_loop3A_908 : i32 to index
        %parallel_loop3A_910 = arith.index_cast %parallel_loop3A_176 : i32 to index
        %parallel_loop3A_911 = arith.constant 720 : index
        %parallel_loop3A_912 = tpu.vector_load %arg11[%parallel_loop3A_909, %parallel_loop3A_910, %parallel_loop3A_911] {strides = array<i32>} : memref<2x16x768xf32, #tpu.memory_space<vmem>>, vector<16xf32>,
        tpu.vector_store %arg11[%parallel_loop3A_909, %parallel_loop3A_910, %parallel_loop3A_911], %parallel_loop3A_907 {strides = array<i32>} : memref<2x16x768xf32, #tpu.memory_space<vmem>>, vector<16xf32>,
        %parallel_loop3A_913 = arith.constant 0 : i32
        %parallel_loop3A_914 = arith.index_cast %parallel_loop3A_913 : i32 to index
        %parallel_loop3A_915 = arith.index_cast %parallel_loop3A_176 : i32 to index
        %parallel_loop3A_916 = arith.constant 736 : index
        %parallel_loop3A_917 = tpu.vector_load %arg9[%parallel_loop3A_914, %parallel_loop3A_915, %parallel_loop3A_916] {strides = array<i32>} : memref<2x16x768xf32, #tpu.memory_space<vmem>>, vector<16xf32>,
        %parallel_loop3A_918 = arith.constant 0 : i32
        %parallel_loop3A_919 = arith.index_cast %parallel_loop3A_918 : i32 to index
        %parallel_loop3A_920 = arith.index_cast %parallel_loop3A_176 : i32 to index
        %parallel_loop3A_921 = arith.constant 736 : index
        %parallel_loop3A_922 = tpu.vector_load %arg10[%parallel_loop3A_919, %parallel_loop3A_920, %parallel_loop3A_921] {strides = array<i32>} : memref<2x16x768xf32, #tpu.memory_space<vmem>>, vector<16xf32>,
        %parallel_loop3A_923 = arith.addf %parallel_loop3A_917, %parallel_loop3A_922 : vector<16xf32>
        %parallel_loop3A_924 = arith.constant 0 : i32
        %parallel_loop3A_925 = arith.index_cast %parallel_loop3A_924 : i32 to index
        %parallel_loop3A_926 = arith.index_cast %parallel_loop3A_176 : i32 to index
        %parallel_loop3A_927 = arith.constant 736 : index
        %parallel_loop3A_928 = tpu.vector_load %arg11[%parallel_loop3A_925, %parallel_loop3A_926, %parallel_loop3A_927] {strides = array<i32>} : memref<2x16x768xf32, #tpu.memory_space<vmem>>, vector<16xf32>,
        tpu.vector_store %arg11[%parallel_loop3A_925, %parallel_loop3A_926, %parallel_loop3A_927], %parallel_loop3A_923 {strides = array<i32>} : memref<2x16x768xf32, #tpu.memory_space<vmem>>, vector<16xf32>,
        %parallel_loop3A_929 = arith.constant 0 : i32
        %parallel_loop3A_930 = arith.index_cast %parallel_loop3A_929 : i32 to index
        %parallel_loop3A_931 = arith.index_cast %parallel_loop3A_176 : i32 to index
        %parallel_loop3A_932 = arith.constant 752 : index
        %parallel_loop3A_933 = tpu.vector_load %arg9[%parallel_loop3A_930, %parallel_loop3A_931, %parallel_loop3A_932] {strides = array<i32>} : memref<2x16x768xf32, #tpu.memory_space<vmem>>, vector<16xf32>,
        %parallel_loop3A_934 = arith.constant 0 : i32
        %parallel_loop3A_935 = arith.index_cast %parallel_loop3A_934 : i32 to index
        %parallel_loop3A_936 = arith.index_cast %parallel_loop3A_176 : i32 to index
        %parallel_loop3A_937 = arith.constant 752 : index
        %parallel_loop3A_938 = tpu.vector_load %arg10[%parallel_loop3A_935, %parallel_loop3A_936, %parallel_loop3A_937] {strides = array<i32>} : memref<2x16x768xf32, #tpu.memory_space<vmem>>, vector<16xf32>,
        %parallel_loop3A_939 = arith.addf %parallel_loop3A_933, %parallel_loop3A_938 : vector<16xf32>
        %parallel_loop3A_940 = arith.constant 0 : i32
        %parallel_loop3A_941 = arith.index_cast %parallel_loop3A_940 : i32 to index
        %parallel_loop3A_942 = arith.index_cast %parallel_loop3A_176 : i32 to index
        %parallel_loop3A_943 = arith.constant 752 : index
        %parallel_loop3A_944 = tpu.vector_load %arg11[%parallel_loop3A_941, %parallel_loop3A_942, %parallel_loop3A_943] {strides = array<i32>} : memref<2x16x768xf32, #tpu.memory_space<vmem>>, vector<16xf32>,
        tpu.vector_store %arg11[%parallel_loop3A_941, %parallel_loop3A_942, %parallel_loop3A_943], %parallel_loop3A_939 {strides = array<i32>} : memref<2x16x768xf32, #tpu.memory_space<vmem>>, vector<16xf32>,
      } {sc.loop_unroll_factor = 2 : i64, sc.parallel_access}
      %mul3A_110 = arith.constant 16 : i32
      %mul3A_111 = arith.muli %add3A_61, %mul3A_110 : i32
      %add3A_112 = arith.addi %mul3A_2, %mul3A_111 : i32
      %dma_start3A_113 = arith.constant 0 : i32
      %dma_start3A_114 = arith.constant 0 : i32
      %dma_start3A_115 = arith.constant 0 : i32
      %dma_start3A_116 = tpu.memref_slice %arg11[%dma_start3A_113, %dma_start3A_114, %dma_start3A_115] : memref<2x16x768xf32, #tpu.memory_space<vmem>> -> memref<1x16x768xf32, #tpu.memory_space<vmem>>
      %dma_start3A_117 = tpu.memref_squeeze %dma_start3A_116 : memref<1x16x768xf32, #tpu.memory_space<vmem>> -> memref<16x768xf32, #tpu.memory_space<vmem>>
      %dma_start3A_118 = arith.constant 0 : i32
      %dma_start3A_119 = tpu.memref_slice %arg6[%add3A_112, %dma_start3A_118] : memref<8192x768xf32, #tpu.memory_space<hbm>> -> memref<16x768xf32, #tpu.memory_space<hbm>>
      %dma_start3A_120 = arith.constant 0 : i32
      %dma_start3A_121 = tpu.memref_slice %arg6[%add3A_112, %dma_start3A_120] : memref<8192x768xf32, #tpu.memory_space<hbm>> -> memref<16x768xf32, #tpu.memory_space<hbm>>
      %dma_start3A_122 = arith.constant 0 : i32
      %dma_start3A_123 = arith.constant 0 : i32
      %dma_start3A_124 = tpu.memref_slice %arg11[%dma_start3A_113, %dma_start3A_122, %dma_start3A_123] : memref<2x16x768xf32, #tpu.memory_space<vmem>> -> memref<1x16x768xf32, #tpu.memory_space<vmem>>
      %dma_start3A_125 = tpu.memref_squeeze %dma_start3A_124 : memref<1x16x768xf32, #tpu.memory_space<vmem>> -> memref<16x768xf32, #tpu.memory_space<vmem>>
      tpu.enqueue_dma source(%dma_start3A_125 : memref<16x768xf32, #tpu.memory_space<vmem>>) target(%dma_start3A_121 : memref<16x768xf32, #tpu.memory_space<hbm>>) target_semaphore(%arg14 : memref<!tpu.dma_semaphore, #tpu.memory_space<semaphore_mem>>)
      %add3A_126 = arith.constant 1 : i32
      %add3A_127 = arith.addi %add3A_59, %add3A_126 : i32
      %lt3A = arith.constant 14 : i32
      %lt3A_128 = arith.cmpi slt, %add3A_59, %lt3A : i32
      %convert_element_type3A_129 = arith.extui %lt3A_128 : i1 to i32
      %cond3A_130 = arith.constant 0 : i32
      %cond3A_131 = arith.cmpi ne, %convert_element_type3A_129, %cond3A_130 : i32
      scf.if %cond3A_131 {
        %add3A_176 = arith.constant 1 : i32
        %add3A_177 = arith.addi %add3A_127, %add3A_176 : i32
        %mul3A_178 = arith.constant 16 : i32
        %mul3A_179 = arith.muli %add3A_177, %mul3A_178 : i32
        %dma_start3A_180 = arith.constant 0 : i32
        %dma_start3A_181 = arith.constant 0 : i32
        %dma_start3A_182 = arith.constant 0 : i32
        %dma_start3A_183 = tpu.memref_slice %arg9[%dma_start3A_180, %dma_start3A_181, %dma_start3A_182] : memref<2x16x768xf32, #tpu.memory_space<vmem>> -> memref<1x16x768xf32, #tpu.memory_space<vmem>>
        %dma_start3A_184 = tpu.memref_squeeze %dma_start3A_183 : memref<1x16x768xf32, #tpu.memory_space<vmem>> -> memref<16x768xf32, #tpu.memory_space<vmem>>
        %dma_start3A_185 = tpu.memref_slice %arg7[%mul3A_179] : memref<256xi32, #tpu.memory_space<vmem>> -> memref<16xi32, #tpu.memory_space<vmem>>
        %dma_start3A_186 = arith.constant 0 : i32
        %dma_start3A_187 = arith.constant 0 : i32
        %dma_start3A_188 = tpu.memref_slice %arg4[%dma_start3A_186, %dma_start3A_187] : memref<30522x768xf32, #tpu.memory_space<hbm>> -> memref<30522x768xf32, #tpu.memory_space<hbm>>
        tpu.enqueue_indirect_dma source(%dma_start3A_188 : memref<30522x768xf32, #tpu.memory_space<hbm>>) target(%dma_start3A_184 : memref<16x768xf32, #tpu.memory_space<vmem>>) offsets(%dma_start3A_185 : memref<16xi32, #tpu.memory_space<vmem>>) semaphore(%arg12 : memref<!tpu.dma_semaphore, #tpu.memory_space<semaphore_mem>>)
        %mul3A_189 = arith.constant 16 : i32
        %mul3A_190 = arith.muli %add3A_177, %mul3A_189 : i32
        %dma_start3A_191 = arith.constant 0 : i32
        %dma_start3A_192 = arith.constant 0 : i32
        %dma_start3A_193 = arith.constant 0 : i32
        %dma_start3A_194 = tpu.memref_slice %arg10[%dma_start3A_191, %dma_start3A_192, %dma_start3A_193] : memref<2x16x768xf32, #tpu.memory_space<vmem>> -> memref<1x16x768xf32, #tpu.memory_space<vmem>>
        %dma_start3A_195 = tpu.memref_squeeze %dma_start3A_194 : memref<1x16x768xf32, #tpu.memory_space<vmem>> -> memref<16x768xf32, #tpu.memory_space<vmem>>
        %dma_start3A_196 = tpu.memref_slice %arg8[%mul3A_190] : memref<256xi32, #tpu.memory_space<vmem>> -> memref<16xi32, #tpu.memory_space<vmem>>
        %dma_start3A_197 = arith.constant 0 : i32
        %dma_start3A_198 = arith.constant 0 : i32
        %dma_start3A_199 = tpu.memref_slice %arg5[%dma_start3A_197, %dma_start3A_198] : memref<2048x768xf32, #tpu.memory_space<hbm>> -> memref<2048x768xf32, #tpu.memory_space<hbm>>
        tpu.enqueue_indirect_dma source(%dma_start3A_199 : memref<2048x768xf32, #tpu.memory_space<hbm>>) target(%dma_start3A_195 : memref<16x768xf32, #tpu.memory_space<vmem>>) offsets(%dma_start3A_196 : memref<16xi32, #tpu.memory_space<vmem>>) semaphore(%arg12 : memref<!tpu.dma_semaphore, #tpu.memory_space<semaphore_mem>>)
      } else {
      }
      %dma_wait3A_132 = arith.constant 1 : i32
      %dma_wait3A_133 = arith.constant 0 : i32
      %dma_wait3A_134 = arith.constant 0 : i32
      %dma_wait3A_135 = tpu.memref_slice %arg9[%dma_wait3A_132, %dma_wait3A_133, %dma_wait3A_134] : memref<2x16x768xf32, #tpu.memory_space<vmem>> -> memref<1x16x768xf32, #tpu.memory_space<vmem>>
      %dma_wait3A_136 = tpu.memref_squeeze %dma_wait3A_135 : memref<1x16x768xf32, #tpu.memory_space<vmem>> -> memref<16x768xf32, #tpu.memory_space<vmem>>
      %dma_wait3A_137 = arith.constant 0 : i32
      %dma_wait3A_138 = tpu.memref_slice %arg7[%dma_wait3A_137] : memref<256xi32, #tpu.memory_space<vmem>> -> memref<16xi32, #tpu.memory_space<vmem>>
      %dma_wait3A_139 = arith.constant 0 : i32
      %dma_wait3A_140 = arith.constant 0 : i32
      %dma_wait3A_141 = tpu.memref_slice %arg4[%dma_wait3A_139, %dma_wait3A_140] : memref<30522x768xf32, #tpu.memory_space<hbm>> -> memref<30522x768xf32, #tpu.memory_space<hbm>>
      tpu.wait_indirect_dma semaphore(%arg13 : memref<!tpu.dma_semaphore, #tpu.memory_space<semaphore_mem>>) src(%dma_wait3A_141 : memref<30522x768xf32, #tpu.memory_space<hbm>>) dst(%dma_wait3A_136 : memref<16x768xf32, #tpu.memory_space<vmem>>)
      %dma_wait3A_142 = arith.constant 1 : i32
      %dma_wait3A_143 = arith.constant 0 : i32
      %dma_wait3A_144 = arith.constant 0 : i32
      %dma_wait3A_145 = tpu.memref_slice %arg10[%dma_wait3A_142, %dma_wait3A_143, %dma_wait3A_144] : memref<2x16x768xf32, #tpu.memory_space<vmem>> -> memref<1x16x768xf32, #tpu.memory_space<vmem>>
      %dma_wait3A_146 = tpu.memref_squeeze %dma_wait3A_145 : memref<1x16x768xf32, #tpu.memory_space<vmem>> -> memref<16x768xf32, #tpu.memory_space<vmem>>
      %dma_wait3A_147 = arith.constant 0 : i32
      %dma_wait3A_148 = tpu.memref_slice %arg8[%dma_wait3A_147] : memref<256xi32, #tpu.memory_space<vmem>> -> memref<16xi32, #tpu.memory_space<vmem>>
      %dma_wait3A_149 = arith.constant 0 : i32
      %dma_wait3A_150 = arith.constant 0 : i32
      %dma_wait3A_151 = tpu.memref_slice %arg5[%dma_wait3A_149, %dma_wait3A_150] : memref<2048x768xf32, #tpu.memory_space<hbm>> -> memref<2048x768xf32, #tpu.memory_space<hbm>>
      tpu.wait_indirect_dma semaphore(%arg13 : memref<!tpu.dma_semaphore, #tpu.memory_space<semaphore_mem>>) src(%dma_wait3A_151 : memref<2048x768xf32, #tpu.memory_space<hbm>>) dst(%dma_wait3A_146 : memref<16x768xf32, #tpu.memory_space<vmem>>)
      %ge3A_152 = arith.constant 1 : i32
      %ge3A_153 = arith.cmpi sge, %add3A_59, %ge3A_152 : i32
      %convert_element_type3A_154 = arith.extui %ge3A_153 : i1 to i32
      %cond3A_155 = arith.constant 0 : i32
      %cond3A_156 = arith.cmpi ne, %convert_element_type3A_154, %cond3A_155 : i32
      scf.if %cond3A_156 {
        %dma_wait3A_176 = arith.constant 1 : i32
        %dma_wait3A_177 = arith.constant 0 : i32
        %dma_wait3A_178 = arith.constant 0 : i32
        %dma_wait3A_179 = tpu.memref_slice %arg11[%dma_wait3A_176, %dma_wait3A_177, %dma_wait3A_178] : memref<2x16x768xf32, #tpu.memory_space<vmem>> -> memref<1x16x768xf32, #tpu.memory_space<vmem>>
        %dma_wait3A_180 = tpu.memref_squeeze %dma_wait3A_179 : memref<1x16x768xf32, #tpu.memory_space<vmem>> -> memref<16x768xf32, #tpu.memory_space<vmem>>
        %dma_wait3A_181 = arith.constant 0 : i32
        %dma_wait3A_182 = arith.constant 0 : i32
        %dma_wait3A_183 = tpu.memref_slice %arg6[%dma_wait3A_181, %dma_wait3A_182] : memref<8192x768xf32, #tpu.memory_space<hbm>> -> memref<16x768xf32, #tpu.memory_space<hbm>>
        %dma_wait3A_184 = arith.constant 0 : i32
        %dma_wait3A_185 = arith.constant 0 : i32
        %dma_wait3A_186 = tpu.memref_slice %arg6[%dma_wait3A_184, %dma_wait3A_185] : memref<8192x768xf32, #tpu.memory_space<hbm>> -> memref<16x768xf32, #tpu.memory_space<hbm>>
        %dma_wait3A_187 = arith.constant 0 : i32
        %dma_wait3A_188 = arith.constant 0 : i32
        %dma_wait3A_189 = tpu.memref_slice %arg11[%dma_wait3A_176, %dma_wait3A_187, %dma_wait3A_188] : memref<2x16x768xf32, #tpu.memory_space<vmem>> -> memref<1x16x768xf32, #tpu.memory_space<vmem>>
        %dma_wait3A_190 = tpu.memref_squeeze %dma_wait3A_189 : memref<1x16x768xf32, #tpu.memory_space<vmem>> -> memref<16x768xf32, #tpu.memory_space<vmem>>
        tpu.wait_dma2 semaphore(%arg15 : memref<!tpu.dma_semaphore, #tpu.memory_space<semaphore_mem>>) src(%dma_wait3A_190 : memref<16x768xf32, #tpu.memory_space<vmem>>) dst(%dma_wait3A_186 : memref<16x768xf32, #tpu.memory_space<hbm>>)
      } else {
      }
      %parallel_loop3A_157 = arith.constant 0 : i32
      %parallel_loop3A_158 = arith.constant 16 : i32
      %parallel_loop3A_159 = arith.constant 1 : i32
      scf.for %parallel_loop3A_176 = %parallel_loop3A_157 to %parallel_loop3A_158 step %parallel_loop3A_159  : i32 {
        %parallel_loop3A_177 = arith.constant 1 : i32
        %parallel_loop3A_178 = arith.index_cast %parallel_loop3A_177 : i32 to index
        %parallel_loop3A_179 = arith.index_cast %parallel_loop3A_176 : i32 to index
        %parallel_loop3A_180 = arith.constant 0 : index
        %parallel_loop3A_181 = tpu.vector_load %arg9[%parallel_loop3A_178, %parallel_loop3A_179, %parallel_loop3A_180] {strides = array<i32>} : memref<2x16x768xf32, #tpu.memory_space<vmem>>, vector<16xf32>,
        %parallel_loop3A_182 = arith.constant 1 : i32
        %parallel_loop3A_183 = arith.index_cast %parallel_loop3A_182 : i32 to index
        %parallel_loop3A_184 = arith.index_cast %parallel_loop3A_176 : i32 to index
        %parallel_loop3A_185 = arith.constant 0 : index
        %parallel_loop3A_186 = tpu.vector_load %arg10[%parallel_loop3A_183, %parallel_loop3A_184, %parallel_loop3A_185] {strides = array<i32>} : memref<2x16x768xf32, #tpu.memory_space<vmem>>, vector<16xf32>,
        %parallel_loop3A_187 = arith.addf %parallel_loop3A_181, %parallel_loop3A_186 : vector<16xf32>
        %parallel_loop3A_188 = arith.constant 1 : i32
        %parallel_loop3A_189 = arith.index_cast %parallel_loop3A_188 : i32 to index
        %parallel_loop3A_190 = arith.index_cast %parallel_loop3A_176 : i32 to index
        %parallel_loop3A_191 = arith.constant 0 : index
        %parallel_loop3A_192 = tpu.vector_load %arg11[%parallel_loop3A_189, %parallel_loop3A_190, %parallel_loop3A_191] {strides = array<i32>} : memref<2x16x768xf32, #tpu.memory_space<vmem>>, vector<16xf32>,
        tpu.vector_store %arg11[%parallel_loop3A_189, %parallel_loop3A_190, %parallel_loop3A_191], %parallel_loop3A_187 {strides = array<i32>} : memref<2x16x768xf32, #tpu.memory_space<vmem>>, vector<16xf32>,
        %parallel_loop3A_193 = arith.constant 1 : i32
        %parallel_loop3A_194 = arith.index_cast %parallel_loop3A_193 : i32 to index
        %parallel_loop3A_195 = arith.index_cast %parallel_loop3A_176 : i32 to index
        %parallel_loop3A_196 = arith.constant 16 : index
        %parallel_loop3A_197 = tpu.vector_load %arg9[%parallel_loop3A_194, %parallel_loop3A_195, %parallel_loop3A_196] {strides = array<i32>} : memref<2x16x768xf32, #tpu.memory_space<vmem>>, vector<16xf32>,
        %parallel_loop3A_198 = arith.constant 1 : i32
        %parallel_loop3A_199 = arith.index_cast %parallel_loop3A_198 : i32 to index
        %parallel_loop3A_200 = arith.index_cast %parallel_loop3A_176 : i32 to index
        %parallel_loop3A_201 = arith.constant 16 : index
        %parallel_loop3A_202 = tpu.vector_load %arg10[%parallel_loop3A_199, %parallel_loop3A_200, %parallel_loop3A_201] {strides = array<i32>} : memref<2x16x768xf32, #tpu.memory_space<vmem>>, vector<16xf32>,
        %parallel_loop3A_203 = arith.addf %parallel_loop3A_197, %parallel_loop3A_202 : vector<16xf32>
        %parallel_loop3A_204 = arith.constant 1 : i32
        %parallel_loop3A_205 = arith.index_cast %parallel_loop3A_204 : i32 to index
        %parallel_loop3A_206 = arith.index_cast %parallel_loop3A_176 : i32 to index
        %parallel_loop3A_207 = arith.constant 16 : index
        %parallel_loop3A_208 = tpu.vector_load %arg11[%parallel_loop3A_205, %parallel_loop3A_206, %parallel_loop3A_207] {strides = array<i32>} : memref<2x16x768xf32, #tpu.memory_space<vmem>>, vector<16xf32>,
        tpu.vector_store %arg11[%parallel_loop3A_205, %parallel_loop3A_206, %parallel_loop3A_207], %parallel_loop3A_203 {strides = array<i32>} : memref<2x16x768xf32, #tpu.memory_space<vmem>>, vector<16xf32>,
        %parallel_loop3A_209 = arith.constant 1 : i32
        %parallel_loop3A_210 = arith.index_cast %parallel_loop3A_209 : i32 to index
        %parallel_loop3A_211 = arith.index_cast %parallel_loop3A_176 : i32 to index
        %parallel_loop3A_212 = arith.constant 32 : index
        %parallel_loop3A_213 = tpu.vector_load %arg9[%parallel_loop3A_210, %parallel_loop3A_211, %parallel_loop3A_212] {strides = array<i32>} : memref<2x16x768xf32, #tpu.memory_space<vmem>>, vector<16xf32>,
        %parallel_loop3A_214 = arith.constant 1 : i32
        %parallel_loop3A_215 = arith.index_cast %parallel_loop3A_214 : i32 to index
        %parallel_loop3A_216 = arith.index_cast %parallel_loop3A_176 : i32 to index
        %parallel_loop3A_217 = arith.constant 32 : index
        %parallel_loop3A_218 = tpu.vector_load %arg10[%parallel_loop3A_215, %parallel_loop3A_216, %parallel_loop3A_217] {strides = array<i32>} : memref<2x16x768xf32, #tpu.memory_space<vmem>>, vector<16xf32>,
        %parallel_loop3A_219 = arith.addf %parallel_loop3A_213, %parallel_loop3A_218 : vector<16xf32>
        %parallel_loop3A_220 = arith.constant 1 : i32
        %parallel_loop3A_221 = arith.index_cast %parallel_loop3A_220 : i32 to index
        %parallel_loop3A_222 = arith.index_cast %parallel_loop3A_176 : i32 to index
        %parallel_loop3A_223 = arith.constant 32 : index
        %parallel_loop3A_224 = tpu.vector_load %arg11[%parallel_loop3A_221, %parallel_loop3A_222, %parallel_loop3A_223] {strides = array<i32>} : memref<2x16x768xf32, #tpu.memory_space<vmem>>, vector<16xf32>,
        tpu.vector_store %arg11[%parallel_loop3A_221, %parallel_loop3A_222, %parallel_loop3A_223], %parallel_loop3A_219 {strides = array<i32>} : memref<2x16x768xf32, #tpu.memory_space<vmem>>, vector<16xf32>,
        %parallel_loop3A_225 = arith.constant 1 : i32
        %parallel_loop3A_226 = arith.index_cast %parallel_loop3A_225 : i32 to index
        %parallel_loop3A_227 = arith.index_cast %parallel_loop3A_176 : i32 to index
        %parallel_loop3A_228 = arith.constant 48 : index
        %parallel_loop3A_229 = tpu.vector_load %arg9[%parallel_loop3A_226, %parallel_loop3A_227, %parallel_loop3A_228] {strides = array<i32>} : memref<2x16x768xf32, #tpu.memory_space<vmem>>, vector<16xf32>,
        %parallel_loop3A_230 = arith.constant 1 : i32
        %parallel_loop3A_231 = arith.index_cast %parallel_loop3A_230 : i32 to index
        %parallel_loop3A_232 = arith.index_cast %parallel_loop3A_176 : i32 to index
        %parallel_loop3A_233 = arith.constant 48 : index
        %parallel_loop3A_234 = tpu.vector_load %arg10[%parallel_loop3A_231, %parallel_loop3A_232, %parallel_loop3A_233] {strides = array<i32>} : memref<2x16x768xf32, #tpu.memory_space<vmem>>, vector<16xf32>,
        %parallel_loop3A_235 = arith.addf %parallel_loop3A_229, %parallel_loop3A_234 : vector<16xf32>
        %parallel_loop3A_236 = arith.constant 1 : i32
        %parallel_loop3A_237 = arith.index_cast %parallel_loop3A_236 : i32 to index
        %parallel_loop3A_238 = arith.index_cast %parallel_loop3A_176 : i32 to index
        %parallel_loop3A_239 = arith.constant 48 : index
        %parallel_loop3A_240 = tpu.vector_load %arg11[%parallel_loop3A_237, %parallel_loop3A_238, %parallel_loop3A_239] {strides = array<i32>} : memref<2x16x768xf32, #tpu.memory_space<vmem>>, vector<16xf32>,
        tpu.vector_store %arg11[%parallel_loop3A_237, %parallel_loop3A_238, %parallel_loop3A_239], %parallel_loop3A_235 {strides = array<i32>} : memref<2x16x768xf32, #tpu.memory_space<vmem>>, vector<16xf32>,
        %parallel_loop3A_241 = arith.constant 1 : i32
        %parallel_loop3A_242 = arith.index_cast %parallel_loop3A_241 : i32 to index
        %parallel_loop3A_243 = arith.index_cast %parallel_loop3A_176 : i32 to index
        %parallel_loop3A_244 = arith.constant 64 : index
        %parallel_loop3A_245 = tpu.vector_load %arg9[%parallel_loop3A_242, %parallel_loop3A_243, %parallel_loop3A_244] {strides = array<i32>} : memref<2x16x768xf32, #tpu.memory_space<vmem>>, vector<16xf32>,
        %parallel_loop3A_246 = arith.constant 1 : i32
        %parallel_loop3A_247 = arith.index_cast %parallel_loop3A_246 : i32 to index
        %parallel_loop3A_248 = arith.index_cast %parallel_loop3A_176 : i32 to index
        %parallel_loop3A_249 = arith.constant 64 : index
        %parallel_loop3A_250 = tpu.vector_load %arg10[%parallel_loop3A_247, %parallel_loop3A_248, %parallel_loop3A_249] {strides = array<i32>} : memref<2x16x768xf32, #tpu.memory_space<vmem>>, vector<16xf32>,
        %parallel_loop3A_251 = arith.addf %parallel_loop3A_245, %parallel_loop3A_250 : vector<16xf32>
        %parallel_loop3A_252 = arith.constant 1 : i32
        %parallel_loop3A_253 = arith.index_cast %parallel_loop3A_252 : i32 to index
        %parallel_loop3A_254 = arith.index_cast %parallel_loop3A_176 : i32 to index
        %parallel_loop3A_255 = arith.constant 64 : index
        %parallel_loop3A_256 = tpu.vector_load %arg11[%parallel_loop3A_253, %parallel_loop3A_254, %parallel_loop3A_255] {strides = array<i32>} : memref<2x16x768xf32, #tpu.memory_space<vmem>>, vector<16xf32>,
        tpu.vector_store %arg11[%parallel_loop3A_253, %parallel_loop3A_254, %parallel_loop3A_255], %parallel_loop3A_251 {strides = array<i32>} : memref<2x16x768xf32, #tpu.memory_space<vmem>>, vector<16xf32>,
        %parallel_loop3A_257 = arith.constant 1 : i32
        %parallel_loop3A_258 = arith.index_cast %parallel_loop3A_257 : i32 to index
        %parallel_loop3A_259 = arith.index_cast %parallel_loop3A_176 : i32 to index
        %parallel_loop3A_260 = arith.constant 80 : index
        %parallel_loop3A_261 = tpu.vector_load %arg9[%parallel_loop3A_258, %parallel_loop3A_259, %parallel_loop3A_260] {strides = array<i32>} : memref<2x16x768xf32, #tpu.memory_space<vmem>>, vector<16xf32>,
        %parallel_loop3A_262 = arith.constant 1 : i32
        %parallel_loop3A_263 = arith.index_cast %parallel_loop3A_262 : i32 to index
        %parallel_loop3A_264 = arith.index_cast %parallel_loop3A_176 : i32 to index
        %parallel_loop3A_265 = arith.constant 80 : index
        %parallel_loop3A_266 = tpu.vector_load %arg10[%parallel_loop3A_263, %parallel_loop3A_264, %parallel_loop3A_265] {strides = array<i32>} : memref<2x16x768xf32, #tpu.memory_space<vmem>>, vector<16xf32>,
        %parallel_loop3A_267 = arith.addf %parallel_loop3A_261, %parallel_loop3A_266 : vector<16xf32>
        %parallel_loop3A_268 = arith.constant 1 : i32
        %parallel_loop3A_269 = arith.index_cast %parallel_loop3A_268 : i32 to index
        %parallel_loop3A_270 = arith.index_cast %parallel_loop3A_176 : i32 to index
        %parallel_loop3A_271 = arith.constant 80 : index
        %parallel_loop3A_272 = tpu.vector_load %arg11[%parallel_loop3A_269, %parallel_loop3A_270, %parallel_loop3A_271] {strides = array<i32>} : memref<2x16x768xf32, #tpu.memory_space<vmem>>, vector<16xf32>,
        tpu.vector_store %arg11[%parallel_loop3A_269, %parallel_loop3A_270, %parallel_loop3A_271], %parallel_loop3A_267 {strides = array<i32>} : memref<2x16x768xf32, #tpu.memory_space<vmem>>, vector<16xf32>,
        %parallel_loop3A_273 = arith.constant 1 : i32
        %parallel_loop3A_274 = arith.index_cast %parallel_loop3A_273 : i32 to index
        %parallel_loop3A_275 = arith.index_cast %parallel_loop3A_176 : i32 to index
        %parallel_loop3A_276 = arith.constant 96 : index
        %parallel_loop3A_277 = tpu.vector_load %arg9[%parallel_loop3A_274, %parallel_loop3A_275, %parallel_loop3A_276] {strides = array<i32>} : memref<2x16x768xf32, #tpu.memory_space<vmem>>, vector<16xf32>,
        %parallel_loop3A_278 = arith.constant 1 : i32
        %parallel_loop3A_279 = arith.index_cast %parallel_loop3A_278 : i32 to index
        %parallel_loop3A_280 = arith.index_cast %parallel_loop3A_176 : i32 to index
        %parallel_loop3A_281 = arith.constant 96 : index
        %parallel_loop3A_282 = tpu.vector_load %arg10[%parallel_loop3A_279, %parallel_loop3A_280, %parallel_loop3A_281] {strides = array<i32>} : memref<2x16x768xf32, #tpu.memory_space<vmem>>, vector<16xf32>,
        %parallel_loop3A_283 = arith.addf %parallel_loop3A_277, %parallel_loop3A_282 : vector<16xf32>
        %parallel_loop3A_284 = arith.constant 1 : i32
        %parallel_loop3A_285 = arith.index_cast %parallel_loop3A_284 : i32 to index
        %parallel_loop3A_286 = arith.index_cast %parallel_loop3A_176 : i32 to index
        %parallel_loop3A_287 = arith.constant 96 : index
        %parallel_loop3A_288 = tpu.vector_load %arg11[%parallel_loop3A_285, %parallel_loop3A_286, %parallel_loop3A_287] {strides = array<i32>} : memref<2x16x768xf32, #tpu.memory_space<vmem>>, vector<16xf32>,
        tpu.vector_store %arg11[%parallel_loop3A_285, %parallel_loop3A_286, %parallel_loop3A_287], %parallel_loop3A_283 {strides = array<i32>} : memref<2x16x768xf32, #tpu.memory_space<vmem>>, vector<16xf32>,
        %parallel_loop3A_289 = arith.constant 1 : i32
        %parallel_loop3A_290 = arith.index_cast %parallel_loop3A_289 : i32 to index
        %parallel_loop3A_291 = arith.index_cast %parallel_loop3A_176 : i32 to index
        %parallel_loop3A_292 = arith.constant 112 : index
        %parallel_loop3A_293 = tpu.vector_load %arg9[%parallel_loop3A_290, %parallel_loop3A_291, %parallel_loop3A_292] {strides = array<i32>} : memref<2x16x768xf32, #tpu.memory_space<vmem>>, vector<16xf32>,
        %parallel_loop3A_294 = arith.constant 1 : i32
        %parallel_loop3A_295 = arith.index_cast %parallel_loop3A_294 : i32 to index
        %parallel_loop3A_296 = arith.index_cast %parallel_loop3A_176 : i32 to index
        %parallel_loop3A_297 = arith.constant 112 : index
        %parallel_loop3A_298 = tpu.vector_load %arg10[%parallel_loop3A_295, %parallel_loop3A_296, %parallel_loop3A_297] {strides = array<i32>} : memref<2x16x768xf32, #tpu.memory_space<vmem>>, vector<16xf32>,
        %parallel_loop3A_299 = arith.addf %parallel_loop3A_293, %parallel_loop3A_298 : vector<16xf32>
        %parallel_loop3A_300 = arith.constant 1 : i32
        %parallel_loop3A_301 = arith.index_cast %parallel_loop3A_300 : i32 to index
        %parallel_loop3A_302 = arith.index_cast %parallel_loop3A_176 : i32 to index
        %parallel_loop3A_303 = arith.constant 112 : index
        %parallel_loop3A_304 = tpu.vector_load %arg11[%parallel_loop3A_301, %parallel_loop3A_302, %parallel_loop3A_303] {strides = array<i32>} : memref<2x16x768xf32, #tpu.memory_space<vmem>>, vector<16xf32>,
        tpu.vector_store %arg11[%parallel_loop3A_301, %parallel_loop3A_302, %parallel_loop3A_303], %parallel_loop3A_299 {strides = array<i32>} : memref<2x16x768xf32, #tpu.memory_space<vmem>>, vector<16xf32>,
        %parallel_loop3A_305 = arith.constant 1 : i32
        %parallel_loop3A_306 = arith.index_cast %parallel_loop3A_305 : i32 to index
        %parallel_loop3A_307 = arith.index_cast %parallel_loop3A_176 : i32 to index
        %parallel_loop3A_308 = arith.constant 128 : index
        %parallel_loop3A_309 = tpu.vector_load %arg9[%parallel_loop3A_306, %parallel_loop3A_307, %parallel_loop3A_308] {strides = array<i32>} : memref<2x16x768xf32, #tpu.memory_space<vmem>>, vector<16xf32>,
        %parallel_loop3A_310 = arith.constant 1 : i32
        %parallel_loop3A_311 = arith.index_cast %parallel_loop3A_310 : i32 to index
        %parallel_loop3A_312 = arith.index_cast %parallel_loop3A_176 : i32 to index
        %parallel_loop3A_313 = arith.constant 128 : index
        %parallel_loop3A_314 = tpu.vector_load %arg10[%parallel_loop3A_311, %parallel_loop3A_312, %parallel_loop3A_313] {strides = array<i32>} : memref<2x16x768xf32, #tpu.memory_space<vmem>>, vector<16xf32>,
        %parallel_loop3A_315 = arith.addf %parallel_loop3A_309, %parallel_loop3A_314 : vector<16xf32>
        %parallel_loop3A_316 = arith.constant 1 : i32
        %parallel_loop3A_317 = arith.index_cast %parallel_loop3A_316 : i32 to index
        %parallel_loop3A_318 = arith.index_cast %parallel_loop3A_176 : i32 to index
        %parallel_loop3A_319 = arith.constant 128 : index
        %parallel_loop3A_320 = tpu.vector_load %arg11[%parallel_loop3A_317, %parallel_loop3A_318, %parallel_loop3A_319] {strides = array<i32>} : memref<2x16x768xf32, #tpu.memory_space<vmem>>, vector<16xf32>,
        tpu.vector_store %arg11[%parallel_loop3A_317, %parallel_loop3A_318, %parallel_loop3A_319], %parallel_loop3A_315 {strides = array<i32>} : memref<2x16x768xf32, #tpu.memory_space<vmem>>, vector<16xf32>,
        %parallel_loop3A_321 = arith.constant 1 : i32
        %parallel_loop3A_322 = arith.index_cast %parallel_loop3A_321 : i32 to index
        %parallel_loop3A_323 = arith.index_cast %parallel_loop3A_176 : i32 to index
        %parallel_loop3A_324 = arith.constant 144 : index
        %parallel_loop3A_325 = tpu.vector_load %arg9[%parallel_loop3A_322, %parallel_loop3A_323, %parallel_loop3A_324] {strides = array<i32>} : memref<2x16x768xf32, #tpu.memory_space<vmem>>, vector<16xf32>,
        %parallel_loop3A_326 = arith.constant 1 : i32
        %parallel_loop3A_327 = arith.index_cast %parallel_loop3A_326 : i32 to index
        %parallel_loop3A_328 = arith.index_cast %parallel_loop3A_176 : i32 to index
        %parallel_loop3A_329 = arith.constant 144 : index
        %parallel_loop3A_330 = tpu.vector_load %arg10[%parallel_loop3A_327, %parallel_loop3A_328, %parallel_loop3A_329] {strides = array<i32>} : memref<2x16x768xf32, #tpu.memory_space<vmem>>, vector<16xf32>,
        %parallel_loop3A_331 = arith.addf %parallel_loop3A_325, %parallel_loop3A_330 : vector<16xf32>
        %parallel_loop3A_332 = arith.constant 1 : i32
        %parallel_loop3A_333 = arith.index_cast %parallel_loop3A_332 : i32 to index
        %parallel_loop3A_334 = arith.index_cast %parallel_loop3A_176 : i32 to index
        %parallel_loop3A_335 = arith.constant 144 : index
        %parallel_loop3A_336 = tpu.vector_load %arg11[%parallel_loop3A_333, %parallel_loop3A_334, %parallel_loop3A_335] {strides = array<i32>} : memref<2x16x768xf32, #tpu.memory_space<vmem>>, vector<16xf32>,
        tpu.vector_store %arg11[%parallel_loop3A_333, %parallel_loop3A_334, %parallel_loop3A_335], %parallel_loop3A_331 {strides = array<i32>} : memref<2x16x768xf32, #tpu.memory_space<vmem>>, vector<16xf32>,
        %parallel_loop3A_337 = arith.constant 1 : i32
        %parallel_loop3A_338 = arith.index_cast %parallel_loop3A_337 : i32 to index
        %parallel_loop3A_339 = arith.index_cast %parallel_loop3A_176 : i32 to index
        %parallel_loop3A_340 = arith.constant 160 : index
        %parallel_loop3A_341 = tpu.vector_load %arg9[%parallel_loop3A_338, %parallel_loop3A_339, %parallel_loop3A_340] {strides = array<i32>} : memref<2x16x768xf32, #tpu.memory_space<vmem>>, vector<16xf32>,
        %parallel_loop3A_342 = arith.constant 1 : i32
        %parallel_loop3A_343 = arith.index_cast %parallel_loop3A_342 : i32 to index
        %parallel_loop3A_344 = arith.index_cast %parallel_loop3A_176 : i32 to index
        %parallel_loop3A_345 = arith.constant 160 : index
        %parallel_loop3A_346 = tpu.vector_load %arg10[%parallel_loop3A_343, %parallel_loop3A_344, %parallel_loop3A_345] {strides = array<i32>} : memref<2x16x768xf32, #tpu.memory_space<vmem>>, vector<16xf32>,
        %parallel_loop3A_347 = arith.addf %parallel_loop3A_341, %parallel_loop3A_346 : vector<16xf32>
        %parallel_loop3A_348 = arith.constant 1 : i32
        %parallel_loop3A_349 = arith.index_cast %parallel_loop3A_348 : i32 to index
        %parallel_loop3A_350 = arith.index_cast %parallel_loop3A_176 : i32 to index
        %parallel_loop3A_351 = arith.constant 160 : index
        %parallel_loop3A_352 = tpu.vector_load %arg11[%parallel_loop3A_349, %parallel_loop3A_350, %parallel_loop3A_351] {strides = array<i32>} : memref<2x16x768xf32, #tpu.memory_space<vmem>>, vector<16xf32>,
        tpu.vector_store %arg11[%parallel_loop3A_349, %parallel_loop3A_350, %parallel_loop3A_351], %parallel_loop3A_347 {strides = array<i32>} : memref<2x16x768xf32, #tpu.memory_space<vmem>>, vector<16xf32>,
        %parallel_loop3A_353 = arith.constant 1 : i32
        %parallel_loop3A_354 = arith.index_cast %parallel_loop3A_353 : i32 to index
        %parallel_loop3A_355 = arith.index_cast %parallel_loop3A_176 : i32 to index
        %parallel_loop3A_356 = arith.constant 176 : index
        %parallel_loop3A_357 = tpu.vector_load %arg9[%parallel_loop3A_354, %parallel_loop3A_355, %parallel_loop3A_356] {strides = array<i32>} : memref<2x16x768xf32, #tpu.memory_space<vmem>>, vector<16xf32>,
        %parallel_loop3A_358 = arith.constant 1 : i32
        %parallel_loop3A_359 = arith.index_cast %parallel_loop3A_358 : i32 to index
        %parallel_loop3A_360 = arith.index_cast %parallel_loop3A_176 : i32 to index
        %parallel_loop3A_361 = arith.constant 176 : index
        %parallel_loop3A_362 = tpu.vector_load %arg10[%parallel_loop3A_359, %parallel_loop3A_360, %parallel_loop3A_361] {strides = array<i32>} : memref<2x16x768xf32, #tpu.memory_space<vmem>>, vector<16xf32>,
        %parallel_loop3A_363 = arith.addf %parallel_loop3A_357, %parallel_loop3A_362 : vector<16xf32>
        %parallel_loop3A_364 = arith.constant 1 : i32
        %parallel_loop3A_365 = arith.index_cast %parallel_loop3A_364 : i32 to index
        %parallel_loop3A_366 = arith.index_cast %parallel_loop3A_176 : i32 to index
        %parallel_loop3A_367 = arith.constant 176 : index
        %parallel_loop3A_368 = tpu.vector_load %arg11[%parallel_loop3A_365, %parallel_loop3A_366, %parallel_loop3A_367] {strides = array<i32>} : memref<2x16x768xf32, #tpu.memory_space<vmem>>, vector<16xf32>,
        tpu.vector_store %arg11[%parallel_loop3A_365, %parallel_loop3A_366, %parallel_loop3A_367], %parallel_loop3A_363 {strides = array<i32>} : memref<2x16x768xf32, #tpu.memory_space<vmem>>, vector<16xf32>,
        %parallel_loop3A_369 = arith.constant 1 : i32
        %parallel_loop3A_370 = arith.index_cast %parallel_loop3A_369 : i32 to index
        %parallel_loop3A_371 = arith.index_cast %parallel_loop3A_176 : i32 to index
        %parallel_loop3A_372 = arith.constant 192 : index
        %parallel_loop3A_373 = tpu.vector_load %arg9[%parallel_loop3A_370, %parallel_loop3A_371, %parallel_loop3A_372] {strides = array<i32>} : memref<2x16x768xf32, #tpu.memory_space<vmem>>, vector<16xf32>,
        %parallel_loop3A_374 = arith.constant 1 : i32
        %parallel_loop3A_375 = arith.index_cast %parallel_loop3A_374 : i32 to index
        %parallel_loop3A_376 = arith.index_cast %parallel_loop3A_176 : i32 to index
        %parallel_loop3A_377 = arith.constant 192 : index
        %parallel_loop3A_378 = tpu.vector_load %arg10[%parallel_loop3A_375, %parallel_loop3A_376, %parallel_loop3A_377] {strides = array<i32>} : memref<2x16x768xf32, #tpu.memory_space<vmem>>, vector<16xf32>,
        %parallel_loop3A_379 = arith.addf %parallel_loop3A_373, %parallel_loop3A_378 : vector<16xf32>
        %parallel_loop3A_380 = arith.constant 1 : i32
        %parallel_loop3A_381 = arith.index_cast %parallel_loop3A_380 : i32 to index
        %parallel_loop3A_382 = arith.index_cast %parallel_loop3A_176 : i32 to index
        %parallel_loop3A_383 = arith.constant 192 : index
        %parallel_loop3A_384 = tpu.vector_load %arg11[%parallel_loop3A_381, %parallel_loop3A_382, %parallel_loop3A_383] {strides = array<i32>} : memref<2x16x768xf32, #tpu.memory_space<vmem>>, vector<16xf32>,
        tpu.vector_store %arg11[%parallel_loop3A_381, %parallel_loop3A_382, %parallel_loop3A_383], %parallel_loop3A_379 {strides = array<i32>} : memref<2x16x768xf32, #tpu.memory_space<vmem>>, vector<16xf32>,
        %parallel_loop3A_385 = arith.constant 1 : i32
        %parallel_loop3A_386 = arith.index_cast %parallel_loop3A_385 : i32 to index
        %parallel_loop3A_387 = arith.index_cast %parallel_loop3A_176 : i32 to index
        %parallel_loop3A_388 = arith.constant 208 : index
        %parallel_loop3A_389 = tpu.vector_load %arg9[%parallel_loop3A_386, %parallel_loop3A_387, %parallel_loop3A_388] {strides = array<i32>} : memref<2x16x768xf32, #tpu.memory_space<vmem>>, vector<16xf32>,
        %parallel_loop3A_390 = arith.constant 1 : i32
        %parallel_loop3A_391 = arith.index_cast %parallel_loop3A_390 : i32 to index
        %parallel_loop3A_392 = arith.index_cast %parallel_loop3A_176 : i32 to index
        %parallel_loop3A_393 = arith.constant 208 : index
        %parallel_loop3A_394 = tpu.vector_load %arg10[%parallel_loop3A_391, %parallel_loop3A_392, %parallel_loop3A_393] {strides = array<i32>} : memref<2x16x768xf32, #tpu.memory_space<vmem>>, vector<16xf32>,
        %parallel_loop3A_395 = arith.addf %parallel_loop3A_389, %parallel_loop3A_394 : vector<16xf32>
        %parallel_loop3A_396 = arith.constant 1 : i32
        %parallel_loop3A_397 = arith.index_cast %parallel_loop3A_396 : i32 to index
        %parallel_loop3A_398 = arith.index_cast %parallel_loop3A_176 : i32 to index
        %parallel_loop3A_399 = arith.constant 208 : index
        %parallel_loop3A_400 = tpu.vector_load %arg11[%parallel_loop3A_397, %parallel_loop3A_398, %parallel_loop3A_399] {strides = array<i32>} : memref<2x16x768xf32, #tpu.memory_space<vmem>>, vector<16xf32>,
        tpu.vector_store %arg11[%parallel_loop3A_397, %parallel_loop3A_398, %parallel_loop3A_399], %parallel_loop3A_395 {strides = array<i32>} : memref<2x16x768xf32, #tpu.memory_space<vmem>>, vector<16xf32>,
        %parallel_loop3A_401 = arith.constant 1 : i32
        %parallel_loop3A_402 = arith.index_cast %parallel_loop3A_401 : i32 to index
        %parallel_loop3A_403 = arith.index_cast %parallel_loop3A_176 : i32 to index
        %parallel_loop3A_404 = arith.constant 224 : index
        %parallel_loop3A_405 = tpu.vector_load %arg9[%parallel_loop3A_402, %parallel_loop3A_403, %parallel_loop3A_404] {strides = array<i32>} : memref<2x16x768xf32, #tpu.memory_space<vmem>>, vector<16xf32>,
        %parallel_loop3A_406 = arith.constant 1 : i32
        %parallel_loop3A_407 = arith.index_cast %parallel_loop3A_406 : i32 to index
        %parallel_loop3A_408 = arith.index_cast %parallel_loop3A_176 : i32 to index
        %parallel_loop3A_409 = arith.constant 224 : index
        %parallel_loop3A_410 = tpu.vector_load %arg10[%parallel_loop3A_407, %parallel_loop3A_408, %parallel_loop3A_409] {strides = array<i32>} : memref<2x16x768xf32, #tpu.memory_space<vmem>>, vector<16xf32>,
        %parallel_loop3A_411 = arith.addf %parallel_loop3A_405, %parallel_loop3A_410 : vector<16xf32>
        %parallel_loop3A_412 = arith.constant 1 : i32
        %parallel_loop3A_413 = arith.index_cast %parallel_loop3A_412 : i32 to index
        %parallel_loop3A_414 = arith.index_cast %parallel_loop3A_176 : i32 to index
        %parallel_loop3A_415 = arith.constant 224 : index
        %parallel_loop3A_416 = tpu.vector_load %arg11[%parallel_loop3A_413, %parallel_loop3A_414, %parallel_loop3A_415] {strides = array<i32>} : memref<2x16x768xf32, #tpu.memory_space<vmem>>, vector<16xf32>,
        tpu.vector_store %arg11[%parallel_loop3A_413, %parallel_loop3A_414, %parallel_loop3A_415], %parallel_loop3A_411 {strides = array<i32>} : memref<2x16x768xf32, #tpu.memory_space<vmem>>, vector<16xf32>,
        %parallel_loop3A_417 = arith.constant 1 : i32
        %parallel_loop3A_418 = arith.index_cast %parallel_loop3A_417 : i32 to index
        %parallel_loop3A_419 = arith.index_cast %parallel_loop3A_176 : i32 to index
        %parallel_loop3A_420 = arith.constant 240 : index
        %parallel_loop3A_421 = tpu.vector_load %arg9[%parallel_loop3A_418, %parallel_loop3A_419, %parallel_loop3A_420] {strides = array<i32>} : memref<2x16x768xf32, #tpu.memory_space<vmem>>, vector<16xf32>,
        %parallel_loop3A_422 = arith.constant 1 : i32
        %parallel_loop3A_423 = arith.index_cast %parallel_loop3A_422 : i32 to index
        %parallel_loop3A_424 = arith.index_cast %parallel_loop3A_176 : i32 to index
        %parallel_loop3A_425 = arith.constant 240 : index
        %parallel_loop3A_426 = tpu.vector_load %arg10[%parallel_loop3A_423, %parallel_loop3A_424, %parallel_loop3A_425] {strides = array<i32>} : memref<2x16x768xf32, #tpu.memory_space<vmem>>, vector<16xf32>,
        %parallel_loop3A_427 = arith.addf %parallel_loop3A_421, %parallel_loop3A_426 : vector<16xf32>
        %parallel_loop3A_428 = arith.constant 1 : i32
        %parallel_loop3A_429 = arith.index_cast %parallel_loop3A_428 : i32 to index
        %parallel_loop3A_430 = arith.index_cast %parallel_loop3A_176 : i32 to index
        %parallel_loop3A_431 = arith.constant 240 : index
        %parallel_loop3A_432 = tpu.vector_load %arg11[%parallel_loop3A_429, %parallel_loop3A_430, %parallel_loop3A_431] {strides = array<i32>} : memref<2x16x768xf32, #tpu.memory_space<vmem>>, vector<16xf32>,
        tpu.vector_store %arg11[%parallel_loop3A_429, %parallel_loop3A_430, %parallel_loop3A_431], %parallel_loop3A_427 {strides = array<i32>} : memref<2x16x768xf32, #tpu.memory_space<vmem>>, vector<16xf32>,
        %parallel_loop3A_433 = arith.constant 1 : i32
        %parallel_loop3A_434 = arith.index_cast %parallel_loop3A_433 : i32 to index
        %parallel_loop3A_435 = arith.index_cast %parallel_loop3A_176 : i32 to index
        %parallel_loop3A_436 = arith.constant 256 : index
        %parallel_loop3A_437 = tpu.vector_load %arg9[%parallel_loop3A_434, %parallel_loop3A_435, %parallel_loop3A_436] {strides = array<i32>} : memref<2x16x768xf32, #tpu.memory_space<vmem>>, vector<16xf32>,
        %parallel_loop3A_438 = arith.constant 1 : i32
        %parallel_loop3A_439 = arith.index_cast %parallel_loop3A_438 : i32 to index
        %parallel_loop3A_440 = arith.index_cast %parallel_loop3A_176 : i32 to index
        %parallel_loop3A_441 = arith.constant 256 : index
        %parallel_loop3A_442 = tpu.vector_load %arg10[%parallel_loop3A_439, %parallel_loop3A_440, %parallel_loop3A_441] {strides = array<i32>} : memref<2x16x768xf32, #tpu.memory_space<vmem>>, vector<16xf32>,
        %parallel_loop3A_443 = arith.addf %parallel_loop3A_437, %parallel_loop3A_442 : vector<16xf32>
        %parallel_loop3A_444 = arith.constant 1 : i32
        %parallel_loop3A_445 = arith.index_cast %parallel_loop3A_444 : i32 to index
        %parallel_loop3A_446 = arith.index_cast %parallel_loop3A_176 : i32 to index
        %parallel_loop3A_447 = arith.constant 256 : index
        %parallel_loop3A_448 = tpu.vector_load %arg11[%parallel_loop3A_445, %parallel_loop3A_446, %parallel_loop3A_447] {strides = array<i32>} : memref<2x16x768xf32, #tpu.memory_space<vmem>>, vector<16xf32>,
        tpu.vector_store %arg11[%parallel_loop3A_445, %parallel_loop3A_446, %parallel_loop3A_447], %parallel_loop3A_443 {strides = array<i32>} : memref<2x16x768xf32, #tpu.memory_space<vmem>>, vector<16xf32>,
        %parallel_loop3A_449 = arith.constant 1 : i32
        %parallel_loop3A_450 = arith.index_cast %parallel_loop3A_449 : i32 to index
        %parallel_loop3A_451 = arith.index_cast %parallel_loop3A_176 : i32 to index
        %parallel_loop3A_452 = arith.constant 272 : index
        %parallel_loop3A_453 = tpu.vector_load %arg9[%parallel_loop3A_450, %parallel_loop3A_451, %parallel_loop3A_452] {strides = array<i32>} : memref<2x16x768xf32, #tpu.memory_space<vmem>>, vector<16xf32>,
        %parallel_loop3A_454 = arith.constant 1 : i32
        %parallel_loop3A_455 = arith.index_cast %parallel_loop3A_454 : i32 to index
        %parallel_loop3A_456 = arith.index_cast %parallel_loop3A_176 : i32 to index
        %parallel_loop3A_457 = arith.constant 272 : index
        %parallel_loop3A_458 = tpu.vector_load %arg10[%parallel_loop3A_455, %parallel_loop3A_456, %parallel_loop3A_457] {strides = array<i32>} : memref<2x16x768xf32, #tpu.memory_space<vmem>>, vector<16xf32>,
        %parallel_loop3A_459 = arith.addf %parallel_loop3A_453, %parallel_loop3A_458 : vector<16xf32>
        %parallel_loop3A_460 = arith.constant 1 : i32
        %parallel_loop3A_461 = arith.index_cast %parallel_loop3A_460 : i32 to index
        %parallel_loop3A_462 = arith.index_cast %parallel_loop3A_176 : i32 to index
        %parallel_loop3A_463 = arith.constant 272 : index
        %parallel_loop3A_464 = tpu.vector_load %arg11[%parallel_loop3A_461, %parallel_loop3A_462, %parallel_loop3A_463] {strides = array<i32>} : memref<2x16x768xf32, #tpu.memory_space<vmem>>, vector<16xf32>,
        tpu.vector_store %arg11[%parallel_loop3A_461, %parallel_loop3A_462, %parallel_loop3A_463], %parallel_loop3A_459 {strides = array<i32>} : memref<2x16x768xf32, #tpu.memory_space<vmem>>, vector<16xf32>,
        %parallel_loop3A_465 = arith.constant 1 : i32
        %parallel_loop3A_466 = arith.index_cast %parallel_loop3A_465 : i32 to index
        %parallel_loop3A_467 = arith.index_cast %parallel_loop3A_176 : i32 to index
        %parallel_loop3A_468 = arith.constant 288 : index
        %parallel_loop3A_469 = tpu.vector_load %arg9[%parallel_loop3A_466, %parallel_loop3A_467, %parallel_loop3A_468] {strides = array<i32>} : memref<2x16x768xf32, #tpu.memory_space<vmem>>, vector<16xf32>,
        %parallel_loop3A_470 = arith.constant 1 : i32
        %parallel_loop3A_471 = arith.index_cast %parallel_loop3A_470 : i32 to index
        %parallel_loop3A_472 = arith.index_cast %parallel_loop3A_176 : i32 to index
        %parallel_loop3A_473 = arith.constant 288 : index
        %parallel_loop3A_474 = tpu.vector_load %arg10[%parallel_loop3A_471, %parallel_loop3A_472, %parallel_loop3A_473] {strides = array<i32>} : memref<2x16x768xf32, #tpu.memory_space<vmem>>, vector<16xf32>,
        %parallel_loop3A_475 = arith.addf %parallel_loop3A_469, %parallel_loop3A_474 : vector<16xf32>
        %parallel_loop3A_476 = arith.constant 1 : i32
        %parallel_loop3A_477 = arith.index_cast %parallel_loop3A_476 : i32 to index
        %parallel_loop3A_478 = arith.index_cast %parallel_loop3A_176 : i32 to index
        %parallel_loop3A_479 = arith.constant 288 : index
        %parallel_loop3A_480 = tpu.vector_load %arg11[%parallel_loop3A_477, %parallel_loop3A_478, %parallel_loop3A_479] {strides = array<i32>} : memref<2x16x768xf32, #tpu.memory_space<vmem>>, vector<16xf32>,
        tpu.vector_store %arg11[%parallel_loop3A_477, %parallel_loop3A_478, %parallel_loop3A_479], %parallel_loop3A_475 {strides = array<i32>} : memref<2x16x768xf32, #tpu.memory_space<vmem>>, vector<16xf32>,
        %parallel_loop3A_481 = arith.constant 1 : i32
        %parallel_loop3A_482 = arith.index_cast %parallel_loop3A_481 : i32 to index
        %parallel_loop3A_483 = arith.index_cast %parallel_loop3A_176 : i32 to index
        %parallel_loop3A_484 = arith.constant 304 : index
        %parallel_loop3A_485 = tpu.vector_load %arg9[%parallel_loop3A_482, %parallel_loop3A_483, %parallel_loop3A_484] {strides = array<i32>} : memref<2x16x768xf32, #tpu.memory_space<vmem>>, vector<16xf32>,
        %parallel_loop3A_486 = arith.constant 1 : i32
        %parallel_loop3A_487 = arith.index_cast %parallel_loop3A_486 : i32 to index
        %parallel_loop3A_488 = arith.index_cast %parallel_loop3A_176 : i32 to index
        %parallel_loop3A_489 = arith.constant 304 : index
        %parallel_loop3A_490 = tpu.vector_load %arg10[%parallel_loop3A_487, %parallel_loop3A_488, %parallel_loop3A_489] {strides = array<i32>} : memref<2x16x768xf32, #tpu.memory_space<vmem>>, vector<16xf32>,
        %parallel_loop3A_491 = arith.addf %parallel_loop3A_485, %parallel_loop3A_490 : vector<16xf32>
        %parallel_loop3A_492 = arith.constant 1 : i32
        %parallel_loop3A_493 = arith.index_cast %parallel_loop3A_492 : i32 to index
        %parallel_loop3A_494 = arith.index_cast %parallel_loop3A_176 : i32 to index
        %parallel_loop3A_495 = arith.constant 304 : index
        %parallel_loop3A_496 = tpu.vector_load %arg11[%parallel_loop3A_493, %parallel_loop3A_494, %parallel_loop3A_495] {strides = array<i32>} : memref<2x16x768xf32, #tpu.memory_space<vmem>>, vector<16xf32>,
        tpu.vector_store %arg11[%parallel_loop3A_493, %parallel_loop3A_494, %parallel_loop3A_495], %parallel_loop3A_491 {strides = array<i32>} : memref<2x16x768xf32, #tpu.memory_space<vmem>>, vector<16xf32>,
        %parallel_loop3A_497 = arith.constant 1 : i32
        %parallel_loop3A_498 = arith.index_cast %parallel_loop3A_497 : i32 to index
        %parallel_loop3A_499 = arith.index_cast %parallel_loop3A_176 : i32 to index
        %parallel_loop3A_500 = arith.constant 320 : index
        %parallel_loop3A_501 = tpu.vector_load %arg9[%parallel_loop3A_498, %parallel_loop3A_499, %parallel_loop3A_500] {strides = array<i32>} : memref<2x16x768xf32, #tpu.memory_space<vmem>>, vector<16xf32>,
        %parallel_loop3A_502 = arith.constant 1 : i32
        %parallel_loop3A_503 = arith.index_cast %parallel_loop3A_502 : i32 to index
        %parallel_loop3A_504 = arith.index_cast %parallel_loop3A_176 : i32 to index
        %parallel_loop3A_505 = arith.constant 320 : index
        %parallel_loop3A_506 = tpu.vector_load %arg10[%parallel_loop3A_503, %parallel_loop3A_504, %parallel_loop3A_505] {strides = array<i32>} : memref<2x16x768xf32, #tpu.memory_space<vmem>>, vector<16xf32>,
        %parallel_loop3A_507 = arith.addf %parallel_loop3A_501, %parallel_loop3A_506 : vector<16xf32>
        %parallel_loop3A_508 = arith.constant 1 : i32
        %parallel_loop3A_509 = arith.index_cast %parallel_loop3A_508 : i32 to index
        %parallel_loop3A_510 = arith.index_cast %parallel_loop3A_176 : i32 to index
        %parallel_loop3A_511 = arith.constant 320 : index
        %parallel_loop3A_512 = tpu.vector_load %arg11[%parallel_loop3A_509, %parallel_loop3A_510, %parallel_loop3A_511] {strides = array<i32>} : memref<2x16x768xf32, #tpu.memory_space<vmem>>, vector<16xf32>,
        tpu.vector_store %arg11[%parallel_loop3A_509, %parallel_loop3A_510, %parallel_loop3A_511], %parallel_loop3A_507 {strides = array<i32>} : memref<2x16x768xf32, #tpu.memory_space<vmem>>, vector<16xf32>,
        %parallel_loop3A_513 = arith.constant 1 : i32
        %parallel_loop3A_514 = arith.index_cast %parallel_loop3A_513 : i32 to index
        %parallel_loop3A_515 = arith.index_cast %parallel_loop3A_176 : i32 to index
        %parallel_loop3A_516 = arith.constant 336 : index
        %parallel_loop3A_517 = tpu.vector_load %arg9[%parallel_loop3A_514, %parallel_loop3A_515, %parallel_loop3A_516] {strides = array<i32>} : memref<2x16x768xf32, #tpu.memory_space<vmem>>, vector<16xf32>,
        %parallel_loop3A_518 = arith.constant 1 : i32
        %parallel_loop3A_519 = arith.index_cast %parallel_loop3A_518 : i32 to index
        %parallel_loop3A_520 = arith.index_cast %parallel_loop3A_176 : i32 to index
        %parallel_loop3A_521 = arith.constant 336 : index
        %parallel_loop3A_522 = tpu.vector_load %arg10[%parallel_loop3A_519, %parallel_loop3A_520, %parallel_loop3A_521] {strides = array<i32>} : memref<2x16x768xf32, #tpu.memory_space<vmem>>, vector<16xf32>,
        %parallel_loop3A_523 = arith.addf %parallel_loop3A_517, %parallel_loop3A_522 : vector<16xf32>
        %parallel_loop3A_524 = arith.constant 1 : i32
        %parallel_loop3A_525 = arith.index_cast %parallel_loop3A_524 : i32 to index
        %parallel_loop3A_526 = arith.index_cast %parallel_loop3A_176 : i32 to index
        %parallel_loop3A_527 = arith.constant 336 : index
        %parallel_loop3A_528 = tpu.vector_load %arg11[%parallel_loop3A_525, %parallel_loop3A_526, %parallel_loop3A_527] {strides = array<i32>} : memref<2x16x768xf32, #tpu.memory_space<vmem>>, vector<16xf32>,
        tpu.vector_store %arg11[%parallel_loop3A_525, %parallel_loop3A_526, %parallel_loop3A_527], %parallel_loop3A_523 {strides = array<i32>} : memref<2x16x768xf32, #tpu.memory_space<vmem>>, vector<16xf32>,
        %parallel_loop3A_529 = arith.constant 1 : i32
        %parallel_loop3A_530 = arith.index_cast %parallel_loop3A_529 : i32 to index
        %parallel_loop3A_531 = arith.index_cast %parallel_loop3A_176 : i32 to index
        %parallel_loop3A_532 = arith.constant 352 : index
        %parallel_loop3A_533 = tpu.vector_load %arg9[%parallel_loop3A_530, %parallel_loop3A_531, %parallel_loop3A_532] {strides = array<i32>} : memref<2x16x768xf32, #tpu.memory_space<vmem>>, vector<16xf32>,
        %parallel_loop3A_534 = arith.constant 1 : i32
        %parallel_loop3A_535 = arith.index_cast %parallel_loop3A_534 : i32 to index
        %parallel_loop3A_536 = arith.index_cast %parallel_loop3A_176 : i32 to index
        %parallel_loop3A_537 = arith.constant 352 : index
        %parallel_loop3A_538 = tpu.vector_load %arg10[%parallel_loop3A_535, %parallel_loop3A_536, %parallel_loop3A_537] {strides = array<i32>} : memref<2x16x768xf32, #tpu.memory_space<vmem>>, vector<16xf32>,
        %parallel_loop3A_539 = arith.addf %parallel_loop3A_533, %parallel_loop3A_538 : vector<16xf32>
        %parallel_loop3A_540 = arith.constant 1 : i32
        %parallel_loop3A_541 = arith.index_cast %parallel_loop3A_540 : i32 to index
        %parallel_loop3A_542 = arith.index_cast %parallel_loop3A_176 : i32 to index
        %parallel_loop3A_543 = arith.constant 352 : index
        %parallel_loop3A_544 = tpu.vector_load %arg11[%parallel_loop3A_541, %parallel_loop3A_542, %parallel_loop3A_543] {strides = array<i32>} : memref<2x16x768xf32, #tpu.memory_space<vmem>>, vector<16xf32>,
        tpu.vector_store %arg11[%parallel_loop3A_541, %parallel_loop3A_542, %parallel_loop3A_543], %parallel_loop3A_539 {strides = array<i32>} : memref<2x16x768xf32, #tpu.memory_space<vmem>>, vector<16xf32>,
        %parallel_loop3A_545 = arith.constant 1 : i32
        %parallel_loop3A_546 = arith.index_cast %parallel_loop3A_545 : i32 to index
        %parallel_loop3A_547 = arith.index_cast %parallel_loop3A_176 : i32 to index
        %parallel_loop3A_548 = arith.constant 368 : index
        %parallel_loop3A_549 = tpu.vector_load %arg9[%parallel_loop3A_546, %parallel_loop3A_547, %parallel_loop3A_548] {strides = array<i32>} : memref<2x16x768xf32, #tpu.memory_space<vmem>>, vector<16xf32>,
        %parallel_loop3A_550 = arith.constant 1 : i32
        %parallel_loop3A_551 = arith.index_cast %parallel_loop3A_550 : i32 to index
        %parallel_loop3A_552 = arith.index_cast %parallel_loop3A_176 : i32 to index
        %parallel_loop3A_553 = arith.constant 368 : index
        %parallel_loop3A_554 = tpu.vector_load %arg10[%parallel_loop3A_551, %parallel_loop3A_552, %parallel_loop3A_553] {strides = array<i32>} : memref<2x16x768xf32, #tpu.memory_space<vmem>>, vector<16xf32>,
        %parallel_loop3A_555 = arith.addf %parallel_loop3A_549, %parallel_loop3A_554 : vector<16xf32>
        %parallel_loop3A_556 = arith.constant 1 : i32
        %parallel_loop3A_557 = arith.index_cast %parallel_loop3A_556 : i32 to index
        %parallel_loop3A_558 = arith.index_cast %parallel_loop3A_176 : i32 to index
        %parallel_loop3A_559 = arith.constant 368 : index
        %parallel_loop3A_560 = tpu.vector_load %arg11[%parallel_loop3A_557, %parallel_loop3A_558, %parallel_loop3A_559] {strides = array<i32>} : memref<2x16x768xf32, #tpu.memory_space<vmem>>, vector<16xf32>,
        tpu.vector_store %arg11[%parallel_loop3A_557, %parallel_loop3A_558, %parallel_loop3A_559], %parallel_loop3A_555 {strides = array<i32>} : memref<2x16x768xf32, #tpu.memory_space<vmem>>, vector<16xf32>,
        %parallel_loop3A_561 = arith.constant 1 : i32
        %parallel_loop3A_562 = arith.index_cast %parallel_loop3A_561 : i32 to index
        %parallel_loop3A_563 = arith.index_cast %parallel_loop3A_176 : i32 to index
        %parallel_loop3A_564 = arith.constant 384 : index
        %parallel_loop3A_565 = tpu.vector_load %arg9[%parallel_loop3A_562, %parallel_loop3A_563, %parallel_loop3A_564] {strides = array<i32>} : memref<2x16x768xf32, #tpu.memory_space<vmem>>, vector<16xf32>,
        %parallel_loop3A_566 = arith.constant 1 : i32
        %parallel_loop3A_567 = arith.index_cast %parallel_loop3A_566 : i32 to index
        %parallel_loop3A_568 = arith.index_cast %parallel_loop3A_176 : i32 to index
        %parallel_loop3A_569 = arith.constant 384 : index
        %parallel_loop3A_570 = tpu.vector_load %arg10[%parallel_loop3A_567, %parallel_loop3A_568, %parallel_loop3A_569] {strides = array<i32>} : memref<2x16x768xf32, #tpu.memory_space<vmem>>, vector<16xf32>,
        %parallel_loop3A_571 = arith.addf %parallel_loop3A_565, %parallel_loop3A_570 : vector<16xf32>
        %parallel_loop3A_572 = arith.constant 1 : i32
        %parallel_loop3A_573 = arith.index_cast %parallel_loop3A_572 : i32 to index
        %parallel_loop3A_574 = arith.index_cast %parallel_loop3A_176 : i32 to index
        %parallel_loop3A_575 = arith.constant 384 : index
        %parallel_loop3A_576 = tpu.vector_load %arg11[%parallel_loop3A_573, %parallel_loop3A_574, %parallel_loop3A_575] {strides = array<i32>} : memref<2x16x768xf32, #tpu.memory_space<vmem>>, vector<16xf32>,
        tpu.vector_store %arg11[%parallel_loop3A_573, %parallel_loop3A_574, %parallel_loop3A_575], %parallel_loop3A_571 {strides = array<i32>} : memref<2x16x768xf32, #tpu.memory_space<vmem>>, vector<16xf32>,
        %parallel_loop3A_577 = arith.constant 1 : i32
        %parallel_loop3A_578 = arith.index_cast %parallel_loop3A_577 : i32 to index
        %parallel_loop3A_579 = arith.index_cast %parallel_loop3A_176 : i32 to index
        %parallel_loop3A_580 = arith.constant 400 : index
        %parallel_loop3A_581 = tpu.vector_load %arg9[%parallel_loop3A_578, %parallel_loop3A_579, %parallel_loop3A_580] {strides = array<i32>} : memref<2x16x768xf32, #tpu.memory_space<vmem>>, vector<16xf32>,
        %parallel_loop3A_582 = arith.constant 1 : i32
        %parallel_loop3A_583 = arith.index_cast %parallel_loop3A_582 : i32 to index
        %parallel_loop3A_584 = arith.index_cast %parallel_loop3A_176 : i32 to index
        %parallel_loop3A_585 = arith.constant 400 : index
        %parallel_loop3A_586 = tpu.vector_load %arg10[%parallel_loop3A_583, %parallel_loop3A_584, %parallel_loop3A_585] {strides = array<i32>} : memref<2x16x768xf32, #tpu.memory_space<vmem>>, vector<16xf32>,
        %parallel_loop3A_587 = arith.addf %parallel_loop3A_581, %parallel_loop3A_586 : vector<16xf32>
        %parallel_loop3A_588 = arith.constant 1 : i32
        %parallel_loop3A_589 = arith.index_cast %parallel_loop3A_588 : i32 to index
        %parallel_loop3A_590 = arith.index_cast %parallel_loop3A_176 : i32 to index
        %parallel_loop3A_591 = arith.constant 400 : index
        %parallel_loop3A_592 = tpu.vector_load %arg11[%parallel_loop3A_589, %parallel_loop3A_590, %parallel_loop3A_591] {strides = array<i32>} : memref<2x16x768xf32, #tpu.memory_space<vmem>>, vector<16xf32>,
        tpu.vector_store %arg11[%parallel_loop3A_589, %parallel_loop3A_590, %parallel_loop3A_591], %parallel_loop3A_587 {strides = array<i32>} : memref<2x16x768xf32, #tpu.memory_space<vmem>>, vector<16xf32>,
        %parallel_loop3A_593 = arith.constant 1 : i32
        %parallel_loop3A_594 = arith.index_cast %parallel_loop3A_593 : i32 to index
        %parallel_loop3A_595 = arith.index_cast %parallel_loop3A_176 : i32 to index
        %parallel_loop3A_596 = arith.constant 416 : index
        %parallel_loop3A_597 = tpu.vector_load %arg9[%parallel_loop3A_594, %parallel_loop3A_595, %parallel_loop3A_596] {strides = array<i32>} : memref<2x16x768xf32, #tpu.memory_space<vmem>>, vector<16xf32>,
        %parallel_loop3A_598 = arith.constant 1 : i32
        %parallel_loop3A_599 = arith.index_cast %parallel_loop3A_598 : i32 to index
        %parallel_loop3A_600 = arith.index_cast %parallel_loop3A_176 : i32 to index
        %parallel_loop3A_601 = arith.constant 416 : index
        %parallel_loop3A_602 = tpu.vector_load %arg10[%parallel_loop3A_599, %parallel_loop3A_600, %parallel_loop3A_601] {strides = array<i32>} : memref<2x16x768xf32, #tpu.memory_space<vmem>>, vector<16xf32>,
        %parallel_loop3A_603 = arith.addf %parallel_loop3A_597, %parallel_loop3A_602 : vector<16xf32>
        %parallel_loop3A_604 = arith.constant 1 : i32
        %parallel_loop3A_605 = arith.index_cast %parallel_loop3A_604 : i32 to index
        %parallel_loop3A_606 = arith.index_cast %parallel_loop3A_176 : i32 to index
        %parallel_loop3A_607 = arith.constant 416 : index
        %parallel_loop3A_608 = tpu.vector_load %arg11[%parallel_loop3A_605, %parallel_loop3A_606, %parallel_loop3A_607] {strides = array<i32>} : memref<2x16x768xf32, #tpu.memory_space<vmem>>, vector<16xf32>,
        tpu.vector_store %arg11[%parallel_loop3A_605, %parallel_loop3A_606, %parallel_loop3A_607], %parallel_loop3A_603 {strides = array<i32>} : memref<2x16x768xf32, #tpu.memory_space<vmem>>, vector<16xf32>,
        %parallel_loop3A_609 = arith.constant 1 : i32
        %parallel_loop3A_610 = arith.index_cast %parallel_loop3A_609 : i32 to index
        %parallel_loop3A_611 = arith.index_cast %parallel_loop3A_176 : i32 to index
        %parallel_loop3A_612 = arith.constant 432 : index
        %parallel_loop3A_613 = tpu.vector_load %arg9[%parallel_loop3A_610, %parallel_loop3A_611, %parallel_loop3A_612] {strides = array<i32>} : memref<2x16x768xf32, #tpu.memory_space<vmem>>, vector<16xf32>,
        %parallel_loop3A_614 = arith.constant 1 : i32
        %parallel_loop3A_615 = arith.index_cast %parallel_loop3A_614 : i32 to index
        %parallel_loop3A_616 = arith.index_cast %parallel_loop3A_176 : i32 to index
        %parallel_loop3A_617 = arith.constant 432 : index
        %parallel_loop3A_618 = tpu.vector_load %arg10[%parallel_loop3A_615, %parallel_loop3A_616, %parallel_loop3A_617] {strides = array<i32>} : memref<2x16x768xf32, #tpu.memory_space<vmem>>, vector<16xf32>,
        %parallel_loop3A_619 = arith.addf %parallel_loop3A_613, %parallel_loop3A_618 : vector<16xf32>
        %parallel_loop3A_620 = arith.constant 1 : i32
        %parallel_loop3A_621 = arith.index_cast %parallel_loop3A_620 : i32 to index
        %parallel_loop3A_622 = arith.index_cast %parallel_loop3A_176 : i32 to index
        %parallel_loop3A_623 = arith.constant 432 : index
        %parallel_loop3A_624 = tpu.vector_load %arg11[%parallel_loop3A_621, %parallel_loop3A_622, %parallel_loop3A_623] {strides = array<i32>} : memref<2x16x768xf32, #tpu.memory_space<vmem>>, vector<16xf32>,
        tpu.vector_store %arg11[%parallel_loop3A_621, %parallel_loop3A_622, %parallel_loop3A_623], %parallel_loop3A_619 {strides = array<i32>} : memref<2x16x768xf32, #tpu.memory_space<vmem>>, vector<16xf32>,
        %parallel_loop3A_625 = arith.constant 1 : i32
        %parallel_loop3A_626 = arith.index_cast %parallel_loop3A_625 : i32 to index
        %parallel_loop3A_627 = arith.index_cast %parallel_loop3A_176 : i32 to index
        %parallel_loop3A_628 = arith.constant 448 : index
        %parallel_loop3A_629 = tpu.vector_load %arg9[%parallel_loop3A_626, %parallel_loop3A_627, %parallel_loop3A_628] {strides = array<i32>} : memref<2x16x768xf32, #tpu.memory_space<vmem>>, vector<16xf32>,
        %parallel_loop3A_630 = arith.constant 1 : i32
        %parallel_loop3A_631 = arith.index_cast %parallel_loop3A_630 : i32 to index
        %parallel_loop3A_632 = arith.index_cast %parallel_loop3A_176 : i32 to index
        %parallel_loop3A_633 = arith.constant 448 : index
        %parallel_loop3A_634 = tpu.vector_load %arg10[%parallel_loop3A_631, %parallel_loop3A_632, %parallel_loop3A_633] {strides = array<i32>} : memref<2x16x768xf32, #tpu.memory_space<vmem>>, vector<16xf32>,
        %parallel_loop3A_635 = arith.addf %parallel_loop3A_629, %parallel_loop3A_634 : vector<16xf32>
        %parallel_loop3A_636 = arith.constant 1 : i32
        %parallel_loop3A_637 = arith.index_cast %parallel_loop3A_636 : i32 to index
        %parallel_loop3A_638 = arith.index_cast %parallel_loop3A_176 : i32 to index
        %parallel_loop3A_639 = arith.constant 448 : index
        %parallel_loop3A_640 = tpu.vector_load %arg11[%parallel_loop3A_637, %parallel_loop3A_638, %parallel_loop3A_639] {strides = array<i32>} : memref<2x16x768xf32, #tpu.memory_space<vmem>>, vector<16xf32>,
        tpu.vector_store %arg11[%parallel_loop3A_637, %parallel_loop3A_638, %parallel_loop3A_639], %parallel_loop3A_635 {strides = array<i32>} : memref<2x16x768xf32, #tpu.memory_space<vmem>>, vector<16xf32>,
        %parallel_loop3A_641 = arith.constant 1 : i32
        %parallel_loop3A_642 = arith.index_cast %parallel_loop3A_641 : i32 to index
        %parallel_loop3A_643 = arith.index_cast %parallel_loop3A_176 : i32 to index
        %parallel_loop3A_644 = arith.constant 464 : index
        %parallel_loop3A_645 = tpu.vector_load %arg9[%parallel_loop3A_642, %parallel_loop3A_643, %parallel_loop3A_644] {strides = array<i32>} : memref<2x16x768xf32, #tpu.memory_space<vmem>>, vector<16xf32>,
        %parallel_loop3A_646 = arith.constant 1 : i32
        %parallel_loop3A_647 = arith.index_cast %parallel_loop3A_646 : i32 to index
        %parallel_loop3A_648 = arith.index_cast %parallel_loop3A_176 : i32 to index
        %parallel_loop3A_649 = arith.constant 464 : index
        %parallel_loop3A_650 = tpu.vector_load %arg10[%parallel_loop3A_647, %parallel_loop3A_648, %parallel_loop3A_649] {strides = array<i32>} : memref<2x16x768xf32, #tpu.memory_space<vmem>>, vector<16xf32>,
        %parallel_loop3A_651 = arith.addf %parallel_loop3A_645, %parallel_loop3A_650 : vector<16xf32>
        %parallel_loop3A_652 = arith.constant 1 : i32
        %parallel_loop3A_653 = arith.index_cast %parallel_loop3A_652 : i32 to index
        %parallel_loop3A_654 = arith.index_cast %parallel_loop3A_176 : i32 to index
        %parallel_loop3A_655 = arith.constant 464 : index
        %parallel_loop3A_656 = tpu.vector_load %arg11[%parallel_loop3A_653, %parallel_loop3A_654, %parallel_loop3A_655] {strides = array<i32>} : memref<2x16x768xf32, #tpu.memory_space<vmem>>, vector<16xf32>,
        tpu.vector_store %arg11[%parallel_loop3A_653, %parallel_loop3A_654, %parallel_loop3A_655], %parallel_loop3A_651 {strides = array<i32>} : memref<2x16x768xf32, #tpu.memory_space<vmem>>, vector<16xf32>,
        %parallel_loop3A_657 = arith.constant 1 : i32
        %parallel_loop3A_658 = arith.index_cast %parallel_loop3A_657 : i32 to index
        %parallel_loop3A_659 = arith.index_cast %parallel_loop3A_176 : i32 to index
        %parallel_loop3A_660 = arith.constant 480 : index
        %parallel_loop3A_661 = tpu.vector_load %arg9[%parallel_loop3A_658, %parallel_loop3A_659, %parallel_loop3A_660] {strides = array<i32>} : memref<2x16x768xf32, #tpu.memory_space<vmem>>, vector<16xf32>,
        %parallel_loop3A_662 = arith.constant 1 : i32
        %parallel_loop3A_663 = arith.index_cast %parallel_loop3A_662 : i32 to index
        %parallel_loop3A_664 = arith.index_cast %parallel_loop3A_176 : i32 to index
        %parallel_loop3A_665 = arith.constant 480 : index
        %parallel_loop3A_666 = tpu.vector_load %arg10[%parallel_loop3A_663, %parallel_loop3A_664, %parallel_loop3A_665] {strides = array<i32>} : memref<2x16x768xf32, #tpu.memory_space<vmem>>, vector<16xf32>,
        %parallel_loop3A_667 = arith.addf %parallel_loop3A_661, %parallel_loop3A_666 : vector<16xf32>
        %parallel_loop3A_668 = arith.constant 1 : i32
        %parallel_loop3A_669 = arith.index_cast %parallel_loop3A_668 : i32 to index
        %parallel_loop3A_670 = arith.index_cast %parallel_loop3A_176 : i32 to index
        %parallel_loop3A_671 = arith.constant 480 : index
        %parallel_loop3A_672 = tpu.vector_load %arg11[%parallel_loop3A_669, %parallel_loop3A_670, %parallel_loop3A_671] {strides = array<i32>} : memref<2x16x768xf32, #tpu.memory_space<vmem>>, vector<16xf32>,
        tpu.vector_store %arg11[%parallel_loop3A_669, %parallel_loop3A_670, %parallel_loop3A_671], %parallel_loop3A_667 {strides = array<i32>} : memref<2x16x768xf32, #tpu.memory_space<vmem>>, vector<16xf32>,
        %parallel_loop3A_673 = arith.constant 1 : i32
        %parallel_loop3A_674 = arith.index_cast %parallel_loop3A_673 : i32 to index
        %parallel_loop3A_675 = arith.index_cast %parallel_loop3A_176 : i32 to index
        %parallel_loop3A_676 = arith.constant 496 : index
        %parallel_loop3A_677 = tpu.vector_load %arg9[%parallel_loop3A_674, %parallel_loop3A_675, %parallel_loop3A_676] {strides = array<i32>} : memref<2x16x768xf32, #tpu.memory_space<vmem>>, vector<16xf32>,
        %parallel_loop3A_678 = arith.constant 1 : i32
        %parallel_loop3A_679 = arith.index_cast %parallel_loop3A_678 : i32 to index
        %parallel_loop3A_680 = arith.index_cast %parallel_loop3A_176 : i32 to index
        %parallel_loop3A_681 = arith.constant 496 : index
        %parallel_loop3A_682 = tpu.vector_load %arg10[%parallel_loop3A_679, %parallel_loop3A_680, %parallel_loop3A_681] {strides = array<i32>} : memref<2x16x768xf32, #tpu.memory_space<vmem>>, vector<16xf32>,
        %parallel_loop3A_683 = arith.addf %parallel_loop3A_677, %parallel_loop3A_682 : vector<16xf32>
        %parallel_loop3A_684 = arith.constant 1 : i32
        %parallel_loop3A_685 = arith.index_cast %parallel_loop3A_684 : i32 to index
        %parallel_loop3A_686 = arith.index_cast %parallel_loop3A_176 : i32 to index
        %parallel_loop3A_687 = arith.constant 496 : index
        %parallel_loop3A_688 = tpu.vector_load %arg11[%parallel_loop3A_685, %parallel_loop3A_686, %parallel_loop3A_687] {strides = array<i32>} : memref<2x16x768xf32, #tpu.memory_space<vmem>>, vector<16xf32>,
        tpu.vector_store %arg11[%parallel_loop3A_685, %parallel_loop3A_686, %parallel_loop3A_687], %parallel_loop3A_683 {strides = array<i32>} : memref<2x16x768xf32, #tpu.memory_space<vmem>>, vector<16xf32>,
        %parallel_loop3A_689 = arith.constant 1 : i32
        %parallel_loop3A_690 = arith.index_cast %parallel_loop3A_689 : i32 to index
        %parallel_loop3A_691 = arith.index_cast %parallel_loop3A_176 : i32 to index
        %parallel_loop3A_692 = arith.constant 512 : index
        %parallel_loop3A_693 = tpu.vector_load %arg9[%parallel_loop3A_690, %parallel_loop3A_691, %parallel_loop3A_692] {strides = array<i32>} : memref<2x16x768xf32, #tpu.memory_space<vmem>>, vector<16xf32>,
        %parallel_loop3A_694 = arith.constant 1 : i32
        %parallel_loop3A_695 = arith.index_cast %parallel_loop3A_694 : i32 to index
        %parallel_loop3A_696 = arith.index_cast %parallel_loop3A_176 : i32 to index
        %parallel_loop3A_697 = arith.constant 512 : index
        %parallel_loop3A_698 = tpu.vector_load %arg10[%parallel_loop3A_695, %parallel_loop3A_696, %parallel_loop3A_697] {strides = array<i32>} : memref<2x16x768xf32, #tpu.memory_space<vmem>>, vector<16xf32>,
        %parallel_loop3A_699 = arith.addf %parallel_loop3A_693, %parallel_loop3A_698 : vector<16xf32>
        %parallel_loop3A_700 = arith.constant 1 : i32
        %parallel_loop3A_701 = arith.index_cast %parallel_loop3A_700 : i32 to index
        %parallel_loop3A_702 = arith.index_cast %parallel_loop3A_176 : i32 to index
        %parallel_loop3A_703 = arith.constant 512 : index
        %parallel_loop3A_704 = tpu.vector_load %arg11[%parallel_loop3A_701, %parallel_loop3A_702, %parallel_loop3A_703] {strides = array<i32>} : memref<2x16x768xf32, #tpu.memory_space<vmem>>, vector<16xf32>,
        tpu.vector_store %arg11[%parallel_loop3A_701, %parallel_loop3A_702, %parallel_loop3A_703], %parallel_loop3A_699 {strides = array<i32>} : memref<2x16x768xf32, #tpu.memory_space<vmem>>, vector<16xf32>,
        %parallel_loop3A_705 = arith.constant 1 : i32
        %parallel_loop3A_706 = arith.index_cast %parallel_loop3A_705 : i32 to index
        %parallel_loop3A_707 = arith.index_cast %parallel_loop3A_176 : i32 to index
        %parallel_loop3A_708 = arith.constant 528 : index
        %parallel_loop3A_709 = tpu.vector_load %arg9[%parallel_loop3A_706, %parallel_loop3A_707, %parallel_loop3A_708] {strides = array<i32>} : memref<2x16x768xf32, #tpu.memory_space<vmem>>, vector<16xf32>,
        %parallel_loop3A_710 = arith.constant 1 : i32
        %parallel_loop3A_711 = arith.index_cast %parallel_loop3A_710 : i32 to index
        %parallel_loop3A_712 = arith.index_cast %parallel_loop3A_176 : i32 to index
        %parallel_loop3A_713 = arith.constant 528 : index
        %parallel_loop3A_714 = tpu.vector_load %arg10[%parallel_loop3A_711, %parallel_loop3A_712, %parallel_loop3A_713] {strides = array<i32>} : memref<2x16x768xf32, #tpu.memory_space<vmem>>, vector<16xf32>,
        %parallel_loop3A_715 = arith.addf %parallel_loop3A_709, %parallel_loop3A_714 : vector<16xf32>
        %parallel_loop3A_716 = arith.constant 1 : i32
        %parallel_loop3A_717 = arith.index_cast %parallel_loop3A_716 : i32 to index
        %parallel_loop3A_718 = arith.index_cast %parallel_loop3A_176 : i32 to index
        %parallel_loop3A_719 = arith.constant 528 : index
        %parallel_loop3A_720 = tpu.vector_load %arg11[%parallel_loop3A_717, %parallel_loop3A_718, %parallel_loop3A_719] {strides = array<i32>} : memref<2x16x768xf32, #tpu.memory_space<vmem>>, vector<16xf32>,
        tpu.vector_store %arg11[%parallel_loop3A_717, %parallel_loop3A_718, %parallel_loop3A_719], %parallel_loop3A_715 {strides = array<i32>} : memref<2x16x768xf32, #tpu.memory_space<vmem>>, vector<16xf32>,
        %parallel_loop3A_721 = arith.constant 1 : i32
        %parallel_loop3A_722 = arith.index_cast %parallel_loop3A_721 : i32 to index
        %parallel_loop3A_723 = arith.index_cast %parallel_loop3A_176 : i32 to index
        %parallel_loop3A_724 = arith.constant 544 : index
        %parallel_loop3A_725 = tpu.vector_load %arg9[%parallel_loop3A_722, %parallel_loop3A_723, %parallel_loop3A_724] {strides = array<i32>} : memref<2x16x768xf32, #tpu.memory_space<vmem>>, vector<16xf32>,
        %parallel_loop3A_726 = arith.constant 1 : i32
        %parallel_loop3A_727 = arith.index_cast %parallel_loop3A_726 : i32 to index
        %parallel_loop3A_728 = arith.index_cast %parallel_loop3A_176 : i32 to index
        %parallel_loop3A_729 = arith.constant 544 : index
        %parallel_loop3A_730 = tpu.vector_load %arg10[%parallel_loop3A_727, %parallel_loop3A_728, %parallel_loop3A_729] {strides = array<i32>} : memref<2x16x768xf32, #tpu.memory_space<vmem>>, vector<16xf32>,
        %parallel_loop3A_731 = arith.addf %parallel_loop3A_725, %parallel_loop3A_730 : vector<16xf32>
        %parallel_loop3A_732 = arith.constant 1 : i32
        %parallel_loop3A_733 = arith.index_cast %parallel_loop3A_732 : i32 to index
        %parallel_loop3A_734 = arith.index_cast %parallel_loop3A_176 : i32 to index
        %parallel_loop3A_735 = arith.constant 544 : index
        %parallel_loop3A_736 = tpu.vector_load %arg11[%parallel_loop3A_733, %parallel_loop3A_734, %parallel_loop3A_735] {strides = array<i32>} : memref<2x16x768xf32, #tpu.memory_space<vmem>>, vector<16xf32>,
        tpu.vector_store %arg11[%parallel_loop3A_733, %parallel_loop3A_734, %parallel_loop3A_735], %parallel_loop3A_731 {strides = array<i32>} : memref<2x16x768xf32, #tpu.memory_space<vmem>>, vector<16xf32>,
        %parallel_loop3A_737 = arith.constant 1 : i32
        %parallel_loop3A_738 = arith.index_cast %parallel_loop3A_737 : i32 to index
        %parallel_loop3A_739 = arith.index_cast %parallel_loop3A_176 : i32 to index
        %parallel_loop3A_740 = arith.constant 560 : index
        %parallel_loop3A_741 = tpu.vector_load %arg9[%parallel_loop3A_738, %parallel_loop3A_739, %parallel_loop3A_740] {strides = array<i32>} : memref<2x16x768xf32, #tpu.memory_space<vmem>>, vector<16xf32>,
        %parallel_loop3A_742 = arith.constant 1 : i32
        %parallel_loop3A_743 = arith.index_cast %parallel_loop3A_742 : i32 to index
        %parallel_loop3A_744 = arith.index_cast %parallel_loop3A_176 : i32 to index
        %parallel_loop3A_745 = arith.constant 560 : index
        %parallel_loop3A_746 = tpu.vector_load %arg10[%parallel_loop3A_743, %parallel_loop3A_744, %parallel_loop3A_745] {strides = array<i32>} : memref<2x16x768xf32, #tpu.memory_space<vmem>>, vector<16xf32>,
        %parallel_loop3A_747 = arith.addf %parallel_loop3A_741, %parallel_loop3A_746 : vector<16xf32>
        %parallel_loop3A_748 = arith.constant 1 : i32
        %parallel_loop3A_749 = arith.index_cast %parallel_loop3A_748 : i32 to index
        %parallel_loop3A_750 = arith.index_cast %parallel_loop3A_176 : i32 to index
        %parallel_loop3A_751 = arith.constant 560 : index
        %parallel_loop3A_752 = tpu.vector_load %arg11[%parallel_loop3A_749, %parallel_loop3A_750, %parallel_loop3A_751] {strides = array<i32>} : memref<2x16x768xf32, #tpu.memory_space<vmem>>, vector<16xf32>,
        tpu.vector_store %arg11[%parallel_loop3A_749, %parallel_loop3A_750, %parallel_loop3A_751], %parallel_loop3A_747 {strides = array<i32>} : memref<2x16x768xf32, #tpu.memory_space<vmem>>, vector<16xf32>,
        %parallel_loop3A_753 = arith.constant 1 : i32
        %parallel_loop3A_754 = arith.index_cast %parallel_loop3A_753 : i32 to index
        %parallel_loop3A_755 = arith.index_cast %parallel_loop3A_176 : i32 to index
        %parallel_loop3A_756 = arith.constant 576 : index
        %parallel_loop3A_757 = tpu.vector_load %arg9[%parallel_loop3A_754, %parallel_loop3A_755, %parallel_loop3A_756] {strides = array<i32>} : memref<2x16x768xf32, #tpu.memory_space<vmem>>, vector<16xf32>,
        %parallel_loop3A_758 = arith.constant 1 : i32
        %parallel_loop3A_759 = arith.index_cast %parallel_loop3A_758 : i32 to index
        %parallel_loop3A_760 = arith.index_cast %parallel_loop3A_176 : i32 to index
        %parallel_loop3A_761 = arith.constant 576 : index
        %parallel_loop3A_762 = tpu.vector_load %arg10[%parallel_loop3A_759, %parallel_loop3A_760, %parallel_loop3A_761] {strides = array<i32>} : memref<2x16x768xf32, #tpu.memory_space<vmem>>, vector<16xf32>,
        %parallel_loop3A_763 = arith.addf %parallel_loop3A_757, %parallel_loop3A_762 : vector<16xf32>
        %parallel_loop3A_764 = arith.constant 1 : i32
        %parallel_loop3A_765 = arith.index_cast %parallel_loop3A_764 : i32 to index
        %parallel_loop3A_766 = arith.index_cast %parallel_loop3A_176 : i32 to index
        %parallel_loop3A_767 = arith.constant 576 : index
        %parallel_loop3A_768 = tpu.vector_load %arg11[%parallel_loop3A_765, %parallel_loop3A_766, %parallel_loop3A_767] {strides = array<i32>} : memref<2x16x768xf32, #tpu.memory_space<vmem>>, vector<16xf32>,
        tpu.vector_store %arg11[%parallel_loop3A_765, %parallel_loop3A_766, %parallel_loop3A_767], %parallel_loop3A_763 {strides = array<i32>} : memref<2x16x768xf32, #tpu.memory_space<vmem>>, vector<16xf32>,
        %parallel_loop3A_769 = arith.constant 1 : i32
        %parallel_loop3A_770 = arith.index_cast %parallel_loop3A_769 : i32 to index
        %parallel_loop3A_771 = arith.index_cast %parallel_loop3A_176 : i32 to index
        %parallel_loop3A_772 = arith.constant 592 : index
        %parallel_loop3A_773 = tpu.vector_load %arg9[%parallel_loop3A_770, %parallel_loop3A_771, %parallel_loop3A_772] {strides = array<i32>} : memref<2x16x768xf32, #tpu.memory_space<vmem>>, vector<16xf32>,
        %parallel_loop3A_774 = arith.constant 1 : i32
        %parallel_loop3A_775 = arith.index_cast %parallel_loop3A_774 : i32 to index
        %parallel_loop3A_776 = arith.index_cast %parallel_loop3A_176 : i32 to index
        %parallel_loop3A_777 = arith.constant 592 : index
        %parallel_loop3A_778 = tpu.vector_load %arg10[%parallel_loop3A_775, %parallel_loop3A_776, %parallel_loop3A_777] {strides = array<i32>} : memref<2x16x768xf32, #tpu.memory_space<vmem>>, vector<16xf32>,
        %parallel_loop3A_779 = arith.addf %parallel_loop3A_773, %parallel_loop3A_778 : vector<16xf32>
        %parallel_loop3A_780 = arith.constant 1 : i32
        %parallel_loop3A_781 = arith.index_cast %parallel_loop3A_780 : i32 to index
        %parallel_loop3A_782 = arith.index_cast %parallel_loop3A_176 : i32 to index
        %parallel_loop3A_783 = arith.constant 592 : index
        %parallel_loop3A_784 = tpu.vector_load %arg11[%parallel_loop3A_781, %parallel_loop3A_782, %parallel_loop3A_783] {strides = array<i32>} : memref<2x16x768xf32, #tpu.memory_space<vmem>>, vector<16xf32>,
        tpu.vector_store %arg11[%parallel_loop3A_781, %parallel_loop3A_782, %parallel_loop3A_783], %parallel_loop3A_779 {strides = array<i32>} : memref<2x16x768xf32, #tpu.memory_space<vmem>>, vector<16xf32>,
        %parallel_loop3A_785 = arith.constant 1 : i32
        %parallel_loop3A_786 = arith.index_cast %parallel_loop3A_785 : i32 to index
        %parallel_loop3A_787 = arith.index_cast %parallel_loop3A_176 : i32 to index
        %parallel_loop3A_788 = arith.constant 608 : index
        %parallel_loop3A_789 = tpu.vector_load %arg9[%parallel_loop3A_786, %parallel_loop3A_787, %parallel_loop3A_788] {strides = array<i32>} : memref<2x16x768xf32, #tpu.memory_space<vmem>>, vector<16xf32>,
        %parallel_loop3A_790 = arith.constant 1 : i32
        %parallel_loop3A_791 = arith.index_cast %parallel_loop3A_790 : i32 to index
        %parallel_loop3A_792 = arith.index_cast %parallel_loop3A_176 : i32 to index
        %parallel_loop3A_793 = arith.constant 608 : index
        %parallel_loop3A_794 = tpu.vector_load %arg10[%parallel_loop3A_791, %parallel_loop3A_792, %parallel_loop3A_793] {strides = array<i32>} : memref<2x16x768xf32, #tpu.memory_space<vmem>>, vector<16xf32>,
        %parallel_loop3A_795 = arith.addf %parallel_loop3A_789, %parallel_loop3A_794 : vector<16xf32>
        %parallel_loop3A_796 = arith.constant 1 : i32
        %parallel_loop3A_797 = arith.index_cast %parallel_loop3A_796 : i32 to index
        %parallel_loop3A_798 = arith.index_cast %parallel_loop3A_176 : i32 to index
        %parallel_loop3A_799 = arith.constant 608 : index
        %parallel_loop3A_800 = tpu.vector_load %arg11[%parallel_loop3A_797, %parallel_loop3A_798, %parallel_loop3A_799] {strides = array<i32>} : memref<2x16x768xf32, #tpu.memory_space<vmem>>, vector<16xf32>,
        tpu.vector_store %arg11[%parallel_loop3A_797, %parallel_loop3A_798, %parallel_loop3A_799], %parallel_loop3A_795 {strides = array<i32>} : memref<2x16x768xf32, #tpu.memory_space<vmem>>, vector<16xf32>,
        %parallel_loop3A_801 = arith.constant 1 : i32
        %parallel_loop3A_802 = arith.index_cast %parallel_loop3A_801 : i32 to index
        %parallel_loop3A_803 = arith.index_cast %parallel_loop3A_176 : i32 to index
        %parallel_loop3A_804 = arith.constant 624 : index
        %parallel_loop3A_805 = tpu.vector_load %arg9[%parallel_loop3A_802, %parallel_loop3A_803, %parallel_loop3A_804] {strides = array<i32>} : memref<2x16x768xf32, #tpu.memory_space<vmem>>, vector<16xf32>,
        %parallel_loop3A_806 = arith.constant 1 : i32
        %parallel_loop3A_807 = arith.index_cast %parallel_loop3A_806 : i32 to index
        %parallel_loop3A_808 = arith.index_cast %parallel_loop3A_176 : i32 to index
        %parallel_loop3A_809 = arith.constant 624 : index
        %parallel_loop3A_810 = tpu.vector_load %arg10[%parallel_loop3A_807, %parallel_loop3A_808, %parallel_loop3A_809] {strides = array<i32>} : memref<2x16x768xf32, #tpu.memory_space<vmem>>, vector<16xf32>,
        %parallel_loop3A_811 = arith.addf %parallel_loop3A_805, %parallel_loop3A_810 : vector<16xf32>
        %parallel_loop3A_812 = arith.constant 1 : i32
        %parallel_loop3A_813 = arith.index_cast %parallel_loop3A_812 : i32 to index
        %parallel_loop3A_814 = arith.index_cast %parallel_loop3A_176 : i32 to index
        %parallel_loop3A_815 = arith.constant 624 : index
        %parallel_loop3A_816 = tpu.vector_load %arg11[%parallel_loop3A_813, %parallel_loop3A_814, %parallel_loop3A_815] {strides = array<i32>} : memref<2x16x768xf32, #tpu.memory_space<vmem>>, vector<16xf32>,
        tpu.vector_store %arg11[%parallel_loop3A_813, %parallel_loop3A_814, %parallel_loop3A_815], %parallel_loop3A_811 {strides = array<i32>} : memref<2x16x768xf32, #tpu.memory_space<vmem>>, vector<16xf32>,
        %parallel_loop3A_817 = arith.constant 1 : i32
        %parallel_loop3A_818 = arith.index_cast %parallel_loop3A_817 : i32 to index
        %parallel_loop3A_819 = arith.index_cast %parallel_loop3A_176 : i32 to index
        %parallel_loop3A_820 = arith.constant 640 : index
        %parallel_loop3A_821 = tpu.vector_load %arg9[%parallel_loop3A_818, %parallel_loop3A_819, %parallel_loop3A_820] {strides = array<i32>} : memref<2x16x768xf32, #tpu.memory_space<vmem>>, vector<16xf32>,
        %parallel_loop3A_822 = arith.constant 1 : i32
        %parallel_loop3A_823 = arith.index_cast %parallel_loop3A_822 : i32 to index
        %parallel_loop3A_824 = arith.index_cast %parallel_loop3A_176 : i32 to index
        %parallel_loop3A_825 = arith.constant 640 : index
        %parallel_loop3A_826 = tpu.vector_load %arg10[%parallel_loop3A_823, %parallel_loop3A_824, %parallel_loop3A_825] {strides = array<i32>} : memref<2x16x768xf32, #tpu.memory_space<vmem>>, vector<16xf32>,
        %parallel_loop3A_827 = arith.addf %parallel_loop3A_821, %parallel_loop3A_826 : vector<16xf32>
        %parallel_loop3A_828 = arith.constant 1 : i32
        %parallel_loop3A_829 = arith.index_cast %parallel_loop3A_828 : i32 to index
        %parallel_loop3A_830 = arith.index_cast %parallel_loop3A_176 : i32 to index
        %parallel_loop3A_831 = arith.constant 640 : index
        %parallel_loop3A_832 = tpu.vector_load %arg11[%parallel_loop3A_829, %parallel_loop3A_830, %parallel_loop3A_831] {strides = array<i32>} : memref<2x16x768xf32, #tpu.memory_space<vmem>>, vector<16xf32>,
        tpu.vector_store %arg11[%parallel_loop3A_829, %parallel_loop3A_830, %parallel_loop3A_831], %parallel_loop3A_827 {strides = array<i32>} : memref<2x16x768xf32, #tpu.memory_space<vmem>>, vector<16xf32>,
        %parallel_loop3A_833 = arith.constant 1 : i32
        %parallel_loop3A_834 = arith.index_cast %parallel_loop3A_833 : i32 to index
        %parallel_loop3A_835 = arith.index_cast %parallel_loop3A_176 : i32 to index
        %parallel_loop3A_836 = arith.constant 656 : index
        %parallel_loop3A_837 = tpu.vector_load %arg9[%parallel_loop3A_834, %parallel_loop3A_835, %parallel_loop3A_836] {strides = array<i32>} : memref<2x16x768xf32, #tpu.memory_space<vmem>>, vector<16xf32>,
        %parallel_loop3A_838 = arith.constant 1 : i32
        %parallel_loop3A_839 = arith.index_cast %parallel_loop3A_838 : i32 to index
        %parallel_loop3A_840 = arith.index_cast %parallel_loop3A_176 : i32 to index
        %parallel_loop3A_841 = arith.constant 656 : index
        %parallel_loop3A_842 = tpu.vector_load %arg10[%parallel_loop3A_839, %parallel_loop3A_840, %parallel_loop3A_841] {strides = array<i32>} : memref<2x16x768xf32, #tpu.memory_space<vmem>>, vector<16xf32>,
        %parallel_loop3A_843 = arith.addf %parallel_loop3A_837, %parallel_loop3A_842 : vector<16xf32>
        %parallel_loop3A_844 = arith.constant 1 : i32
        %parallel_loop3A_845 = arith.index_cast %parallel_loop3A_844 : i32 to index
        %parallel_loop3A_846 = arith.index_cast %parallel_loop3A_176 : i32 to index
        %parallel_loop3A_847 = arith.constant 656 : index
        %parallel_loop3A_848 = tpu.vector_load %arg11[%parallel_loop3A_845, %parallel_loop3A_846, %parallel_loop3A_847] {strides = array<i32>} : memref<2x16x768xf32, #tpu.memory_space<vmem>>, vector<16xf32>,
        tpu.vector_store %arg11[%parallel_loop3A_845, %parallel_loop3A_846, %parallel_loop3A_847], %parallel_loop3A_843 {strides = array<i32>} : memref<2x16x768xf32, #tpu.memory_space<vmem>>, vector<16xf32>,
        %parallel_loop3A_849 = arith.constant 1 : i32
        %parallel_loop3A_850 = arith.index_cast %parallel_loop3A_849 : i32 to index
        %parallel_loop3A_851 = arith.index_cast %parallel_loop3A_176 : i32 to index
        %parallel_loop3A_852 = arith.constant 672 : index
        %parallel_loop3A_853 = tpu.vector_load %arg9[%parallel_loop3A_850, %parallel_loop3A_851, %parallel_loop3A_852] {strides = array<i32>} : memref<2x16x768xf32, #tpu.memory_space<vmem>>, vector<16xf32>,
        %parallel_loop3A_854 = arith.constant 1 : i32
        %parallel_loop3A_855 = arith.index_cast %parallel_loop3A_854 : i32 to index
        %parallel_loop3A_856 = arith.index_cast %parallel_loop3A_176 : i32 to index
        %parallel_loop3A_857 = arith.constant 672 : index
        %parallel_loop3A_858 = tpu.vector_load %arg10[%parallel_loop3A_855, %parallel_loop3A_856, %parallel_loop3A_857] {strides = array<i32>} : memref<2x16x768xf32, #tpu.memory_space<vmem>>, vector<16xf32>,
        %parallel_loop3A_859 = arith.addf %parallel_loop3A_853, %parallel_loop3A_858 : vector<16xf32>
        %parallel_loop3A_860 = arith.constant 1 : i32
        %parallel_loop3A_861 = arith.index_cast %parallel_loop3A_860 : i32 to index
        %parallel_loop3A_862 = arith.index_cast %parallel_loop3A_176 : i32 to index
        %parallel_loop3A_863 = arith.constant 672 : index
        %parallel_loop3A_864 = tpu.vector_load %arg11[%parallel_loop3A_861, %parallel_loop3A_862, %parallel_loop3A_863] {strides = array<i32>} : memref<2x16x768xf32, #tpu.memory_space<vmem>>, vector<16xf32>,
        tpu.vector_store %arg11[%parallel_loop3A_861, %parallel_loop3A_862, %parallel_loop3A_863], %parallel_loop3A_859 {strides = array<i32>} : memref<2x16x768xf32, #tpu.memory_space<vmem>>, vector<16xf32>,
        %parallel_loop3A_865 = arith.constant 1 : i32
        %parallel_loop3A_866 = arith.index_cast %parallel_loop3A_865 : i32 to index
        %parallel_loop3A_867 = arith.index_cast %parallel_loop3A_176 : i32 to index
        %parallel_loop3A_868 = arith.constant 688 : index
        %parallel_loop3A_869 = tpu.vector_load %arg9[%parallel_loop3A_866, %parallel_loop3A_867, %parallel_loop3A_868] {strides = array<i32>} : memref<2x16x768xf32, #tpu.memory_space<vmem>>, vector<16xf32>,
        %parallel_loop3A_870 = arith.constant 1 : i32
        %parallel_loop3A_871 = arith.index_cast %parallel_loop3A_870 : i32 to index
        %parallel_loop3A_872 = arith.index_cast %parallel_loop3A_176 : i32 to index
        %parallel_loop3A_873 = arith.constant 688 : index
        %parallel_loop3A_874 = tpu.vector_load %arg10[%parallel_loop3A_871, %parallel_loop3A_872, %parallel_loop3A_873] {strides = array<i32>} : memref<2x16x768xf32, #tpu.memory_space<vmem>>, vector<16xf32>,
        %parallel_loop3A_875 = arith.addf %parallel_loop3A_869, %parallel_loop3A_874 : vector<16xf32>
        %parallel_loop3A_876 = arith.constant 1 : i32
        %parallel_loop3A_877 = arith.index_cast %parallel_loop3A_876 : i32 to index
        %parallel_loop3A_878 = arith.index_cast %parallel_loop3A_176 : i32 to index
        %parallel_loop3A_879 = arith.constant 688 : index
        %parallel_loop3A_880 = tpu.vector_load %arg11[%parallel_loop3A_877, %parallel_loop3A_878, %parallel_loop3A_879] {strides = array<i32>} : memref<2x16x768xf32, #tpu.memory_space<vmem>>, vector<16xf32>,
        tpu.vector_store %arg11[%parallel_loop3A_877, %parallel_loop3A_878, %parallel_loop3A_879], %parallel_loop3A_875 {strides = array<i32>} : memref<2x16x768xf32, #tpu.memory_space<vmem>>, vector<16xf32>,
        %parallel_loop3A_881 = arith.constant 1 : i32
        %parallel_loop3A_882 = arith.index_cast %parallel_loop3A_881 : i32 to index
        %parallel_loop3A_883 = arith.index_cast %parallel_loop3A_176 : i32 to index
        %parallel_loop3A_884 = arith.constant 704 : index
        %parallel_loop3A_885 = tpu.vector_load %arg9[%parallel_loop3A_882, %parallel_loop3A_883, %parallel_loop3A_884] {strides = array<i32>} : memref<2x16x768xf32, #tpu.memory_space<vmem>>, vector<16xf32>,
        %parallel_loop3A_886 = arith.constant 1 : i32
        %parallel_loop3A_887 = arith.index_cast %parallel_loop3A_886 : i32 to index
        %parallel_loop3A_888 = arith.index_cast %parallel_loop3A_176 : i32 to index
        %parallel_loop3A_889 = arith.constant 704 : index
        %parallel_loop3A_890 = tpu.vector_load %arg10[%parallel_loop3A_887, %parallel_loop3A_888, %parallel_loop3A_889] {strides = array<i32>} : memref<2x16x768xf32, #tpu.memory_space<vmem>>, vector<16xf32>,
        %parallel_loop3A_891 = arith.addf %parallel_loop3A_885, %parallel_loop3A_890 : vector<16xf32>
        %parallel_loop3A_892 = arith.constant 1 : i32
        %parallel_loop3A_893 = arith.index_cast %parallel_loop3A_892 : i32 to index
        %parallel_loop3A_894 = arith.index_cast %parallel_loop3A_176 : i32 to index
        %parallel_loop3A_895 = arith.constant 704 : index
        %parallel_loop3A_896 = tpu.vector_load %arg11[%parallel_loop3A_893, %parallel_loop3A_894, %parallel_loop3A_895] {strides = array<i32>} : memref<2x16x768xf32, #tpu.memory_space<vmem>>, vector<16xf32>,
        tpu.vector_store %arg11[%parallel_loop3A_893, %parallel_loop3A_894, %parallel_loop3A_895], %parallel_loop3A_891 {strides = array<i32>} : memref<2x16x768xf32, #tpu.memory_space<vmem>>, vector<16xf32>,
        %parallel_loop3A_897 = arith.constant 1 : i32
        %parallel_loop3A_898 = arith.index_cast %parallel_loop3A_897 : i32 to index
        %parallel_loop3A_899 = arith.index_cast %parallel_loop3A_176 : i32 to index
        %parallel_loop3A_900 = arith.constant 720 : index
        %parallel_loop3A_901 = tpu.vector_load %arg9[%parallel_loop3A_898, %parallel_loop3A_899, %parallel_loop3A_900] {strides = array<i32>} : memref<2x16x768xf32, #tpu.memory_space<vmem>>, vector<16xf32>,
        %parallel_loop3A_902 = arith.constant 1 : i32
        %parallel_loop3A_903 = arith.index_cast %parallel_loop3A_902 : i32 to index
        %parallel_loop3A_904 = arith.index_cast %parallel_loop3A_176 : i32 to index
        %parallel_loop3A_905 = arith.constant 720 : index
        %parallel_loop3A_906 = tpu.vector_load %arg10[%parallel_loop3A_903, %parallel_loop3A_904, %parallel_loop3A_905] {strides = array<i32>} : memref<2x16x768xf32, #tpu.memory_space<vmem>>, vector<16xf32>,
        %parallel_loop3A_907 = arith.addf %parallel_loop3A_901, %parallel_loop3A_906 : vector<16xf32>
        %parallel_loop3A_908 = arith.constant 1 : i32
        %parallel_loop3A_909 = arith.index_cast %parallel_loop3A_908 : i32 to index
        %parallel_loop3A_910 = arith.index_cast %parallel_loop3A_176 : i32 to index
        %parallel_loop3A_911 = arith.constant 720 : index
        %parallel_loop3A_912 = tpu.vector_load %arg11[%parallel_loop3A_909, %parallel_loop3A_910, %parallel_loop3A_911] {strides = array<i32>} : memref<2x16x768xf32, #tpu.memory_space<vmem>>, vector<16xf32>,
        tpu.vector_store %arg11[%parallel_loop3A_909, %parallel_loop3A_910, %parallel_loop3A_911], %parallel_loop3A_907 {strides = array<i32>} : memref<2x16x768xf32, #tpu.memory_space<vmem>>, vector<16xf32>,
        %parallel_loop3A_913 = arith.constant 1 : i32
        %parallel_loop3A_914 = arith.index_cast %parallel_loop3A_913 : i32 to index
        %parallel_loop3A_915 = arith.index_cast %parallel_loop3A_176 : i32 to index
        %parallel_loop3A_916 = arith.constant 736 : index
        %parallel_loop3A_917 = tpu.vector_load %arg9[%parallel_loop3A_914, %parallel_loop3A_915, %parallel_loop3A_916] {strides = array<i32>} : memref<2x16x768xf32, #tpu.memory_space<vmem>>, vector<16xf32>,
        %parallel_loop3A_918 = arith.constant 1 : i32
        %parallel_loop3A_919 = arith.index_cast %parallel_loop3A_918 : i32 to index
        %parallel_loop3A_920 = arith.index_cast %parallel_loop3A_176 : i32 to index
        %parallel_loop3A_921 = arith.constant 736 : index
        %parallel_loop3A_922 = tpu.vector_load %arg10[%parallel_loop3A_919, %parallel_loop3A_920, %parallel_loop3A_921] {strides = array<i32>} : memref<2x16x768xf32, #tpu.memory_space<vmem>>, vector<16xf32>,
        %parallel_loop3A_923 = arith.addf %parallel_loop3A_917, %parallel_loop3A_922 : vector<16xf32>
        %parallel_loop3A_924 = arith.constant 1 : i32
        %parallel_loop3A_925 = arith.index_cast %parallel_loop3A_924 : i32 to index
        %parallel_loop3A_926 = arith.index_cast %parallel_loop3A_176 : i32 to index
        %parallel_loop3A_927 = arith.constant 736 : index
        %parallel_loop3A_928 = tpu.vector_load %arg11[%parallel_loop3A_925, %parallel_loop3A_926, %parallel_loop3A_927] {strides = array<i32>} : memref<2x16x768xf32, #tpu.memory_space<vmem>>, vector<16xf32>,
        tpu.vector_store %arg11[%parallel_loop3A_925, %parallel_loop3A_926, %parallel_loop3A_927], %parallel_loop3A_923 {strides = array<i32>} : memref<2x16x768xf32, #tpu.memory_space<vmem>>, vector<16xf32>,
        %parallel_loop3A_929 = arith.constant 1 : i32
        %parallel_loop3A_930 = arith.index_cast %parallel_loop3A_929 : i32 to index
        %parallel_loop3A_931 = arith.index_cast %parallel_loop3A_176 : i32 to index
        %parallel_loop3A_932 = arith.constant 752 : index
        %parallel_loop3A_933 = tpu.vector_load %arg9[%parallel_loop3A_930, %parallel_loop3A_931, %parallel_loop3A_932] {strides = array<i32>} : memref<2x16x768xf32, #tpu.memory_space<vmem>>, vector<16xf32>,
        %parallel_loop3A_934 = arith.constant 1 : i32
        %parallel_loop3A_935 = arith.index_cast %parallel_loop3A_934 : i32 to index
        %parallel_loop3A_936 = arith.index_cast %parallel_loop3A_176 : i32 to index
        %parallel_loop3A_937 = arith.constant 752 : index
        %parallel_loop3A_938 = tpu.vector_load %arg10[%parallel_loop3A_935, %parallel_loop3A_936, %parallel_loop3A_937] {strides = array<i32>} : memref<2x16x768xf32, #tpu.memory_space<vmem>>, vector<16xf32>,
        %parallel_loop3A_939 = arith.addf %parallel_loop3A_933, %parallel_loop3A_938 : vector<16xf32>
        %parallel_loop3A_940 = arith.constant 1 : i32
        %parallel_loop3A_941 = arith.index_cast %parallel_loop3A_940 : i32 to index
        %parallel_loop3A_942 = arith.index_cast %parallel_loop3A_176 : i32 to index
        %parallel_loop3A_943 = arith.constant 752 : index
        %parallel_loop3A_944 = tpu.vector_load %arg11[%parallel_loop3A_941, %parallel_loop3A_942, %parallel_loop3A_943] {strides = array<i32>} : memref<2x16x768xf32, #tpu.memory_space<vmem>>, vector<16xf32>,
        tpu.vector_store %arg11[%parallel_loop3A_941, %parallel_loop3A_942, %parallel_loop3A_943], %parallel_loop3A_939 {strides = array<i32>} : memref<2x16x768xf32, #tpu.memory_space<vmem>>, vector<16xf32>,
      } {sc.loop_unroll_factor = 2 : i64, sc.parallel_access}
      %mul3A_160 = arith.constant 16 : i32
      %mul3A_161 = arith.muli %add3A_127, %mul3A_160 : i32
      %add3A_162 = arith.addi %mul3A_2, %mul3A_161 : i32
      %dma_start3A_163 = arith.constant 1 : i32
      %dma_start3A_164 = arith.constant 0 : i32
      %dma_start3A_165 = arith.constant 0 : i32
      %dma_start3A_166 = tpu.memref_slice %arg11[%dma_start3A_163, %dma_start3A_164, %dma_start3A_165] : memref<2x16x768xf32, #tpu.memory_space<vmem>> -> memref<1x16x768xf32, #tpu.memory_space<vmem>>
      %dma_start3A_167 = tpu.memref_squeeze %dma_start3A_166 : memref<1x16x768xf32, #tpu.memory_space<vmem>> -> memref<16x768xf32, #tpu.memory_space<vmem>>
      %dma_start3A_168 = arith.constant 0 : i32
      %dma_start3A_169 = tpu.memref_slice %arg6[%add3A_162, %dma_start3A_168] : memref<8192x768xf32, #tpu.memory_space<hbm>> -> memref<16x768xf32, #tpu.memory_space<hbm>>
      %dma_start3A_170 = arith.constant 0 : i32
      %dma_start3A_171 = tpu.memref_slice %arg6[%add3A_162, %dma_start3A_170] : memref<8192x768xf32, #tpu.memory_space<hbm>> -> memref<16x768xf32, #tpu.memory_space<hbm>>
      %dma_start3A_172 = arith.constant 0 : i32
      %dma_start3A_173 = arith.constant 0 : i32
      %dma_start3A_174 = tpu.memref_slice %arg11[%dma_start3A_163, %dma_start3A_172, %dma_start3A_173] : memref<2x16x768xf32, #tpu.memory_space<vmem>> -> memref<1x16x768xf32, #tpu.memory_space<vmem>>
      %dma_start3A_175 = tpu.memref_squeeze %dma_start3A_174 : memref<1x16x768xf32, #tpu.memory_space<vmem>> -> memref<16x768xf32, #tpu.memory_space<vmem>>
      tpu.enqueue_dma source(%dma_start3A_175 : memref<16x768xf32, #tpu.memory_space<vmem>>) target(%dma_start3A_171 : memref<16x768xf32, #tpu.memory_space<hbm>>) target_semaphore(%arg15 : memref<!tpu.dma_semaphore, #tpu.memory_space<semaphore_mem>>)
    }
    %scan3A_25 = arith.constant 8 : i32
    %dma_wait3A = arith.constant 0 : i32
    %dma_wait3A_26 = arith.constant 0 : i32
    %dma_wait3A_27 = arith.constant 0 : i32
    %dma_wait3A_28 = tpu.memref_slice %arg11[%dma_wait3A, %dma_wait3A_26, %dma_wait3A_27] : memref<2x16x768xf32, #tpu.memory_space<vmem>> -> memref<1x16x768xf32, #tpu.memory_space<vmem>>
    %dma_wait3A_29 = tpu.memref_squeeze %dma_wait3A_28 : memref<1x16x768xf32, #tpu.memory_space<vmem>> -> memref<16x768xf32, #tpu.memory_space<vmem>>
    %dma_wait3A_30 = arith.constant 0 : i32
    %dma_wait3A_31 = arith.constant 0 : i32
    %dma_wait3A_32 = tpu.memref_slice %arg6[%dma_wait3A_30, %dma_wait3A_31] : memref<8192x768xf32, #tpu.memory_space<hbm>> -> memref<16x768xf32, #tpu.memory_space<hbm>>
    %dma_wait3A_33 = arith.constant 0 : i32
    %dma_wait3A_34 = arith.constant 0 : i32
    %dma_wait3A_35 = tpu.memref_slice %arg6[%dma_wait3A_33, %dma_wait3A_34] : memref<8192x768xf32, #tpu.memory_space<hbm>> -> memref<16x768xf32, #tpu.memory_space<hbm>>
    %dma_wait3A_36 = arith.constant 0 : i32
    %dma_wait3A_37 = arith.constant 0 : i32
    %dma_wait3A_38 = tpu.memref_slice %arg11[%dma_wait3A, %dma_wait3A_36, %dma_wait3A_37] : memref<2x16x768xf32, #tpu.memory_space<vmem>> -> memref<1x16x768xf32, #tpu.memory_space<vmem>>
    %dma_wait3A_39 = tpu.memref_squeeze %dma_wait3A_38 : memref<1x16x768xf32, #tpu.memory_space<vmem>> -> memref<16x768xf32, #tpu.memory_space<vmem>>
    tpu.wait_dma2 semaphore(%arg14 : memref<!tpu.dma_semaphore, #tpu.memory_space<semaphore_mem>>) src(%dma_wait3A_39 : memref<16x768xf32, #tpu.memory_space<vmem>>) dst(%dma_wait3A_35 : memref<16x768xf32, #tpu.memory_space<hbm>>)
    %dma_wait3A_40 = arith.constant 1 : i32
    %dma_wait3A_41 = arith.constant 0 : i32
    %dma_wait3A_42 = arith.constant 0 : i32
    %dma_wait3A_43 = tpu.memref_slice %arg11[%dma_wait3A_40, %dma_wait3A_41, %dma_wait3A_42] : memref<2x16x768xf32, #tpu.memory_space<vmem>> -> memref<1x16x768xf32, #tpu.memory_space<vmem>>
    %dma_wait3A_44 = tpu.memref_squeeze %dma_wait3A_43 : memref<1x16x768xf32, #tpu.memory_space<vmem>> -> memref<16x768xf32, #tpu.memory_space<vmem>>
    %dma_wait3A_45 = arith.constant 0 : i32
    %dma_wait3A_46 = arith.constant 0 : i32
    %dma_wait3A_47 = tpu.memref_slice %arg6[%dma_wait3A_45, %dma_wait3A_46] : memref<8192x768xf32, #tpu.memory_space<hbm>> -> memref<16x768xf32, #tpu.memory_space<hbm>>
    %dma_wait3A_48 = arith.constant 0 : i32
    %dma_wait3A_49 = arith.constant 0 : i32
    %dma_wait3A_50 = tpu.memref_slice %arg6[%dma_wait3A_48, %dma_wait3A_49] : memref<8192x768xf32, #tpu.memory_space<hbm>> -> memref<16x768xf32, #tpu.memory_space<hbm>>
    %dma_wait3A_51 = arith.constant 0 : i32
    %dma_wait3A_52 = arith.constant 0 : i32
    %dma_wait3A_53 = tpu.memref_slice %arg11[%dma_wait3A_40, %dma_wait3A_51, %dma_wait3A_52] : memref<2x16x768xf32, #tpu.memory_space<vmem>> -> memref<1x16x768xf32, #tpu.memory_space<vmem>>
    %dma_wait3A_54 = tpu.memref_squeeze %dma_wait3A_53 : memref<1x16x768xf32, #tpu.memory_space<vmem>> -> memref<16x768xf32, #tpu.memory_space<vmem>>
    tpu.wait_dma2 semaphore(%arg15 : memref<!tpu.dma_semaphore, #tpu.memory_space<semaphore_mem>>) src(%dma_wait3A_54 : memref<16x768xf32, #tpu.memory_space<vmem>>) dst(%dma_wait3A_50 : memref<16x768xf32, #tpu.memory_space<hbm>>)
    return
  }
}

module attributes {stable_mosaic.version = 14 : i64} {
  func.func @_tc_ln_body(%arg0: i32, %arg1: memref<512x768xf32, #tpu.memory_space<vmem>>, %arg2: memref<1x768xf32, #tpu.memory_space<vmem>>, %arg3: memref<1x768xf32, #tpu.memory_space<vmem>>, %arg4: memref<512x768xf32, #tpu.memory_space<vmem>>) attributes {dimension_semantics = [#tpu.dimension_semantics<arbitrary>], iteration_bounds = array<i64: 16>, scalar_prefetch = 0 : i64, scratch_operands = 0 : i64, tpu.core_type = #tpu.core_type<tc>, window_params = [{transform_indices = @transform_0, window_bounds = array<i64: 512, 768>}, {pipeline_mode = #tpu.pipeline_mode<synchronous>, transform_indices = @transform_1, window_bounds = array<i64: 1, 768>}, {pipeline_mode = #tpu.pipeline_mode<synchronous>, transform_indices = @transform_2, window_bounds = array<i64: 1, 768>}, {transform_indices = @transform_3, window_bounds = array<i64: 512, 768>}]} {
    %get3A = arith.constant 0 : index
    %get3A_0 = arith.constant 0 : index
    %get3A_1 = vector.load %arg1[%get3A, %get3A_0] : memref<512x768xf32, #tpu.memory_space<vmem>>, vector<512x768xf32>
    %reduce_sum3A = arith.constant dense<0.000000e+00> : vector<512xf32>
    %reduce_sum3A_2 = vector.multi_reduction <add>, %get3A_1, %reduce_sum3A [1] : vector<512x768xf32> to vector<512xf32>
    %broadcast_in_dim3A = vector.shape_cast %reduce_sum3A_2 : vector<512xf32> to vector<512x1xf32>
    %div3A = arith.constant 7.680000e+02 : f32
    %div3A_3 = vector.broadcast %div3A : f32 to vector<512x1xf32>
    %div3A_4 = arith.divf %broadcast_in_dim3A, %div3A_3 : vector<512x1xf32>
    %mul3A = arith.mulf %get3A_1, %get3A_1 : vector<512x768xf32>
    %reduce_sum3A_5 = arith.constant dense<0.000000e+00> : vector<512xf32>
    %reduce_sum3A_6 = vector.multi_reduction <add>, %mul3A, %reduce_sum3A_5 [1] : vector<512x768xf32> to vector<512xf32>
    %broadcast_in_dim3A_7 = vector.shape_cast %reduce_sum3A_6 : vector<512xf32> to vector<512x1xf32>
    %div3A_8 = arith.constant 7.680000e+02 : f32
    %div3A_9 = vector.broadcast %div3A_8 : f32 to vector<512x1xf32>
    %div3A_10 = arith.divf %broadcast_in_dim3A_7, %div3A_9 : vector<512x1xf32>
    %mul3A_11 = arith.mulf %div3A_4, %div3A_4 : vector<512x1xf32>
    %sub3A = arith.subf %div3A_10, %mul3A_11 : vector<512x1xf32>
    %add3A = arith.constant 9.99999996E-13 : f32
    %add3A_12 = vector.broadcast %add3A : f32 to vector<512x1xf32>
    %add3A_13 = arith.addf %sub3A, %add3A_12 : vector<512x1xf32>
    %rsqrt3A = math.rsqrt %add3A_13 : vector<512x1xf32>
    %sub3A_14 = vector.broadcast %div3A_4 : vector<512x1xf32> to vector<512x768xf32>
    %sub3A_15 = arith.subf %get3A_1, %sub3A_14 : vector<512x768xf32>
    %mul3A_16 = vector.broadcast %rsqrt3A : vector<512x1xf32> to vector<512x768xf32>
    %mul3A_17 = arith.mulf %sub3A_15, %mul3A_16 : vector<512x768xf32>
    %get3A_18 = arith.constant 0 : index
    %get3A_19 = arith.constant 0 : index
    %get3A_20 = vector.load %arg2[%get3A_18, %get3A_19] : memref<1x768xf32, #tpu.memory_space<vmem>>, vector<1x768xf32>
    %mul3A_21 = vector.broadcast %get3A_20 : vector<1x768xf32> to vector<512x768xf32>
    %mul3A_22 = arith.mulf %mul3A_17, %mul3A_21 : vector<512x768xf32>
    %get3A_23 = arith.constant 0 : index
    %get3A_24 = arith.constant 0 : index
    %get3A_25 = vector.load %arg3[%get3A_23, %get3A_24] : memref<1x768xf32, #tpu.memory_space<vmem>>, vector<1x768xf32>
    %add3A_26 = vector.broadcast %get3A_25 : vector<1x768xf32> to vector<512x768xf32>
    %add3A_27 = arith.addf %mul3A_22, %add3A_26 : vector<512x768xf32>
    %swap3A = arith.constant 0 : index
    %swap3A_28 = arith.constant 0 : index
    %swap3A_29 = vector.load %arg4[%swap3A, %swap3A_28] : memref<512x768xf32, #tpu.memory_space<vmem>>, vector<512x768xf32>
    tpu.vector_store %arg4[%swap3A, %swap3A_28], %add3A_27 {strides = array<i32>} : memref<512x768xf32, #tpu.memory_space<vmem>>, vector<512x768xf32>,
    return
  }
  func.func @transform_0(%arg0: i32) -> (i32, i32) {
    %c0_i32 = arith.constant 0 : i32
    %c0_i32_0 = arith.constant 0 : i32
    return %arg0, %c0_i32 : i32, i32
  }
  func.func @transform_1(%arg0: i32) -> (i32, i32) {
    %c0_i32 = arith.constant 0 : i32
    %c0_i32_0 = arith.constant 0 : i32
    %c0_i32_1 = arith.constant 0 : i32
    return %c0_i32, %c0_i32_0 : i32, i32
  }
  func.func @transform_2(%arg0: i32) -> (i32, i32) {
    %c0_i32 = arith.constant 0 : i32
    %c0_i32_0 = arith.constant 0 : i32
    %c0_i32_1 = arith.constant 0 : i32
    return %c0_i32, %c0_i32_0 : i32, i32
  }
  func.func @transform_3(%arg0: i32) -> (i32, i32) {
    %c0_i32 = arith.constant 0 : i32
    %c0_i32_0 = arith.constant 0 : i32
    return %arg0, %c0_i32 : i32, i32
  }
}

</mosaic_0001>

<sc_bundles>
// kernel: kernel.4.cloned.1.call-start
scs
__scs_entry_jumppad:
0x0: {  	(pc) =	sbr.rel $0x88, $3  }
0x1: {  	(tag) =	ssettag $0x0;
	lr =	simm.s32 $0x1  }
0x2: {  	[smem:$0x3F9B] =	sst lr;
	_ =	strace $0xD0000000  }
0x3: {  	_ = 	snop  }
0x4: {  	_ = 	snop  }
0x5: {  	_ = 	snop  }
0x6: {  	_ = 	snop  }
0x7: {  	_ = 	snop  }
__scs_overlays_trampoline_lowered:
0x8: {  	[smem:$0x3FAA] =	sst s0  }
0x9: {  	[smem:$0x3FAB] =	sst s1  }
0xa: {  	[smem:$0x3FAC] =	sst s2  }
0xb: {  	[smem:$0x3FAD] =	sst s3  }
0xc: {  	[smem:$0x3FAE] =	sst s4  }
0xd: {  	[smem:$0x3FAF] =	sst s5  }
0xe: {  	[smem:$0x3FB0] =	sst s6  }
0xf: {  	[smem:$0x3FB1] =	sst s7  }
0x10: {  	[smem:$0x3FB2] =	sst s8  }
0x11: {  	[smem:$0x3FB3] =	sst s9;
	s0 =	simm.s32 @!p0 $0x0  }
0x12: {  	s1 =	sld [smem:$0x3F99];
	s0 =	simm.s32 @p0 $0x1  }
0x13: {  	[smem:$0x3FB4] =	sst s0;
	s0 =	simm.s32 @!p1 $0x0  }
0x14: {  	s2 =	sld [smem:$0x3F98];
	s0 =	simm.s32 @p1 $0x1  }
0x15: {  	[smem:$0x3FB5] =	sst s0;
	s0 =	simm.s32 @!p2 $0x0  }
0x16: {  	s3 =	sld [smem:$0x3FDB];
	s0 =	simm.s32 @p2 $0x1  }
0x17: {  	s4 =	simm.s32 $0x1BF5;
	[smem:$0x3FB7] =	sst s0  }
0x18: {  	s0 =	sld [smem:$0x3F9A];
	_ =	swait.ge [sflag:s4], $0x0  }
0x19: {  	s7 =	sld [smem:$0x3F9B]  }
0x1a: {  	s8 =	sadd.s32 $0xFFFFE003, lr  }
0x1b: {  	s9 =	sadd.s32 $0xFFFFFEF7, lr;
	s5 =	simm.s32 $0xFFFFFFFF;
	p2 =	slt.u32 s8, $0xFFFFF086  }
0x1c: {  	p1 =	slt.u32 s9, $0xF7A;
	s5 =	simm.s32 @!p2 $0x0  }
0x1d: {  	s5 =	simm.s32 @p1 $0x1;
	p0 =	seq.s32 s7, s2  }
0x1e: {  	s7 =	smul.u32 @!p0 $0xF7A, s2;
	p2 =	seq.s32 @!p0 s5, $0x0  }
0x1f: {  	s9 =	smul.u32 $0xF7A, s1;
	s8 =	simm.s32 @!p0 $0x1BF5;
	p2 =	por !p2, p0  }
0x20: {  	[sflag:s8] =	ssyncset.s32 @!p0 $0xFFFFF086;
	s6 =	sadd.s32 @!p0 s3, s7;
	s7 =	simm.s32 @!p0 $0x108  }
0x21: {  	s3 =	sadd.s32 s3, s9;
	s6 =	sadd.s32 @!p0 $0x88, s6;
	s7 =	simm.s32 @p2 $0x1082  }
0x22: {  	[simem:s7], [sflag:s8] =	dma.local @!p0 [hbm:s6], $0xF7A  }
0x23: {  	s9 =	sor.u32 $0xD0000000, s2;
	s6 =	simm.s32 $0x108;
	_ =	swait.ge @!p0 [sflag:s8], $0x0  }
0x24: {  	s3 =	sadd.s32 $0x88, s3;
	s6 =	simm.s32 @!p1 $0x1082;
	[sflag:s4] =	ssyncset.s32 $0xFFFFF086  }
0x25: {  	[simem:s6], [sflag:s4] =	dma.local [hbm:s3], $0xF7A  }
0x26: {  	[smem:$0x3F9B] =	sst s1;
	(tag) =	ssettag s2;
	_ =	strace s9  }
0x27: {  	s1 =	sld [smem:$0x3FAB]  }
0x28: {  	s2 =	sld [smem:$0x3FAC]  }
0x29: {  	s4 =	sld [smem:$0x3FAE]  }
0x2a: {  	p0 =	seq.s32 s5, $0x0;
	s5 =	sld [smem:$0x3FAF]  }
0x2b: {  	s6 =	sld [smem:$0x3FB0]  }
0x2c: {  	s7 =	sld [smem:$0x3FB1]  }
0x2d: {  	s3 =	simm.s32 $0x108;
	s8 =	sld [smem:$0x3FB2]  }
0x2e: {  	s3 =	simm.s32 @!p0 $0x1082;
	s9 =	sld [smem:$0x3FB3]  }
0x2f: {  	lr =	sadd.s32 s0, s3;
	s0 =	sld [smem:$0x3FAA]  }
0x30: {  	s3 =	sld [smem:$0x3FAD]  }
0x31: {  	[smem:$0x3FB6] =	sst s10  }
0x32: {  	s10 =	sld [smem:$0x3FB4];
	_ =	sdelay $0x3  }
0x33: {  	p0 =	seq.s32 s10, $0x1;
	s10 =	sld [smem:$0x3FB6];
	_ =	sdelay $0x3  }
0x34: {  	[smem:$0x3FB6] =	sst s10  }
0x35: {  	s10 =	sld [smem:$0x3FB5];
	_ =	sdelay $0x3  }
0x36: {  	p1 =	seq.s32 s10, $0x1;
	s10 =	sld [smem:$0x3FB6];
	_ =	sdelay $0x3  }
0x37: {  	[smem:$0x3FB6] =	sst s10  }
0x38: {  	s10 =	sld [smem:$0x3FB7]  }
0x39: {  	_ = 	snop;
	(pc) =	sbr.ind lr, $3  }
0x3a: {  	_ = 	snop  }
0x3b: {  	_ = 	snop  }
0x3c: {  	p2 =	seq.s32 s10, $0x1;
	s10 =	sld [smem:$0x3FB6]  }
0x3d: {  	_ =	shalt  }
0x3e: {  	_ =	shalt  }
0x3f: {  	_ =	shalt  }
0x40: {  	_ =	shalt  }
0x41: {  	_ =	shalt  }
0x42: {  	_ =	shalt  }
0x43: {  	_ =	shalt  }
0x44: {  	_ =	shalt  }
0x45: {  	_ =	shalt  }
0x46: {  	_ =	shalt  }
0x47: {  	_ =	shalt  }
0x48: {  	_ =	shalt  }
0x49: {  	_ =	shalt  }
0x4a: {  	_ =	shalt  }
0x4b: {  	_ =	shalt  }
0x4c: {  	_ =	shalt  }
0x4d: {  	_ =	shalt  }
0x4e: {  	_ =	shalt  }
0x4f: {  	_ =	shalt  }
0x50: {  	_ =	shalt  }
0x51: {  	_ =	shalt  }
0x52: {  	_ =	shalt  }
0x53: {  	_ =	shalt  }
0x54: {  	_ =	shalt  }
0x55: {  	_ =	shalt  }
0x56: {  	_ =	shalt  }
0x57: {  	_ =	shalt  }
0x58: {  	_ =	shalt  }
0x59: {  	_ =	shalt  }
0x5a: {  	_ =	shalt  }
0x5b: {  	_ =	shalt  }
0x5c: {  	_ =	shalt  }
0x5d: {  	_ =	shalt  }
0x5e: {  	_ =	shalt  }
0x5f: {  	_ =	shalt  }
0x60: {  	_ =	shalt  }
0x61: {  	_ =	shalt  }
0x62: {  	_ =	shalt  }
0x63: {  	_ =	shalt  }
0x64: {  	_ =	shalt  }
0x65: {  	_ =	shalt  }
0x66: {  	_ =	shalt  }
0x67: {  	_ =	shalt  }
0x68: {  	_ =	shalt  }
0x69: {  	_ =	shalt  }
0x6a: {  	_ =	shalt  }
0x6b: {  	_ =	shalt  }
0x6c: {  	_ =	shalt  }
0x6d: {  	_ =	shalt  }
0x6e: {  	_ =	shalt  }
0x6f: {  	_ =	shalt  }
0x70: {  	_ =	shalt  }
0x71: {  	_ =	shalt  }
0x72: {  	_ =	shalt  }
0x73: {  	_ =	shalt  }
0x74: {  	_ =	shalt  }
0x75: {  	_ =	shalt  }
0x76: {  	_ =	shalt  }
0x77: {  	_ =	shalt  }
0x78: {  	_ =	shalt  }
0x79: {  	_ =	shalt  }
0x7a: {  	_ =	shalt  }
0x7b: {  	_ =	shalt  }
0x7c: {  	_ =	shalt  }
0x7d: {  	_ =	shalt  }
0x7e: {  	_ =	shalt  }
0x7f: {  	_ =	shalt  }
0x80: {  	_ =	shalt  }
0x81: {  	_ =	shalt  }
0x82: {  	_ =	shalt  }
0x83: {  	_ =	shalt  }
0x84: {  	_ =	shalt  }
0x85: {  	_ =	shalt  }
0x86: {  	_ =	shalt  }
0x87: {  	_ =	shalt  }
.Lfunc_end0:
.L_simem_size_0:
called_computation_lowered:
.L_overlay_start_0:
0x88: {  	s2 =	sld [smem:$0x3FD9]  }
0x89: {  	s3 =	sld [smem:$0x3FFE];
	_ =	sdelay $0x1  }
0x8a: {  	s1 =	srdreg.scid  }
0x8b: {  	s0 =	sand.u32 $0x1, s1  }
0x8c: {  	s17 =	sshll.u32 s0, $0xA;
	s2 =	sadd.s32 s3, s2  }
0x8d: {  	s2 =	sadd.s32 s2, s17  }
0x8e: {  	[smem:$0x3FC2] =	sst s2  }
0x8f: {  	_ = 	snop  }
0x90: {  	s2 =	sld [smem:$0x3FC7]  }
0x91: {  	s18 =	sld [smem:$0x3FC6]  }
0x92: {  	s4 =	sld [smem:$0x3FD0];
	(tm) =	ssettm $0x1  }
0x93: {  	s5 =	sld [smem:$0x3FFB];
	_ =	sdelay $0x3  }
0x94: {  	_ =	strace s5  }
0x95: {  	s5 =	sld [smem:$0x3FFC];
	_ =	sdelay $0x3  }
0x96: {  	_ =	strace s5  }
0x97: {  	s5 =	sld [smem:$0x3FFD];
	_ =	sdelay $0x3  }
0x98: {  	_ =	strace s5  }
0x99: {  	_ =	strace $0x8FFFFFFF  }
0x9a: {  	s19 =	sld [smem:$0x3FDB];
	_ =	sdelay $0x1  }
0x9b: {  	s6 =	simm.s32 $_scs_section_size  }
0x9c: {  	s7 =	simm.s32 $_size__tile_overlayer_lowered;
	s8 =	simm.s32 $_tile_overlayer_lowered  }
0x9d: {  	s22 =	simm.s32 $0x1BFF;
	s21 =	sshll.u32 s8, $0x1;
	s5 =	sadd.s32 s6, s19  }
0x9e: {  	s9 =	simm.s32 $0x0;
	s20 =	sshll.u32 s7, $0x1;
	s7 =	sadd.s32 s21, s5  }
0x9f: {  	[timem:s9], [sflag:s22] =	dma.local [hbm:s7], s20  }
0xa0: {  	_ =	swait.ge [sflag:s22], s20  }
0xa1: {  	s6 =	ssub.s32 $0x0, s20;
	[sflag:s22] =	ssyncset.done $0x0  }
0xa2: {  	[sflag:s22] =	ssyncadd.s32 s6;
	_ =	sdelay $0x1  }
0xa3: {  	s23 =	simm.s32 $0x1B8B  }
0xa4: {  	_ =	swait.ge [sflag:s23], $0x1  }
0xa5: {  	[sflag:s23] =	ssyncset.done $0x0  }
0xa6: {  	s25 =	simm.s32 $0x1B8E;
	s24 =	sld [smem:$0x3FFE];
	[sflag:s23] =	ssyncadd.s32 $0xFFFFFFFF  }
0xa7: {  	s26 =	simm.s32 $execute0_lowered;
	[smem:$0x3FD2] =	sst s25  }
0xa8: {  	s7 =	sshll.u32 s26, $0x1;
	_ =	strace $0x80000046;
	[dreg:$0x1] =	wrdreg $0xFFFFFFFF  }
0xa9: {  	s28 =	simm.s32 $_size_execute0_lowered;
	s5 =	sadd.s32 s5, s7;
	[dreg:$0x0] =	wrdreg $0x0  }
0xaa: {  	s7 =	sshll.u32 s28, $0x1;
	[dreg:$0x2] =	wrdreg s5  }
0xab: {  	[dreg:$0x3] =	wrdreg s7  }
0xac: {  	[dreg:$0x4] =	wrdreg $0xC0  }
0xad: {  	_ =	task [dreg:s9], $0x5FFFF  }
0xae: {  	[dreg:$0x1] =	wrdreg $0xFFFFFFFF  }
0xaf: {  	[dreg:$0x0] =	wrdreg $0x60  }
0xb0: {  	[dreg:$0x2] =	wrdreg s4  }
0xb1: {  	[dreg:$0x3] =	wrdreg s24  }
0xb2: {  	[dreg:$0x4] =	wrdreg s2  }
0xb3: {  	[dreg:$0x5] =	wrdreg s18  }
0xb4: {  	[dreg:$0x6] =	wrdreg $0x9  }
0xb5: {  	_ =	task.clear_ibuf [dreg:s9], $0x7FFFF;
	_ =	strace $0x90000046  }
0xb6: {  	s29 =	simm.s32 $0x9;
	_ =	strace $0x80000048  }
0xb7: {  	_ =	swait.ge [sflag:s29], $0x1  }
0xb8: {  	[sflag:s29] =	ssyncadd.s32 $0xFFFFFFFF  }
0xb9: {  	_ =	strace $0x90000048  }
0xba: {  	_ =	sfence  }
0xbb: {  	s30 =	sld [smem:$0x0];
	_ =	sdelay $0x2  }
0xbc: {  	s31 =	sshll.u32 s1, $0xD;
	s1 =	sshrl.u32 s1, $0x2  }
0xbd: {  	s3 =	sand.u32 $0x4000, s31;
	s1 =	sadd.s32 s1, s30  }
0xbe: {  	s0 =	sor.u32 s3, s0;
	s1 =	sshll.u32 s1, $0x11  }
0xbf: {  	s0 =	sor.u32 s1, s0  }
0xc0: {  	s0 =	sadd.s32 $0x8F2B, s0  }
0xc1: {  	[sflag:s0] =	ssyncadd.remote.s32 $0x1  }
0xc2: {  	_ =	sfence.sel $0xFFFF  }
0xc3: {  	[dreg:$0x0] =	wrdreg $0xFFFFFFFF;
	(pc) =	sbr.abs _section_cstart, $3  }
0xc4: {  	[dreg:$0x1] =	wrdreg $0xFFFFFFFF  }
0xc5: {  	_ =	task.clear_ibuf [dreg:s9], $0x2FFFF;
	_ =	strace $0x9FFFFFFF  }
0xc6: {  	(tm) =	ssettm $0x7FFFFFFF  }
0xc7: {  	_ =	shalt  }
tec
execute0_lowered:
.L_overlay_start_1:
0x0: {  	(tag) =	ssettag $0x1  }
0x1: {  	s0 =	rddreg [dreg:$0x0]  }
0x2: {  	s1 =	rddreg [dreg:$0x1]  }
0x3: {  	s3 =	srdreg.scid;
	s2 =	rddreg [dreg:$0x2]  }
0x4: {  	s4 =	stileid.u32;
	s19 =	simm.s32 $0xAA00;
	s20 =	simm.s32 $0xB200  }
0x5: {  	s21 =	simm.s32 $0xBA00;
	s22 =	simm.s32 $0x1;
	s23 =	simm.s32 $0xC200  }
0x6: {  	s24 =	simm.s32 $0x2;
	s25 =	simm.s32 $0xF200;
	s6 =	sand.u32 $0x1, s3  }
0x7: {  	s3 =	rddreg [dreg:$0x3];
	s5 =	sshll.u32 s4, $0x9;
	s4 =	simm.s32 $0x0  }
0x8: {  	s7 =	sshll.u32 s6, $0x8;
	[smem:$0x7FF] =	sst s4;
	s8 =	ssub.s32 $0x2, s6  }
0x9: {  	s6 =	sadd.s32 $0xC00, s1;
	s11 =	sadd.s32 $0x100, s3;
	s5 =	sor.u32 s7, s5  }
0xa: {  	s12 =	sadd.s32 $0x200, s3;
	s10 =	sshrl.u32 s8, $0x1;
	s7 =	sshrl.u32 s5, $0x3  }
0xb: {  	_ =	strace $0x80000047;
	s29 =	ssub.s32 s8, s10;
	s0 =	sadd.s32 s0, s7  }
0xc: {  	v2 =	vlaneseq.u32;
	s9 =	sadd.s32 s7, s1;
	s31 =	smax.u32 s29, $0x1;
	[dreg:$0x5] =	wrdreg s0  }
0xd: {  	vm0 =	vmmov $0xffff;
	v1 =	vshrl.u32 v2, $0x3;
	s10 =	sadd.s32 $0x200, s2;
	s30 =	sadd.s32 $0x800, s9;
	[dreg:$0x7] =	wrdreg s31  }
0xe: {  	v0 =	vand.u32 $0x7, v2;
	v2 =	vor.u32 $0x8, v2;
	v1 =	vmul.u32 $0x8, v1;
	s7 =	simm.s32 $0x0;
	s9 =	sadd.s32 $0x100, s2;
	[dreg:$0x6] =	wrdreg s30  }
.LBB2_1:
0xf: {  	[dreg:$0x8] =	wrdreg s7  }
0x10: {  	s0 =	rddreg [dreg:$0x5];
	s1 =	simm.s32 $0x5  }
0x11: {  	[tilespmem:s4], [sflag:$0x5] =	stream.linear.gather [hbm4b:s0+s4], $0x100, $0x38;
	[tilespmem:$0x12200] =	vst v63  }
0x12: {  	_ =	swait.ge [sflag:s1], $0x100  }
0x13: {  	[sflag:s1] =	ssyncset.done $0x0  }
0x14: {  	s31 =	simm.s32 $0x100;
	s30 =	rddreg [dreg:$0x6];
	[sflag:s1] =	ssyncadd.s32 $0xFFFFFF00  }
0x15: {  	[tilespmem:s31], [sflag:$0x5] =	stream.linear.gather [hbm4b:s30+s4], $0x100, $0x38;
	[tilespmem:$0x12200] =	vst v63  }
0x16: {  	_ =	swait.ge [sflag:s1], $0x100  }
0x17: {  	[sflag:s1] =	ssyncset.done $0x0  }
0x18: {  	[sflag:s1] =	ssyncadd.s32 $0xFFFFFF00  }
0x19: {  	v3 =	vld [tilespmem:$0x0];
	_ =	sdelay $0x4  }
0x1a: {  	v4 =	vshrl.u32 v3, $0x3  }
0x1b: {  	v4 =	vmul.u32 $0x30, v4  }
0x1c: {  	v3 =	vand.u32 $0x7, v3  }
0x1d: {  	v3 =	vor.u32 v3, v4  }
0x1e: {  	v4 =	vperm.xlane v3, v0;
	_ =	sdelay $0x1  }
0x1f: {  	v4 =	vadd.s32 v1, v4;
	_ =	sdelay $0x3  }
0x20: {  	s8 =	simm.s32 $0x200;
	v3 =	vperm.xlane v3, v2  }
0x21: {  	[tilespmem:s8], [sflag:$0x1] =	stream.indirect_vreg.gather [hbm4b:s2+s4], $0x80, v4, vm0, $0xb8;
	[tilespmem:$0x12200] =	vst v63  }
0x22: {  	s13 =	simm.s32 $0xA00;
	v3 =	vadd.s32 v1, v3  }
0x23: {  	[tilespmem:s13], [sflag:$0x1] =	stream.indirect_vreg.gather [hbm4b:s9+s4], $0x80, v4, vm0, $0xb8;
	[tilespmem:$0x12200] =	vst v63  }
0x24: {  	s14 =	simm.s32 $0x1200  }
0x25: {  	[tilespmem:s14], [sflag:$0x1] =	stream.indirect_vreg.gather [hbm4b:s10+s4], $0x80, v4, vm0, $0xb8;
	[tilespmem:$0x12200] =	vst v63  }
0x26: {  	s15 =	simm.s32 $0x1A00  }
0x27: {  	[tilespmem:s15], [sflag:$0x1] =	stream.indirect_vreg.gather [hbm4b:s2+s4], $0x80, v3, vm0, $0xb8;
	[tilespmem:$0x12200] =	vst v63  }
0x28: {  	s16 =	simm.s32 $0x2200  }
0x29: {  	[tilespmem:s16], [sflag:$0x1] =	stream.indirect_vreg.gather [hbm4b:s9+s4], $0x80, v3, vm0, $0xb8;
	[tilespmem:$0x12200] =	vst v63  }
0x2a: {  	s17 =	simm.s32 $0x2A00  }
0x2b: {  	[tilespmem:s17], [sflag:$0x1] =	stream.indirect_vreg.gather [hbm4b:s10+s4], $0x80, v3, vm0, $0xb8;
	[tilespmem:$0x12200] =	vst v63  }
0x2c: {  	v3 =	vld [tilespmem:$0x100];
	_ =	sdelay $0x4  }
0x2d: {  	v63 =	vshrl.u32 v3, $0x3  }
0x2e: {  	v4 =	vmul.u32 $0x30, v63  }
0x2f: {  	v3 =	vand.u32 $0x7, v3  }
0x30: {  	v3 =	vor.u32 v3, v4  }
0x31: {  	v4 =	vperm.xlane v3, v0;
	_ =	sdelay $0x1  }
0x32: {  	v4 =	vadd.s32 v1, v4;
	_ =	sdelay $0x3  }
0x33: {  	s18 =	simm.s32 $0x6200;
	v3 =	vperm.xlane v3, v2  }
0x34: {  	[tilespmem:s18], [sflag:$0x1] =	stream.indirect_vreg.gather [hbm4b:s3+s4], $0x80, v4, vm0, $0xb8;
	[tilespmem:$0x12200] =	vst v63  }
0x35: {  	s26 =	simm.s32 $0x6A00;
	v3 =	vadd.s32 v1, v3  }
0x36: {  	[tilespmem:s26], [sflag:$0x1] =	stream.indirect_vreg.gather [hbm4b:s11+s4], $0x80, v4, vm0, $0xb8;
	[tilespmem:$0x12200] =	vst v63  }
0x37: {  	s28 =	simm.s32 $0x7200  }
0x38: {  	[tilespmem:s28], [sflag:$0x1] =	stream.indirect_vreg.gather [hbm4b:s12+s4], $0x80, v4, vm0, $0xb8;
	[tilespmem:$0x12200] =	vst v63  }
0x39: {  	s29 =	simm.s32 $0x7A00  }
0x3a: {  	[tilespmem:s29], [sflag:$0x1] =	stream.indirect_vreg.gather [hbm4b:s3+s4], $0x80, v3, vm0, $0xb8;
	[tilespmem:$0x12200] =	vst v63  }
0x3b: {  	s30 =	simm.s32 $0x8200  }
0x3c: {  	[tilespmem:s30], [sflag:$0x1] =	stream.indirect_vreg.gather [hbm4b:s11+s4], $0x80, v3, vm0, $0xb8;
	[tilespmem:$0x12200] =	vst v63  }
0x3d: {  	s31 =	simm.s32 $0x8A00;
	s8 =	simm.s32 $0x0  }
0x3e: {  	[tilespmem:s31], [sflag:$0x1] =	stream.indirect_vreg.gather [hbm4b:s12+s4], $0x80, v3, vm0, $0xb8;
	[tilespmem:$0x12200] =	vst v63  }
.LBB2_2:
0x3f: {  	s26 =	sshll.u32 s8, $0x5  }
0x40: {  	v3 =	vld [tilespmem:s26+$0x10];
	_ =	sdelay $0x4  }
0x41: {  	v4 =	vshrl.u32 v3, $0x3  }
0x42: {  	v4 =	vmul.u32 $0x30, v4  }
0x43: {  	v3 =	vand.u32 $0x7, v3  }
0x44: {  	v3 =	vor.u32 v3, v4  }
0x45: {  	v4 =	vperm.xlane v3, v0;
	_ =	sdelay $0x1  }
0x46: {  	v4 =	vadd.s32 v1, v4;
	_ =	sdelay $0x3  }
0x47: {  	s0 =	simm.s32 $0x3200;
	v3 =	vperm.xlane v3, v2  }
0x48: {  	[tilespmem:s0], [sflag:$0x2] =	stream.indirect_vreg.gather [hbm4b:s2+s4], $0x80, v4, vm0, $0xb8;
	[tilespmem:$0x12200] =	vst v63  }
0x49: {  	s18 =	simm.s32 $0x3A00;
	v3 =	vadd.s32 v1, v3  }
0x4a: {  	[tilespmem:s18], [sflag:$0x2] =	stream.indirect_vreg.gather [hbm4b:s9+s4], $0x80, v4, vm0, $0xb8;
	[tilespmem:$0x12200] =	vst v63  }
0x4b: {  	s31 =	simm.s32 $0x4200  }
0x4c: {  	[tilespmem:s31], [sflag:$0x2] =	stream.indirect_vreg.gather [hbm4b:s10+s4], $0x80, v4, vm0, $0xb8;
	[tilespmem:$0x12200] =	vst v63  }
0x4d: {  	s1 =	simm.s32 $0x4A00  }
0x4e: {  	[tilespmem:s1], [sflag:$0x2] =	stream.indirect_vreg.gather [hbm4b:s2+s4], $0x80, v3, vm0, $0xb8;
	[tilespmem:$0x12200] =	vst v63  }
0x4f: {  	s7 =	simm.s32 $0x5200  }
0x50: {  	[tilespmem:s7], [sflag:$0x2] =	stream.indirect_vreg.gather [hbm4b:s9+s4], $0x80, v3, vm0, $0xb8;
	[tilespmem:$0x12200] =	vst v63  }
0x51: {  	s13 =	simm.s32 $0x5A00  }
0x52: {  	[tilespmem:s13], [sflag:$0x2] =	stream.indirect_vreg.gather [hbm4b:s10+s4], $0x80, v3, vm0, $0xb8;
	[tilespmem:$0x12200] =	vst v63  }
0x53: {  	v3 =	vld [tilespmem:s26+$0x110];
	_ =	sdelay $0x4  }
0x54: {  	v4 =	vshrl.u32 v3, $0x3  }
0x55: {  	v4 =	vmul.u32 $0x30, v4  }
0x56: {  	v3 =	vand.u32 $0x7, v3  }
0x57: {  	v3 =	vor.u32 v3, v4  }
0x58: {  	v4 =	vperm.xlane v3, v0;
	_ =	sdelay $0x1  }
0x59: {  	v4 =	vadd.s32 v1, v4;
	_ =	sdelay $0x3  }
0x5a: {  	s14 =	simm.s32 $0x9200;
	v3 =	vperm.xlane v3, v2  }
0x5b: {  	[tilespmem:s14], [sflag:$0x2] =	stream.indirect_vreg.gather [hbm4b:s3+s4], $0x80, v4, vm0, $0xb8;
	[tilespmem:$0x12200] =	vst v63  }
0x5c: {  	s15 =	simm.s32 $0x9A00;
	v3 =	vadd.s32 v1, v3  }
0x5d: {  	[tilespmem:s15], [sflag:$0x2] =	stream.indirect_vreg.gather [hbm4b:s11+s4], $0x80, v4, vm0, $0xb8;
	[tilespmem:$0x12200] =	vst v63  }
0x5e: {  	s16 =	simm.s32 $0xA200  }
0x5f: {  	[tilespmem:s16], [sflag:$0x2] =	stream.indirect_vreg.gather [hbm4b:s12+s4], $0x80, v4, vm0, $0xb8;
	[tilespmem:$0x12200] =	vst v63  }
0x60: {  	_ = 	snop  }
0x61: {  	[tilespmem:s19], [sflag:$0x2] =	stream.indirect_vreg.gather [hbm4b:s3+s4], $0x80, v3, vm0, $0xb8;
	[tilespmem:$0x12200] =	vst v63  }
0x62: {  	_ = 	snop  }
0x63: {  	[tilespmem:s20], [sflag:$0x2] =	stream.indirect_vreg.gather [hbm4b:s11+s4], $0x80, v3, vm0, $0xb8;
	[tilespmem:$0x12200] =	vst v63  }
0x64: {  	_ = 	snop  }
0x65: {  	[tilespmem:s21], [sflag:$0x2] =	stream.indirect_vreg.gather [hbm4b:s12+s4], $0x80, v3, vm0, $0xb8;
	[tilespmem:$0x12200] =	vst v63  }
0x66: {  	_ =	swait.ge [sflag:s22], $0x3000  }
0x67: {  	[sflag:s22] =	ssyncset.done $0x0  }
0x68: {  	[sflag:s22] =	ssyncadd.s32 $0xFFFFD000  }
0x69: {  	_ =	swait.ge [sflag:s22], $0x3000  }
0x6a: {  	p0 =	seq.s32 s8, $0x0;
	s28 =	simm.s32 $0x0;
	[sflag:s22] =	ssyncset.done $0x0  }
0x6b: {  	s17 =	simm.s32 $0x0;
	s13 =	simm.s32 @!p0 $0x3;
	[sflag:s22] =	ssyncadd.s32 $0xFFFFD000  }
0x6c: {  	s0 =	smul.u32 $0x1800, s17;
	s7 =	sand.u32 $0x300, s28;
	_ =	swait.ge @!p0 [sflag:s13], $0x3000  }
0x6d: {  	s1 =	sor.u32 $0x80, s7;
	[sflag:s13] =	ssyncset.done @!p0 $0x0  }
0x6e: {  	s14 =	sor.u32 s0, s1;
	[sflag:s13] =	ssyncadd.s32 @!p0 $0xFFFFD000  }
0x6f: {  	v3 =	vld [tilespmem:s14+$0x200]  }
0x70: {  	v4 =	vld [tilespmem:s14+$0x6200]  }
0x71: {  	v5 =	vld [tilespmem:s14+$0x210]  }
0x72: {  	v6 =	vld [tilespmem:s14+$0x6210]  }
0x73: {  	v7 =	vld [tilespmem:s14+$0x220]  }
0x74: {  	v8 =	vld [tilespmem:s14+$0x6220]  }
0x75: {  	v9 =	vld [tilespmem:s14+$0x230]  }
0x76: {  	v10 =	vld [tilespmem:s14+$0x6230]  }
0x77: {  	v11 =	vld [tilespmem:s14+$0x240]  }
0x78: {  	v12 =	vld [tilespmem:s14+$0x6240]  }
0x79: {  	v13 =	vld [tilespmem:s14+$0x250]  }
0x7a: {  	v14 =	vld [tilespmem:s14+$0x6250]  }
0x7b: {  	v15 =	vld [tilespmem:s14+$0x260]  }
0x7c: {  	v16 =	vld [tilespmem:s14+$0x6260]  }
0x7d: {  	v17 =	vld [tilespmem:s14+$0x270]  }
0x7e: {  	v18 =	vld [tilespmem:s14+$0x6270]  }
0x7f: {  	v19 =	vld [tilespmem:s14+$0x600]  }
0x80: {  	v20 =	vld [tilespmem:s14+$0x6600]  }
0x81: {  	v21 =	vld [tilespmem:s14+$0x610]  }
0x82: {  	v22 =	vld [tilespmem:s14+$0x6610]  }
0x83: {  	v23 =	vld [tilespmem:s14+$0x620]  }
0x84: {  	v24 =	vld [tilespmem:s14+$0x6660]  }
0x85: {  	s18 =	sor.u32 s7, s0;
	v25 =	vld [tilespmem:s14+$0x670]  }
0x86: {  	v38 =	vld [tilespmem:s18+$0x240]  }
0x87: {  	v39 =	vld [tilespmem:s18+$0x6240]  }
0x88: {  	v40 =	vld [tilespmem:s18+$0x250]  }
0x89: {  	v41 =	vld [tilespmem:s18+$0x260]  }
0x8a: {  	v51 =	vld [tilespmem:s18+$0x270]  }
0x8b: {  	v53 =	vld [tilespmem:s18+$0x6270]  }
0x8c: {  	v54 =	vld [tilespmem:s18+$0x600]  }
0x8d: {  	v56 =	vld [tilespmem:s18+$0x6600]  }
0x8e: {  	v57 =	vld [tilespmem:s18+$0x610];
	v3 =	vadd.f32 v4, v3  }
0x8f: {  	v59 =	vld [tilespmem:s18+$0x6610];
	v5 =	vadd.f32 v6, v5  }
0x90: {  	v4 =	vld [tilespmem:s14+$0x6620];
	[tilespmem:s14+$0xC200] =	vst v3;
	v3 =	vadd.f32 v8, v7  }
0x91: {  	v6 =	vld [tilespmem:s14+$0x630];
	[tilespmem:s14+$0xC210] =	vst v5;
	v5 =	vadd.f32 v10, v9  }
0x92: {  	v7 =	vld [tilespmem:s14+$0x6630];
	[tilespmem:s14+$0xC220] =	vst v3;
	v3 =	vadd.f32 v12, v11  }
0x93: {  	v8 =	vld [tilespmem:s14+$0x640];
	[tilespmem:s14+$0xC230] =	vst v5;
	v5 =	vadd.f32 v14, v13  }
0x94: {  	v9 =	vld [tilespmem:s14+$0x6640];
	[tilespmem:s14+$0xC240] =	vst v3;
	v3 =	vadd.f32 v16, v15  }
0x95: {  	v10 =	vld [tilespmem:s14+$0x650];
	[tilespmem:s14+$0xC250] =	vst v5;
	v5 =	vadd.f32 v18, v17  }
0x96: {  	v11 =	vld [tilespmem:s14+$0x6650];
	[tilespmem:s14+$0xC260] =	vst v3;
	v3 =	vadd.f32 v20, v19  }
0x97: {  	v18 =	vld [tilespmem:s14+$0x660];
	[tilespmem:s14+$0xC270] =	vst v5;
	v5 =	vadd.f32 v22, v21  }
0x98: {  	[tilespmem:s14+$0xC600] =	vst v3;
	v3 =	vadd.f32 v4, v23;
	v4 =	vld [tilespmem:s14+$0x6670]  }
0x99: {  	v14 =	vld [tilespmem:s18+$0x6230];
	[tilespmem:s14+$0xC610] =	vst v5;
	v5 =	vadd.f32 v7, v6  }
0x9a: {  	v15 =	vld [tilespmem:s18+$0x200];
	[tilespmem:s14+$0xC620] =	vst v3;
	v3 =	vadd.f32 v9, v8  }
0x9b: {  	v6 =	vld [tilespmem:s18+$0x6200];
	[tilespmem:s14+$0xC630] =	vst v5;
	v5 =	vadd.f32 v11, v10  }
0x9c: {  	v7 =	vld [tilespmem:s18+$0x210];
	[tilespmem:s14+$0xC640] =	vst v3;
	v3 =	vadd.f32 v24, v18  }
0x9d: {  	v8 =	vld [tilespmem:s18+$0x6210];
	[tilespmem:s14+$0xC650] =	vst v5;
	v4 =	vadd.f32 v4, v25  }
0x9e: {  	s16 =	sadd.s32 $0x800, s0;
	v9 =	vld [tilespmem:s18+$0x220];
	[tilespmem:s14+$0xC660] =	vst v3  }
0x9f: {  	s15 =	sor.u32 s1, s16;
	v5 =	vld [tilespmem:s18+$0x6220];
	[tilespmem:s14+$0xC670] =	vst v4  }
0xa0: {  	v4 =	vld [tilespmem:s15+$0x200]  }
0xa1: {  	v10 =	vld [tilespmem:s15+$0x6200]  }
0xa2: {  	v11 =	vld [tilespmem:s15+$0x210]  }
0xa3: {  	v26 =	vld [tilespmem:s15+$0x6210]  }
0xa4: {  	v27 =	vld [tilespmem:s15+$0x220]  }
0xa5: {  	v28 =	vld [tilespmem:s15+$0x6220]  }
0xa6: {  	v29 =	vld [tilespmem:s15+$0x230]  }
0xa7: {  	v30 =	vld [tilespmem:s15+$0x6230]  }
0xa8: {  	v31 =	vld [tilespmem:s15+$0x240]  }
0xa9: {  	v32 =	vld [tilespmem:s15+$0x6240]  }
0xaa: {  	v6 =	vadd.f32 v6, v15;
	v33 =	vld [tilespmem:s15+$0x250]  }
0xab: {  	v7 =	vadd.f32 v8, v7;
	v34 =	vld [tilespmem:s15+$0x6250]  }
0xac: {  	[tilespmem:s18+$0xC200] =	vst v6;
	v35 =	vld [tilespmem:s15+$0x260];
	v5 =	vadd.f32 v5, v9  }
0xad: {  	v36 =	vld [tilespmem:s15+$0x270];
	[tilespmem:s18+$0xC210] =	vst v7;
	v4 =	vadd.f32 v10, v4  }
0xae: {  	[tilespmem:s18+$0xC220] =	vst v5;
	v10 =	vld [tilespmem:s15+$0x6260];
	v11 =	vadd.f32 v26, v11  }
0xaf: {  	v37 =	vld [tilespmem:s15+$0x6270];
	[tilespmem:s15+$0xC200] =	vst v4;
	v4 =	vadd.f32 v28, v27  }
0xb0: {  	v3 =	vld [tilespmem:s18+$0x230];
	[tilespmem:s15+$0xC210] =	vst v11;
	v11 =	vadd.f32 v30, v29  }
0xb1: {  	v8 =	vld [tilespmem:s18+$0x630];
	[tilespmem:s15+$0xC220] =	vst v4;
	v4 =	vadd.f32 v32, v31  }
0xb2: {  	v6 =	vld [tilespmem:s18+$0x6630];
	[tilespmem:s15+$0xC230] =	vst v11;
	v11 =	vadd.f32 v34, v33  }
0xb3: {  	v7 =	vld [tilespmem:s18+$0x640];
	[tilespmem:s15+$0xC240] =	vst v4;
	v4 =	vadd.f32 v10, v35  }
0xb4: {  	v9 =	vld [tilespmem:s18+$0x6640];
	[tilespmem:s15+$0xC250] =	vst v11;
	v11 =	vadd.f32 v37, v36  }
0xb5: {  	s14 =	sadd.s32 $0xC00, s0;
	v5 =	vadd.f32 v39, v38;
	v38 =	vld [tilespmem:s18+$0x660];
	[tilespmem:s15+$0xC260] =	vst v4  }
0xb6: {  	s17 =	sor.u32 s1, s14;
	v10 =	vld [tilespmem:s18+$0x6250];
	[tilespmem:s15+$0xC270] =	vst v11  }
0xb7: {  	v11 =	vld [tilespmem:s17+$0x200]  }
0xb8: {  	v42 =	vld [tilespmem:s17+$0x6200]  }
0xb9: {  	v43 =	vld [tilespmem:s17+$0x210]  }
0xba: {  	v44 =	vld [tilespmem:s17+$0x6210]  }
0xbb: {  	v45 =	vld [tilespmem:s17+$0x220]  }
0xbc: {  	v46 =	vld [tilespmem:s17+$0x6220]  }
0xbd: {  	v47 =	vld [tilespmem:s17+$0x230]  }
0xbe: {  	v24 =	vld [tilespmem:s17+$0x6230]  }
0xbf: {  	v25 =	vld [tilespmem:s17+$0x240]  }
0xc0: {  	v26 =	vld [tilespmem:s17+$0x6240]  }
0xc1: {  	v27 =	vld [tilespmem:s17+$0x250]  }
0xc2: {  	v3 =	vadd.f32 v14, v3;
	v28 =	vld [tilespmem:s17+$0x6250]  }
0xc3: {  	v29 =	vld [tilespmem:s17+$0x260]  }
0xc4: {  	[tilespmem:s18+$0xC230] =	vst v3;
	v49 =	vld [tilespmem:s17+$0x270];
	v11 =	vadd.f32 v42, v11  }
0xc5: {  	[tilespmem:s18+$0xC240] =	vst v5;
	v50 =	vld [tilespmem:s17+$0x6270];
	v19 =	vadd.f32 v44, v43  }
0xc6: {  	v48 =	vld [tilespmem:s17+$0x6260];
	v52 =	vadd.f32 v24, v47;
	[tilespmem:s17+$0xC200] =	vst v11  }
0xc7: {  	v39 =	vld [tilespmem:s18+$0x6660];
	v11 =	vadd.f32 v46, v45;
	[tilespmem:s17+$0xC210] =	vst v19  }
0xc8: {  	v5 =	vld [tilespmem:s18+$0x6650];
	v55 =	vadd.f32 v28, v27;
	[tilespmem:s17+$0xC230] =	vst v52  }
0xc9: {  	v37 =	vld [tilespmem:s18+$0x6620];
	[tilespmem:s17+$0xC220] =	vst v11;
	v11 =	vadd.f32 v26, v25  }
0xca: {  	v4 =	vld [tilespmem:s18+$0x6260];
	v58 =	vadd.f32 v50, v49;
	[tilespmem:s17+$0xC250] =	vst v55  }
0xcb: {  	v3 =	vadd.f32 v10, v40;
	v10 =	vld [tilespmem:s18+$0x650];
	[tilespmem:s17+$0xC240] =	vst v11;
	v11 =	vadd.f32 v48, v29  }
0xcc: {  	s15 =	sadd.s32 $0x1000, s0;
	v40 =	vld [tilespmem:s18+$0x670];
	[tilespmem:s17+$0xC270] =	vst v58  }
0xcd: {  	s31 =	sor.u32 s1, s15;
	[tilespmem:s17+$0xC260] =	vst v11;
	v11 =	vld [tilespmem:s18+$0x620]  }
0xce: {  	v19 =	vld [tilespmem:s31+$0x200]  }
0xcf: {  	v60 =	vld [tilespmem:s31+$0x6200]  }
0xd0: {  	v61 =	vld [tilespmem:s31+$0x210]  }
0xd1: {  	v62 =	vld [tilespmem:s31+$0x6210]  }
0xd2: {  	v63 =	vld [tilespmem:s31+$0x220]  }
0xd3: {  	v4 =	vadd.f32 v4, v41;
	v36 =	vld [tilespmem:s31+$0x6220]  }
0xd4: {  	[tilespmem:s18+$0xC250] =	vst v3;
	v3 =	vadd.f32 v53, v51;
	v30 =	vld [tilespmem:s31+$0x230]  }
0xd5: {  	[tilespmem:s18+$0xC260] =	vst v4;
	v4 =	vadd.f32 v56, v54;
	v31 =	vld [tilespmem:s31+$0x6230]  }
0xd6: {  	[tilespmem:s18+$0xC270] =	vst v3;
	v3 =	vadd.f32 v59, v57;
	v32 =	vld [tilespmem:s31+$0x240]  }
0xd7: {  	[tilespmem:s18+$0xC600] =	vst v4;
	v4 =	vadd.f32 v37, v11;
	v11 =	vld [tilespmem:s18+$0x6670]  }
0xd8: {  	v6 =	vadd.f32 v6, v8;
	[tilespmem:s18+$0xC610] =	vst v3;
	v3 =	vld [tilespmem:s31+$0x6240]  }
0xd9: {  	v8 =	vld [tilespmem:s31+$0x250];
	[tilespmem:s18+$0xC620] =	vst v4;
	v4 =	vadd.f32 v9, v7  }
0xda: {  	[tilespmem:s18+$0xC630] =	vst v6;
	v5 =	vadd.f32 v5, v10;
	v6 =	vld [tilespmem:s31+$0x260]  }
0xdb: {  	v10 =	vld [tilespmem:s31+$0x270];
	[tilespmem:s18+$0xC640] =	vst v4;
	v4 =	vadd.f32 v39, v38  }
0xdc: {  	[tilespmem:s18+$0xC650] =	vst v5;
	v7 =	vld [tilespmem:s31+$0x6250];
	v5 =	vadd.f32 v11, v40  }
0xdd: {  	v9 =	vld [tilespmem:s31+$0x6260];
	[tilespmem:s18+$0xC660] =	vst v4  }
0xde: {  	v4 =	vld [tilespmem:s31+$0x6270];
	[tilespmem:s18+$0xC670] =	vst v5;
	s18 =	sor.u32 s7, s16  }
0xdf: {  	v5 =	vld [tilespmem:s18+$0x200]  }
0xe0: {  	v11 =	vld [tilespmem:s18+$0x6200]  }
0xe1: {  	v41 =	vld [tilespmem:s18+$0x210]  }
0xe2: {  	v42 =	vld [tilespmem:s18+$0x6210]  }
0xe3: {  	v43 =	vld [tilespmem:s18+$0x220]  }
0xe4: {  	v44 =	vadd.f32 v60, v19;
	v45 =	vld [tilespmem:s18+$0x6220]  }
0xe5: {  	v46 =	vadd.f32 v62, v61;
	v47 =	vld [tilespmem:s18+$0x230]  }
0xe6: {  	v48 =	vadd.f32 v36, v63;
	[tilespmem:s31+$0xC200] =	vst v44;
	v49 =	vld [tilespmem:s18+$0x6230]  }
0xe7: {  	v50 =	vadd.f32 v31, v30;
	[tilespmem:s31+$0xC210] =	vst v46;
	v51 =	vld [tilespmem:s18+$0x240]  }
0xe8: {  	v3 =	vadd.f32 v3, v32;
	[tilespmem:s31+$0xC220] =	vst v48;
	v52 =	vld [tilespmem:s18+$0x6240]  }
0xe9: {  	[tilespmem:s31+$0xC230] =	vst v50;
	v7 =	vadd.f32 v7, v8;
	v8 =	vld [tilespmem:s18+$0x250]  }
0xea: {  	[tilespmem:s31+$0xC240] =	vst v3;
	v3 =	vadd.f32 v9, v6;
	v6 =	vld [tilespmem:s18+$0x6250]  }
0xeb: {  	v9 =	vld [tilespmem:s18+$0x270];
	[tilespmem:s31+$0xC250] =	vst v7;
	v4 =	vadd.f32 v4, v10  }
0xec: {  	v7 =	vld [tilespmem:s18+$0x260];
	[tilespmem:s31+$0xC260] =	vst v3;
	v3 =	vadd.f32 v11, v5  }
0xed: {  	v5 =	vld [tilespmem:s18+$0x6260];
	[tilespmem:s31+$0xC270] =	vst v4;
	v4 =	vadd.f32 v42, v41  }
0xee: {  	v10 =	vld [tilespmem:s18+$0x6270];
	[tilespmem:s18+$0xC200] =	vst v3;
	v3 =	vadd.f32 v45, v43  }
0xef: {  	[tilespmem:s18+$0xC210] =	vst v4;
	v4 =	vadd.f32 v49, v47  }
0xf0: {  	[tilespmem:s18+$0xC220] =	vst v3;
	v3 =	vadd.f32 v52, v51  }
0xf1: {  	[tilespmem:s18+$0xC230] =	vst v4;
	v4 =	vadd.f32 v6, v8  }
0xf2: {  	s0 =	sadd.s32 $0x1400, s0;
	[tilespmem:s18+$0xC240] =	vst v3;
	v3 =	vadd.f32 v5, v7  }
0xf3: {  	s29 =	sor.u32 s1, s0;
	[tilespmem:s18+$0xC250] =	vst v4;
	v4 =	vadd.f32 v10, v9  }
0xf4: {  	v5 =	vld [tilespmem:s29+$0x270];
	[tilespmem:s18+$0xC260] =	vst v3  }
0xf5: {  	s31 =	sor.u32 s7, s14;
	[tilespmem:s18+$0xC270] =	vst v4;
	v3 =	vld [tilespmem:s29+$0x6270]  }
0xf6: {  	v4 =	vld [tilespmem:s31+$0x200]  }
0xf7: {  	v6 =	vld [tilespmem:s31+$0x6200]  }
0xf8: {  	v7 =	vld [tilespmem:s31+$0x210]  }
0xf9: {  	v8 =	vld [tilespmem:s31+$0x6210]  }
0xfa: {  	v9 =	vld [tilespmem:s31+$0x220]  }
0xfb: {  	v10 =	vld [tilespmem:s31+$0x6220]  }
0xfc: {  	v11 =	vld [tilespmem:s31+$0x230]  }
0xfd: {  	v53 =	vld [tilespmem:s31+$0x6230]  }
0xfe: {  	v54 =	vld [tilespmem:s31+$0x240]  }
0xff: {  	v55 =	vld [tilespmem:s31+$0x6240]  }
0x100: {  	v56 =	vld [tilespmem:s31+$0x250]  }
0x101: {  	v57 =	vld [tilespmem:s31+$0x6250]  }
0x102: {  	v3 =	vadd.f32 v3, v5;
	v5 =	vld [tilespmem:s31+$0x260]  }
0x103: {  	v4 =	vadd.f32 v6, v4;
	v6 =	vld [tilespmem:s31+$0x6260]  }
0x104: {  	[tilespmem:s29+$0xC270] =	vst v3;
	v3 =	vadd.f32 v8, v7;
	v7 =	vld [tilespmem:s31+$0x270]  }
0x105: {  	v8 =	vld [tilespmem:s31+$0x6270];
	[tilespmem:s31+$0xC200] =	vst v4;
	v4 =	vadd.f32 v10, v9  }
0x106: {  	[tilespmem:s31+$0xC210] =	vst v3;
	v3 =	vadd.f32 v53, v11  }
0x107: {  	[tilespmem:s31+$0xC220] =	vst v4;
	v4 =	vadd.f32 v55, v54  }
0x108: {  	v60 =	vld [tilespmem:s29+$0x220];
	[tilespmem:s31+$0xC230] =	vst v3;
	v3 =	vadd.f32 v57, v56  }
0x109: {  	v5 =	vadd.f32 v6, v5;
	v6 =	vld [tilespmem:s29+$0x6200];
	[tilespmem:s31+$0xC240] =	vst v4  }
0x10a: {  	v4 =	vld [tilespmem:s29+$0x200];
	[tilespmem:s31+$0xC250] =	vst v3;
	v3 =	vadd.f32 v8, v7  }
0x10b: {  	v7 =	vld [tilespmem:s29+$0x210];
	[tilespmem:s31+$0xC260] =	vst v5  }
0x10c: {  	s30 =	sor.u32 s7, s15;
	v5 =	vld [tilespmem:s29+$0x6210];
	[tilespmem:s31+$0xC270] =	vst v3  }
0x10d: {  	v3 =	vld [tilespmem:s30+$0x200]  }
0x10e: {  	v8 =	vld [tilespmem:s30+$0x6200]  }
0x10f: {  	v9 =	vld [tilespmem:s30+$0x210]  }
0x110: {  	v10 =	vld [tilespmem:s30+$0x6210]  }
0x111: {  	v11 =	vld [tilespmem:s30+$0x220]  }
0x112: {  	v58 =	vld [tilespmem:s30+$0x6220]  }
0x113: {  	v59 =	vld [tilespmem:s30+$0x6230]  }
0x114: {  	v61 =	vld [tilespmem:s30+$0x6240]  }
0x115: {  	v62 =	vld [tilespmem:s30+$0x250]  }
0x116: {  	v63 =	vld [tilespmem:s30+$0x6250];
	v3 =	vadd.f32 v8, v3  }
0x117: {  	v8 =	vld [tilespmem:s30+$0x230]  }
0x118: {  	v4 =	vadd.f32 v6, v4;
	[tilespmem:s30+$0xC200] =	vst v3;
	v3 =	vadd.f32 v10, v9;
	v9 =	vld [tilespmem:s29+$0x6220]  }
0x119: {  	v11 =	vadd.f32 v58, v11;
	v10 =	vld [tilespmem:s30+$0x240]  }
0x11a: {  	[tilespmem:s29+$0xC200] =	vst v4;
	v4 =	vadd.f32 v5, v7;
	v5 =	vld [tilespmem:s30+$0x6260]  }
0x11b: {  	[tilespmem:s30+$0xC220] =	vst v11;
	v11 =	vld [tilespmem:s30+$0x260]  }
0x11c: {  	[tilespmem:s30+$0xC210] =	vst v3;
	v3 =	vld [tilespmem:s29+$0x230];
	v6 =	vadd.f32 v59, v8  }
0x11d: {  	[tilespmem:s29+$0xC210] =	vst v4;
	v8 =	vld [tilespmem:s30+$0x270];
	v7 =	vadd.f32 v9, v60  }
0x11e: {  	[tilespmem:s30+$0xC230] =	vst v6;
	v9 =	vld [tilespmem:s30+$0x6270];
	v6 =	vadd.f32 v61, v10  }
0x11f: {  	v10 =	vadd.f32 v63, v62;
	[tilespmem:s29+$0xC220] =	vst v7;
	v7 =	vld [tilespmem:s29+$0x6230]  }
0x120: {  	v4 =	vld [tilespmem:s29+$0x240];
	[tilespmem:s30+$0xC240] =	vst v6  }
0x121: {  	v6 =	vld [tilespmem:s29+$0x6240];
	[tilespmem:s30+$0xC250] =	vst v10;
	v10 =	vadd.f32 v5, v11  }
0x122: {  	s13 =	sor.u32 $0x10, s26;
	s14 =	sor.u32 s7, s0;
	s7 =	simm.s32 $0x0;
	v5 =	vld [tilespmem:s29+$0x250]  }
.LBB2_3:
0x123: {  	s7 =	sadd.s32 $0x2, s7;
	[tilespmem:s30+$0xC260] =	vst v10;
	v8 =	vadd.f32 v9, v8;
	v9 =	vld [tilespmem:s29+$0x6250]  }
0x124: {  	s28 =	sadd.s32 $0x100, s28;
	s0 =	sshrl.u32 s7, $0x3;
	p1 =	slt.u32 s7, $0xE;
	v3 =	vadd.f32 v7, v3;
	v7 =	vld [tilespmem:s29+$0x260]  }
0x125: {  	s1 =	sand.u32 $0x300, s28;
	s15 =	smul.u32 $0x1800, s0;
	[tilespmem:s30+$0xC270] =	vst v8;
	v8 =	vld [tilespmem:s29+$0x6260]  }
0x126: {  	s0 =	sor.u32 $0x80, s1;
	v10 =	vld [tilespmem:s14+$0x200];
	[tilespmem:s29+$0xC230] =	vst v3;
	v3 =	vadd.f32 v6, v4  }
0x127: {  	s31 =	sor.u32 s1, s15;
	s17 =	sor.u32 s15, s0;
	v4 =	vld [tilespmem:s14+$0x6200]  }
0x128: {  	v6 =	vld [tilespmem:s17+$0x200];
	[tilespmem:s29+$0xC240] =	vst v3;
	v3 =	vadd.f32 v9, v5  }
0x129: {  	v5 =	vld [tilespmem:s17+$0x6200]  }
0x12a: {  	v9 =	vld [tilespmem:s17+$0x210];
	[tilespmem:s29+$0xC250] =	vst v3;
	v3 =	vadd.f32 v8, v7  }
0x12b: {  	v7 =	vld [tilespmem:s17+$0x6210]  }
0x12c: {  	v8 =	vld [tilespmem:s17+$0x220];
	v4 =	vadd.f32 v4, v10;
	[tilespmem:s29+$0xC260] =	vst v3  }
0x12d: {  	v3 =	vld [tilespmem:s17+$0x6220]  }
0x12e: {  	v10 =	vld [tilespmem:s17+$0x230];
	[tilespmem:s14+$0xC200] =	vst v4  }
0x12f: {  	v4 =	vld [tilespmem:s17+$0x6230]  }
0x130: {  	v11 =	vld [tilespmem:s17+$0x240]  }
0x131: {  	v12 =	vld [tilespmem:s17+$0x6240]  }
0x132: {  	v13 =	vld [tilespmem:s17+$0x250]  }
0x133: {  	v14 =	vld [tilespmem:s17+$0x6250]  }
0x134: {  	v15 =	vld [tilespmem:s17+$0x260]  }
0x135: {  	v16 =	vld [tilespmem:s17+$0x6260]  }
0x136: {  	v17 =	vld [tilespmem:s17+$0x270]  }
0x137: {  	v18 =	vld [tilespmem:s17+$0x6270]  }
0x138: {  	v19 =	vld [tilespmem:s17+$0x600]  }
0x139: {  	v20 =	vld [tilespmem:s17+$0x6600]  }
0x13a: {  	v21 =	vld [tilespmem:s17+$0x610]  }
0x13b: {  	v22 =	vld [tilespmem:s17+$0x6610]  }
0x13c: {  	v23 =	vld [tilespmem:s17+$0x620]  }
0x13d: {  	v5 =	vadd.f32 v5, v6;
	v6 =	vld [tilespmem:s17+$0x6620]  }
0x13e: {  	v7 =	vadd.f32 v7, v9;
	v9 =	vld [tilespmem:s17+$0x630]  }
0x13f: {  	v3 =	vadd.f32 v3, v8;
	[tilespmem:s17+$0xC200] =	vst v5;
	v5 =	vld [tilespmem:s17+$0x6630]  }
0x140: {  	v4 =	vadd.f32 v4, v10;
	[tilespmem:s17+$0xC210] =	vst v7;
	v7 =	vld [tilespmem:s17+$0x640]  }
0x141: {  	[tilespmem:s17+$0xC220] =	vst v3;
	v3 =	vadd.f32 v12, v11;
	v8 =	vld [tilespmem:s17+$0x6640]  }
0x142: {  	[tilespmem:s17+$0xC230] =	vst v4;
	v4 =	vadd.f32 v14, v13;
	v10 =	vld [tilespmem:s17+$0x650]  }
0x143: {  	[tilespmem:s17+$0xC240] =	vst v3;
	v3 =	vadd.f32 v16, v15;
	v11 =	vld [tilespmem:s17+$0x6650]  }
0x144: {  	[tilespmem:s17+$0xC250] =	vst v4;
	v4 =	vadd.f32 v18, v17;
	v12 =	vld [tilespmem:s17+$0x660]  }
0x145: {  	[tilespmem:s17+$0xC260] =	vst v3;
	v3 =	vadd.f32 v20, v19;
	v13 =	vld [tilespmem:s17+$0x6660]  }
0x146: {  	[tilespmem:s17+$0xC270] =	vst v4;
	v4 =	vadd.f32 v22, v21;
	v14 =	vld [tilespmem:s17+$0x670]  }
0x147: {  	[tilespmem:s17+$0xC600] =	vst v3;
	v3 =	vadd.f32 v6, v23;
	v6 =	vld [tilespmem:s17+$0x6670]  }
0x148: {  	v15 =	vld [tilespmem:s31+$0x200];
	[tilespmem:s17+$0xC610] =	vst v4;
	v4 =	vadd.f32 v5, v9  }
0x149: {  	v5 =	vld [tilespmem:s31+$0x6200];
	[tilespmem:s17+$0xC620] =	vst v3;
	v3 =	vadd.f32 v8, v7  }
0x14a: {  	v7 =	vld [tilespmem:s31+$0x210];
	[tilespmem:s17+$0xC630] =	vst v4;
	v4 =	vadd.f32 v11, v10  }
0x14b: {  	v8 =	vld [tilespmem:s31+$0x6210];
	[tilespmem:s17+$0xC640] =	vst v3;
	v3 =	vadd.f32 v13, v12  }
0x14c: {  	v9 =	vld [tilespmem:s31+$0x220];
	[tilespmem:s17+$0xC650] =	vst v4;
	v4 =	vadd.f32 v6, v14  }
0x14d: {  	s29 =	sadd.s32 $0x800, s15;
	v6 =	vld [tilespmem:s31+$0x6220];
	[tilespmem:s17+$0xC660] =	vst v3  }
0x14e: {  	s16 =	sor.u32 s1, s29;
	s29 =	sor.u32 s0, s29;
	v3 =	vadd.f32 v5, v15;
	v5 =	vld [tilespmem:s31+$0x230];
	[tilespmem:s17+$0xC670] =	vst v4  }
0x14f: {  	v4 =	vld [tilespmem:s29+$0x200]  }
0x150: {  	[tilespmem:s31+$0xC200] =	vst v3;
	v3 =	vadd.f32 v8, v7;
	v7 =	vld [tilespmem:s29+$0x6200]  }
0x151: {  	v8 =	vld [tilespmem:s29+$0x210]  }
0x152: {  	[tilespmem:s31+$0xC210] =	vst v3;
	v3 =	vadd.f32 v6, v9;
	v6 =	vld [tilespmem:s29+$0x6210]  }
0x153: {  	v9 =	vld [tilespmem:s29+$0x220]  }
0x154: {  	[tilespmem:s31+$0xC220] =	vst v3;
	v3 =	vld [tilespmem:s29+$0x6220]  }
0x155: {  	v10 =	vld [tilespmem:s29+$0x230]  }
0x156: {  	v11 =	vld [tilespmem:s29+$0x6230]  }
0x157: {  	v12 =	vld [tilespmem:s29+$0x240]  }
0x158: {  	v13 =	vld [tilespmem:s29+$0x6240]  }
0x159: {  	v14 =	vld [tilespmem:s29+$0x250]  }
0x15a: {  	v15 =	vld [tilespmem:s29+$0x6250]  }
0x15b: {  	v16 =	vld [tilespmem:s29+$0x260]  }
0x15c: {  	v4 =	vadd.f32 v7, v4;
	v7 =	vld [tilespmem:s29+$0x6260]  }
0x15d: {  	v6 =	vadd.f32 v6, v8;
	v8 =	vld [tilespmem:s29+$0x270]  }
0x15e: {  	v3 =	vadd.f32 v3, v9;
	[tilespmem:s29+$0xC200] =	vst v4;
	v4 =	vld [tilespmem:s29+$0x6270]  }
0x15f: {  	v9 =	vld [tilespmem:s31+$0x6230];
	[tilespmem:s29+$0xC210] =	vst v6;
	v6 =	vadd.f32 v11, v10  }
0x160: {  	v10 =	vld [tilespmem:s31+$0x240];
	[tilespmem:s29+$0xC220] =	vst v3;
	v3 =	vadd.f32 v13, v12  }
0x161: {  	v11 =	vld [tilespmem:s31+$0x6240];
	[tilespmem:s29+$0xC230] =	vst v6;
	v6 =	vadd.f32 v15, v14  }
0x162: {  	v12 =	vld [tilespmem:s31+$0x250];
	[tilespmem:s29+$0xC240] =	vst v3;
	v3 =	vadd.f32 v7, v16  }
0x163: {  	v7 =	vld [tilespmem:s31+$0x6250];
	[tilespmem:s29+$0xC250] =	vst v6;
	v4 =	vadd.f32 v4, v8  }
0x164: {  	s30 =	sadd.s32 $0xC00, s15;
	v5 =	vadd.f32 v9, v5;
	v6 =	vld [tilespmem:s31+$0x260];
	[tilespmem:s29+$0xC260] =	vst v3  }
0x165: {  	s17 =	sor.u32 s1, s30;
	v3 =	vld [tilespmem:s31+$0x6260];
	[tilespmem:s29+$0xC270] =	vst v4;
	s29 =	sor.u32 s0, s30  }
0x166: {  	[tilespmem:s31+$0xC230] =	vst v5;
	v4 =	vadd.f32 v11, v10;
	v5 =	vld [tilespmem:s29+$0x200]  }
0x167: {  	v8 =	vld [tilespmem:s29+$0x6200]  }
0x168: {  	[tilespmem:s31+$0xC240] =	vst v4;
	v4 =	vadd.f32 v7, v12;
	v7 =	vld [tilespmem:s29+$0x210]  }
0x169: {  	v9 =	vld [tilespmem:s29+$0x6210]  }
0x16a: {  	[tilespmem:s31+$0xC250] =	vst v4;
	v3 =	vadd.f32 v3, v6;
	v4 =	vld [tilespmem:s29+$0x220]  }
0x16b: {  	v6 =	vld [tilespmem:s29+$0x6220]  }
0x16c: {  	[tilespmem:s31+$0xC260] =	vst v3;
	v3 =	vld [tilespmem:s29+$0x230]  }
0x16d: {  	v10 =	vld [tilespmem:s29+$0x6230]  }
0x16e: {  	v11 =	vld [tilespmem:s29+$0x240]  }
0x16f: {  	v12 =	vld [tilespmem:s29+$0x6240]  }
0x170: {  	v13 =	vld [tilespmem:s29+$0x250]  }
0x171: {  	v14 =	vld [tilespmem:s29+$0x6250]  }
0x172: {  	v15 =	vld [tilespmem:s29+$0x260]  }
0x173: {  	v5 =	vadd.f32 v8, v5;
	v8 =	vld [tilespmem:s29+$0x6260]  }
0x174: {  	v7 =	vadd.f32 v9, v7;
	v9 =	vld [tilespmem:s29+$0x270]  }
0x175: {  	v4 =	vadd.f32 v6, v4;
	[tilespmem:s29+$0xC200] =	vst v5;
	v5 =	vld [tilespmem:s29+$0x6270]  }
0x176: {  	v3 =	vadd.f32 v10, v3;
	v6 =	vld [tilespmem:s31+$0x270];
	[tilespmem:s29+$0xC210] =	vst v7  }
0x177: {  	v7 =	vld [tilespmem:s31+$0x6270];
	[tilespmem:s29+$0xC220] =	vst v4;
	v4 =	vadd.f32 v12, v11  }
0x178: {  	v10 =	vld [tilespmem:s31+$0x600];
	[tilespmem:s29+$0xC230] =	vst v3;
	v3 =	vadd.f32 v14, v13  }
0x179: {  	v11 =	vld [tilespmem:s31+$0x6600];
	[tilespmem:s29+$0xC240] =	vst v4;
	v4 =	vadd.f32 v8, v15  }
0x17a: {  	v8 =	vld [tilespmem:s31+$0x610];
	[tilespmem:s29+$0xC250] =	vst v3;
	v3 =	vadd.f32 v5, v9  }
0x17b: {  	s18 =	sadd.s32 $0x1000, s15;
	v5 =	vld [tilespmem:s31+$0x6610];
	[tilespmem:s29+$0xC260] =	vst v4  }
0x17c: {  	s30 =	sor.u32 s1, s18;
	v4 =	vadd.f32 v7, v6;
	v6 =	vld [tilespmem:s31+$0x620];
	[tilespmem:s29+$0xC270] =	vst v3;
	s29 =	sor.u32 s0, s18  }
0x17d: {  	v3 =	vld [tilespmem:s29+$0x200]  }
0x17e: {  	[tilespmem:s31+$0xC270] =	vst v4;
	v4 =	vadd.f32 v11, v10;
	v7 =	vld [tilespmem:s29+$0x6200]  }
0x17f: {  	v9 =	vld [tilespmem:s29+$0x210]  }
0x180: {  	[tilespmem:s31+$0xC600] =	vst v4;
	v4 =	vadd.f32 v5, v8;
	v5 =	vld [tilespmem:s29+$0x6210]  }
0x181: {  	v8 =	vld [tilespmem:s29+$0x220]  }
0x182: {  	[tilespmem:s31+$0xC610] =	vst v4;
	v4 =	vld [tilespmem:s29+$0x6220]  }
0x183: {  	v10 =	vld [tilespmem:s29+$0x230]  }
0x184: {  	v11 =	vld [tilespmem:s29+$0x6230]  }
0x185: {  	v12 =	vld [tilespmem:s29+$0x240]  }
0x186: {  	v13 =	vld [tilespmem:s29+$0x6240]  }
0x187: {  	v14 =	vld [tilespmem:s29+$0x250]  }
0x188: {  	v15 =	vld [tilespmem:s29+$0x6250]  }
0x189: {  	v16 =	vld [tilespmem:s29+$0x260]  }
0x18a: {  	v3 =	vadd.f32 v7, v3;
	v7 =	vld [tilespmem:s29+$0x6260]  }
0x18b: {  	v5 =	vadd.f32 v5, v9;
	v9 =	vld [tilespmem:s29+$0x270]  }
0x18c: {  	[tilespmem:s29+$0xC200] =	vst v3;
	v3 =	vadd.f32 v4, v8;
	v4 =	vld [tilespmem:s29+$0x6270]  }
0x18d: {  	v8 =	vld [tilespmem:s31+$0x6620];
	[tilespmem:s29+$0xC210] =	vst v5;
	v5 =	vadd.f32 v11, v10  }
0x18e: {  	v10 =	vld [tilespmem:s31+$0x630];
	[tilespmem:s29+$0xC220] =	vst v3;
	v3 =	vadd.f32 v13, v12  }
0x18f: {  	v11 =	vld [tilespmem:s31+$0x6630];
	[tilespmem:s29+$0xC230] =	vst v5;
	v5 =	vadd.f32 v15, v14  }
0x190: {  	v12 =	vld [tilespmem:s31+$0x640];
	[tilespmem:s29+$0xC240] =	vst v3;
	v3 =	vadd.f32 v7, v16  }
0x191: {  	v7 =	vld [tilespmem:s31+$0x6640];
	[tilespmem:s29+$0xC250] =	vst v5;
	v4 =	vadd.f32 v4, v9  }
0x192: {  	s15 =	sadd.s32 $0x1400, s15;
	v5 =	vadd.f32 v8, v6;
	v6 =	vld [tilespmem:s31+$0x650];
	[tilespmem:s29+$0xC260] =	vst v3  }
0x193: {  	s1 =	sor.u32 s1, s15;
	v3 =	vld [tilespmem:s31+$0x6650];
	[tilespmem:s29+$0xC270] =	vst v4;
	s29 =	sor.u32 s0, s15  }
0x194: {  	[tilespmem:s31+$0xC620] =	vst v5;
	v4 =	vadd.f32 v11, v10;
	v5 =	vld [tilespmem:s29+$0x270]  }
0x195: {  	v8 =	vld [tilespmem:s29+$0x6270]  }
0x196: {  	[tilespmem:s31+$0xC630] =	vst v4;
	v4 =	vadd.f32 v7, v12;
	v7 =	vld [tilespmem:s31+$0x660]  }
0x197: {  	v9 =	vld [tilespmem:s31+$0x6660]  }
0x198: {  	[tilespmem:s31+$0xC640] =	vst v4;
	v3 =	vadd.f32 v3, v6;
	v4 =	vld [tilespmem:s31+$0x670]  }
0x199: {  	v6 =	vld [tilespmem:s31+$0x6670]  }
0x19a: {  	[tilespmem:s31+$0xC650] =	vst v3;
	v3 =	vadd.f32 v8, v5;
	v5 =	vld [tilespmem:s14+$0x210]  }
0x19b: {  	v8 =	vld [tilespmem:s14+$0x6210]  }
0x19c: {  	v7 =	vadd.f32 v9, v7;
	[tilespmem:s29+$0xC270] =	vst v3;
	v3 =	vld [tilespmem:s14+$0x220]  }
0x19d: {  	v9 =	vld [tilespmem:s14+$0x6220]  }
0x19e: {  	[tilespmem:s31+$0xC660] =	vst v7;
	v4 =	vadd.f32 v6, v4;
	v6 =	vld [tilespmem:s14+$0x230]  }
0x19f: {  	v7 =	vld [tilespmem:s14+$0x6230]  }
0x1a0: {  	[tilespmem:s31+$0xC670] =	vst v4;
	v4 =	vadd.f32 v8, v5;
	v5 =	vld [tilespmem:s14+$0x240]  }
0x1a1: {  	v8 =	vld [tilespmem:s16+$0x200]  }
0x1a2: {  	v10 =	vld [tilespmem:s16+$0x6200];
	[tilespmem:s14+$0xC210] =	vst v4;
	v3 =	vadd.f32 v9, v3  }
0x1a3: {  	v4 =	vld [tilespmem:s16+$0x210]  }
0x1a4: {  	v9 =	vld [tilespmem:s16+$0x6210];
	[tilespmem:s14+$0xC220] =	vst v3;
	v3 =	vadd.f32 v7, v6  }
0x1a5: {  	v6 =	vld [tilespmem:s16+$0x220]  }
0x1a6: {  	v7 =	vld [tilespmem:s16+$0x6220];
	[tilespmem:s14+$0xC230] =	vst v3  }
0x1a7: {  	v3 =	vadd.f32 v10, v8;
	v8 =	vld [tilespmem:s16+$0x230]  }
0x1a8: {  	v10 =	vld [tilespmem:s16+$0x6230]  }
0x1a9: {  	[tilespmem:s16+$0xC200] =	vst v3;
	v3 =	vadd.f32 v9, v4;
	v4 =	vld [tilespmem:s16+$0x240]  }
0x1aa: {  	v9 =	vld [tilespmem:s16+$0x6240]  }
0x1ab: {  	[tilespmem:s16+$0xC210] =	vst v3;
	v3 =	vadd.f32 v7, v6;
	v6 =	vld [tilespmem:s16+$0x250]  }
0x1ac: {  	v7 =	vld [tilespmem:s16+$0x6250]  }
0x1ad: {  	[tilespmem:s16+$0xC220] =	vst v3;
	v3 =	vadd.f32 v10, v8;
	v8 =	vld [tilespmem:s16+$0x260]  }
0x1ae: {  	v10 =	vld [tilespmem:s16+$0x6260]  }
0x1af: {  	[tilespmem:s16+$0xC230] =	vst v3;
	v3 =	vadd.f32 v9, v4;
	v4 =	vld [tilespmem:s16+$0x270]  }
0x1b0: {  	v9 =	vld [tilespmem:s16+$0x6270]  }
0x1b1: {  	[tilespmem:s16+$0xC240] =	vst v3;
	v3 =	vadd.f32 v7, v6;
	v6 =	vld [tilespmem:s14+$0x6240]  }
0x1b2: {  	v7 =	vld [tilespmem:s14+$0x250]  }
0x1b3: {  	[tilespmem:s16+$0xC250] =	vst v3;
	v3 =	vadd.f32 v10, v8;
	v8 =	vld [tilespmem:s14+$0x6250]  }
0x1b4: {  	v10 =	vld [tilespmem:s14+$0x260]  }
0x1b5: {  	[tilespmem:s16+$0xC260] =	vst v3;
	v3 =	vadd.f32 v9, v4;
	v4 =	vld [tilespmem:s14+$0x6260]  }
0x1b6: {  	v5 =	vadd.f32 v6, v5;
	v6 =	vld [tilespmem:s14+$0x270]  }
0x1b7: {  	[tilespmem:s16+$0xC270] =	vst v3;
	v3 =	vld [tilespmem:s14+$0x6270]  }
0x1b8: {  	v9 =	vld [tilespmem:s17+$0x200];
	[tilespmem:s14+$0xC240] =	vst v5;
	v5 =	vadd.f32 v8, v7  }
0x1b9: {  	v7 =	vld [tilespmem:s17+$0x6200]  }
0x1ba: {  	v8 =	vld [tilespmem:s17+$0x210];
	[tilespmem:s14+$0xC250] =	vst v5;
	v4 =	vadd.f32 v4, v10  }
0x1bb: {  	v5 =	vld [tilespmem:s17+$0x6210]  }
0x1bc: {  	v10 =	vld [tilespmem:s17+$0x220];
	[tilespmem:s14+$0xC260] =	vst v4;
	v3 =	vadd.f32 v3, v6  }
0x1bd: {  	v4 =	vld [tilespmem:s17+$0x6220]  }
0x1be: {  	v6 =	vadd.f32 v7, v9;
	v7 =	vld [tilespmem:s17+$0x230];
	[tilespmem:s14+$0xC270] =	vst v3;
	s14 =	smov.u32 s1  }
0x1bf: {  	v3 =	vld [tilespmem:s17+$0x6230]  }
0x1c0: {  	[tilespmem:s17+$0xC200] =	vst v6;
	v5 =	vadd.f32 v5, v8;
	v6 =	vld [tilespmem:s17+$0x240]  }
0x1c1: {  	v8 =	vld [tilespmem:s17+$0x6240]  }
0x1c2: {  	[tilespmem:s17+$0xC210] =	vst v5;
	v4 =	vadd.f32 v4, v10;
	v5 =	vld [tilespmem:s17+$0x250]  }
0x1c3: {  	v9 =	vld [tilespmem:s17+$0x6250]  }
0x1c4: {  	[tilespmem:s17+$0xC220] =	vst v4;
	v3 =	vadd.f32 v3, v7;
	v4 =	vld [tilespmem:s17+$0x260]  }
0x1c5: {  	v7 =	vld [tilespmem:s17+$0x6260]  }
0x1c6: {  	[tilespmem:s17+$0xC230] =	vst v3;
	v3 =	vadd.f32 v8, v6;
	v6 =	vld [tilespmem:s17+$0x270]  }
0x1c7: {  	v8 =	vld [tilespmem:s17+$0x6270]  }
0x1c8: {  	[tilespmem:s17+$0xC240] =	vst v3;
	v3 =	vadd.f32 v9, v5;
	v5 =	vld [tilespmem:s29+$0x200]  }
0x1c9: {  	v9 =	vld [tilespmem:s29+$0x6200]  }
0x1ca: {  	[tilespmem:s17+$0xC250] =	vst v3;
	v3 =	vadd.f32 v7, v4;
	v4 =	vld [tilespmem:s29+$0x210]  }
0x1cb: {  	v7 =	vld [tilespmem:s29+$0x6210]  }
0x1cc: {  	[tilespmem:s17+$0xC260] =	vst v3;
	v3 =	vadd.f32 v8, v6;
	v6 =	vld [tilespmem:s29+$0x220]  }
0x1cd: {  	v8 =	vld [tilespmem:s29+$0x6220]  }
0x1ce: {  	[tilespmem:s17+$0xC270] =	vst v3;
	v5 =	vadd.f32 v9, v5;
	v3 =	vld [tilespmem:s29+$0x230]  }
0x1cf: {  	v9 =	vld [tilespmem:s30+$0x200]  }
0x1d0: {  	v10 =	vld [tilespmem:s30+$0x6200];
	[tilespmem:s29+$0xC200] =	vst v5;
	v4 =	vadd.f32 v7, v4  }
0x1d1: {  	v5 =	vld [tilespmem:s30+$0x210]  }
0x1d2: {  	v7 =	vld [tilespmem:s30+$0x6210];
	[tilespmem:s29+$0xC210] =	vst v4;
	v4 =	vadd.f32 v8, v6  }
0x1d3: {  	v6 =	vld [tilespmem:s30+$0x220]  }
0x1d4: {  	v8 =	vld [tilespmem:s30+$0x6220];
	[tilespmem:s29+$0xC220] =	vst v4  }
0x1d5: {  	v4 =	vadd.f32 v10, v9;
	v9 =	vld [tilespmem:s30+$0x230]  }
0x1d6: {  	v10 =	vld [tilespmem:s30+$0x6230]  }
0x1d7: {  	[tilespmem:s30+$0xC200] =	vst v4;
	v4 =	vadd.f32 v7, v5;
	v5 =	vld [tilespmem:s30+$0x240]  }
0x1d8: {  	v7 =	vld [tilespmem:s30+$0x6240]  }
0x1d9: {  	[tilespmem:s30+$0xC210] =	vst v4;
	v4 =	vadd.f32 v8, v6;
	v6 =	vld [tilespmem:s30+$0x250]  }
0x1da: {  	v11 =	vld [tilespmem:s30+$0x6250]  }
0x1db: {  	[tilespmem:s30+$0xC220] =	vst v4;
	v4 =	vadd.f32 v10, v9;
	v10 =	vld [tilespmem:s30+$0x260]  }
0x1dc: {  	v12 =	vld [tilespmem:s30+$0x6260]  }
0x1dd: {  	[tilespmem:s30+$0xC230] =	vst v4;
	v4 =	vadd.f32 v7, v5;
	v8 =	vld [tilespmem:s30+$0x270]  }
.Ltmp0:
0x1de: {  	v9 =	vld [tilespmem:s30+$0x6270];
	(pc) =	sbr.rel @p1 .LBB2_3-.Ltmp0, $4  }
0x1df: {  	[tilespmem:s30+$0xC240] =	vst v4;
	v5 =	vadd.f32 v11, v6;
	v7 =	vld [tilespmem:s29+$0x6230]  }
0x1e0: {  	v4 =	vld [tilespmem:s29+$0x240]  }
0x1e1: {  	[tilespmem:s30+$0xC250] =	vst v5;
	v10 =	vadd.f32 v12, v10;
	v6 =	vld [tilespmem:s29+$0x6240]  }
0x1e2: {  	v5 =	vld [tilespmem:s29+$0x250]  }
0x1e3: {  	v8 =	vadd.f32 v9, v8  }
0x1e4: {  	[tilespmem:s30+$0xC260] =	vst v10  }
0x1e5: {  	[tilespmem:s30+$0xC270] =	vst v8  }
0x1e6: {  	v8 =	vld [tilespmem:s14+$0x200]  }
0x1e7: {  	v9 =	vld [tilespmem:s14+$0x6200];
	_ =	sdelay $0x1  }
0x1e8: {  	v41 =	vld [tilespmem:s29+$0x260]  }
0x1e9: {  	v10 =	vld [tilespmem:s14+$0x220]  }
0x1ea: {  	v11 =	vld [tilespmem:s14+$0x6220]  }
0x1eb: {  	v12 =	vld [tilespmem:s14+$0x230];
	v8 =	vadd.f32 v9, v8  }
0x1ec: {  	v9 =	vld [tilespmem:s14+$0x6210]  }
0x1ed: {  	[tilespmem:s14+$0xC200] =	vst v8;
	v8 =	vld [tilespmem:s14+$0x210]  }
0x1ee: {  	v13 =	vld [tilespmem:s14+$0x6230]  }
0x1ef: {  	v42 =	vld [tilespmem:s14+$0x250]  }
0x1f0: {  	v14 =	vld [tilespmem:s14+$0x6250]  }
0x1f1: {  	v15 =	vld [tilespmem:s14+$0x260];
	v10 =	vadd.f32 v11, v10  }
0x1f2: {  	v11 =	vld [tilespmem:s29+$0x6250];
	v8 =	vadd.f32 v9, v8  }
0x1f3: {  	[tilespmem:s14+$0xC220] =	vst v10;
	v10 =	vld [tilespmem:s29+$0x6260]  }
0x1f4: {  	v4 =	vadd.f32 v6, v4;
	v6 =	vld [tilespmem:s14+$0x270];
	[tilespmem:s14+$0xC210] =	vst v8;
	v8 =	vadd.f32 v13, v12  }
0x1f5: {  	v3 =	vadd.f32 v7, v3;
	v9 =	vld [tilespmem:s14+$0x240]  }
0x1f6: {  	[tilespmem:s14+$0xC230] =	vst v8;
	v8 =	vld [tilespmem:s14+$0x6240]  }
0x1f7: {  	[tilespmem:s29+$0xC230] =	vst v3;
	v3 =	vadd.f32 v11, v5;
	v5 =	vld [tilespmem:s14+$0x6270]  }
0x1f8: {  	v7 =	vld [tilespmem:s14+$0x6260];
	[tilespmem:s29+$0xC240] =	vst v4;
	v4 =	vadd.f32 v10, v41;
	_ =	sdelay $0x1  }
0x1f9: {  	[tilespmem:s29+$0xC260] =	vst v4;
	v4 =	vadd.f32 v14, v42  }
0x1fa: {  	s0 =	sor.u32 s5, s26;
	[tilespmem:s29+$0xC250] =	vst v3;
	v3 =	vadd.f32 v8, v9  }
0x1fb: {  	s0 =	sshrl.u32 s0, $0x3;
	[tilespmem:s14+$0xC250] =	vst v4;
	v4 =	vadd.f32 v5, v6  }
0x1fc: {  	s0 =	smul.u32 $0x300, s0;
	[tilespmem:s14+$0xC240] =	vst v3;
	v3 =	vadd.f32 v7, v15  }
0x1fd: {  	[tilespmem:s14+$0xC270] =	vst v4  }
0x1fe: {  	p1 =	seq.s32 s8, $0x7;
	s0 =	sadd.s32 s6, s0;
	[tilespmem:s14+$0xC260] =	vst v3  }
0x1ff: {  	[hbm4b:s0+s4] =	stream.linear.scatter [tilespmem:s23], [sflag:$0x3], $0x3000, $0x38;
	[tilespmem:$0x12200] =	vst v63  }
0x200: {  	v3 =	vld @!p1 [tilespmem:s26+$0x20];
	_ =	sdelay $0x4  }
0x201: {  	v4 =	vshrl.u32 @!p1 v3, $0x3  }
0x202: {  	v4 =	vmul.u32 @!p1 $0x30, v4  }
0x203: {  	v5 =	vlaneseq.u32 @!p1;
	v3 =	vand.u32 @!p1 $0x7, v3  }
0x204: {  	v6 =	vshrl.u32 @!p1 v5, $0x3;
	v3 =	vor.u32 @!p1 v3, v4;
	v4 =	vand.u32 @!p1 $0x7, v5  }
0x205: {  	v6 =	vmul.u32 @!p1 $0x8, v6;
	v7 =	vperm.xlane @!p1 v3, v4;
	_ =	sdelay $0x1  }
0x206: {  	v7 =	vadd.s32 @!p1 v6, v7;
	_ =	sdelay $0x2  }
0x207: {  	v5 =	vor.u32 @!p1 $0x8, v5  }
0x208: {  	vm1 =	vmmov @!p1 $0xffff;
	s1 =	simm.s32 @!p1 $0x200;
	s0 =	simm.s32 @!p1 $0x0;
	v3 =	vperm.xlane @!p1 v3, v5  }
0x209: {  	[tilespmem:s1], [sflag:$0x1] =	stream.indirect_vreg.gather @!p1 [hbm4b:s2+s0], $0x80, v7, vm1, $0xb8;
	[tilespmem:$0x12200] =	vst v63  }
0x20a: {  	v3 =	vadd.s32 @!p1 v6, v3;
	s1 =	simm.s32 @!p1 $0xA00  }
0x20b: {  	[tilespmem:s1], [sflag:$0x1] =	stream.indirect_vreg.gather @!p1 [hbm4b:s9+s0], $0x80, v7, vm1, $0xb8;
	[tilespmem:$0x12200] =	vst v63  }
0x20c: {  	s1 =	simm.s32 @!p1 $0x1200  }
0x20d: {  	[tilespmem:s1], [sflag:$0x1] =	stream.indirect_vreg.gather @!p1 [hbm4b:s10+s0], $0x80, v7, vm1, $0xb8;
	[tilespmem:$0x12200] =	vst v63  }
0x20e: {  	s1 =	simm.s32 @!p1 $0x1A00  }
0x20f: {  	[tilespmem:s1], [sflag:$0x1] =	stream.indirect_vreg.gather @!p1 [hbm4b:s2+s0], $0x80, v3, vm1, $0xb8;
	[tilespmem:$0x12200] =	vst v63  }
0x210: {  	s1 =	simm.s32 @!p1 $0x2200  }
0x211: {  	[tilespmem:s1], [sflag:$0x1] =	stream.indirect_vreg.gather @!p1 [hbm4b:s9+s0], $0x80, v3, vm1, $0xb8;
	[tilespmem:$0x12200] =	vst v63  }
0x212: {  	s1 =	simm.s32 @!p1 $0x2A00  }
0x213: {  	[tilespmem:s1], [sflag:$0x1] =	stream.indirect_vreg.gather @!p1 [hbm4b:s10+s0], $0x80, v3, vm1, $0xb8;
	[tilespmem:$0x12200] =	vst v63  }
0x214: {  	v3 =	vld @!p1 [tilespmem:s26+$0x120];
	_ =	sdelay $0x4  }
0x215: {  	v7 =	vshrl.u32 @!p1 v3, $0x3  }
0x216: {  	v7 =	vmul.u32 @!p1 $0x30, v7  }
0x217: {  	v3 =	vand.u32 @!p1 $0x7, v3  }
0x218: {  	v3 =	vor.u32 @!p1 v3, v7  }
0x219: {  	v4 =	vperm.xlane @!p1 v3, v4;
	_ =	sdelay $0x1  }
0x21a: {  	v4 =	vadd.s32 @!p1 v6, v4;
	_ =	sdelay $0x3  }
0x21b: {  	s1 =	simm.s32 @!p1 $0x6200;
	v3 =	vperm.xlane @!p1 v3, v5  }
0x21c: {  	[tilespmem:s1], [sflag:$0x1] =	stream.indirect_vreg.gather @!p1 [hbm4b:s3+s0], $0x80, v4, vm1, $0xb8;
	[tilespmem:$0x12200] =	vst v63  }
0x21d: {  	v3 =	vadd.s32 @!p1 v6, v3;
	s1 =	simm.s32 @!p1 $0x6A00  }
0x21e: {  	[tilespmem:s1], [sflag:$0x1] =	stream.indirect_vreg.gather @!p1 [hbm4b:s11+s0], $0x80, v4, vm1, $0xb8;
	[tilespmem:$0x12200] =	vst v63  }
0x21f: {  	s1 =	simm.s32 @!p1 $0x7200  }
0x220: {  	[tilespmem:s1], [sflag:$0x1] =	stream.indirect_vreg.gather @!p1 [hbm4b:s12+s0], $0x80, v4, vm1, $0xb8;
	[tilespmem:$0x12200] =	vst v63  }
0x221: {  	s1 =	simm.s32 @!p1 $0x7A00  }
0x222: {  	[tilespmem:s1], [sflag:$0x1] =	stream.indirect_vreg.gather @!p1 [hbm4b:s3+s0], $0x80, v3, vm1, $0xb8;
	[tilespmem:$0x12200] =	vst v63  }
0x223: {  	s1 =	simm.s32 @!p1 $0x8200  }
0x224: {  	[tilespmem:s1], [sflag:$0x1] =	stream.indirect_vreg.gather @!p1 [hbm4b:s11+s0], $0x80, v3, vm1, $0xb8;
	[tilespmem:$0x12200] =	vst v63  }
0x225: {  	s1 =	simm.s32 @!p1 $0x8A00  }
0x226: {  	[tilespmem:s1], [sflag:$0x1] =	stream.indirect_vreg.gather @!p1 [hbm4b:s12+s0], $0x80, v3, vm1, $0xb8;
	[tilespmem:$0x12200] =	vst v63  }
0x227: {  	_ =	swait.ge [sflag:s24], $0x3000  }
0x228: {  	[sflag:s24] =	ssyncset.done $0x0  }
0x229: {  	[sflag:s24] =	ssyncadd.s32 $0xFFFFD000  }
0x22a: {  	_ =	swait.ge [sflag:s24], $0x3000  }
0x22b: {  	s26 =	simm.s32 $0x0;
	[sflag:s24] =	ssyncset.done $0x0  }
0x22c: {  	s14 =	simm.s32 @!p0 $0x4;
	s7 =	smul.u32 $0x1800, s26;
	[sflag:s24] =	ssyncadd.s32 $0xFFFFD000  }
0x22d: {  	s26 =	simm.s32 $0x0;
	_ =	swait.ge @!p0 [sflag:s14], $0x3000  }
0x22e: {  	s15 =	sadd.s32 $0x3000, s7;
	s1 =	sand.u32 $0x300, s26;
	[sflag:s14] =	ssyncset.done @!p0 $0x0  }
0x22f: {  	s29 =	sor.u32 s1, s15;
	[sflag:s14] =	ssyncadd.s32 @!p0 $0xFFFFD000  }
0x230: {  	v3 =	vld [tilespmem:s29+$0x200]  }
0x231: {  	v4 =	vld [tilespmem:s29+$0x6200]  }
0x232: {  	v5 =	vld [tilespmem:s29+$0x210]  }
0x233: {  	v6 =	vld [tilespmem:s29+$0x6210]  }
0x234: {  	v7 =	vld [tilespmem:s29+$0x220]  }
0x235: {  	v8 =	vld [tilespmem:s29+$0x6220]  }
0x236: {  	v9 =	vld [tilespmem:s29+$0x230]  }
0x237: {  	v10 =	vld [tilespmem:s29+$0x6230]  }
0x238: {  	v11 =	vld [tilespmem:s29+$0x240]  }
0x239: {  	v43 =	vld [tilespmem:s29+$0x6240]  }
0x23a: {  	v44 =	vld [tilespmem:s29+$0x250]  }
0x23b: {  	v45 =	vld [tilespmem:s29+$0x6250]  }
0x23c: {  	v46 =	vld [tilespmem:s29+$0x260]  }
0x23d: {  	v3 =	vadd.f32 v4, v3;
	v4 =	vld [tilespmem:s29+$0x6260]  }
0x23e: {  	v5 =	vadd.f32 v6, v5;
	v6 =	vld [tilespmem:s29+$0x270]  }
0x23f: {  	[tilespmem:s29+$0xC200] =	vst v3;
	v3 =	vadd.f32 v8, v7;
	v7 =	vld [tilespmem:s29+$0x6270]  }
0x240: {  	[tilespmem:s29+$0xC210] =	vst v5;
	v5 =	vadd.f32 v10, v9  }
0x241: {  	[tilespmem:s29+$0xC220] =	vst v3;
	v3 =	vadd.f32 v43, v11  }
0x242: {  	[tilespmem:s29+$0xC230] =	vst v5;
	v5 =	vadd.f32 v45, v44  }
0x243: {  	s0 =	sor.u32 $0x80, s1;
	[tilespmem:s29+$0xC240] =	vst v3;
	v3 =	vadd.f32 v4, v46  }
0x244: {  	s16 =	sor.u32 s0, s15;
	[tilespmem:s29+$0xC250] =	vst v5;
	v4 =	vadd.f32 v7, v6  }
0x245: {  	s17 =	sadd.s32 $0x3400, s7;
	v51 =	vld [tilespmem:s16+$0x220];
	[tilespmem:s29+$0xC260] =	vst v3  }
0x246: {  	s30 =	sor.u32 s1, s17;
	v52 =	vld [tilespmem:s16+$0x6220];
	[tilespmem:s29+$0xC270] =	vst v4  }
0x247: {  	v4 =	vld [tilespmem:s30+$0x200]  }
0x248: {  	v6 =	vld [tilespmem:s30+$0x6200]  }
0x249: {  	v7 =	vld [tilespmem:s30+$0x210]  }
0x24a: {  	v8 =	vld [tilespmem:s30+$0x6210]  }
0x24b: {  	v9 =	vld [tilespmem:s30+$0x220]  }
0x24c: {  	v10 =	vld [tilespmem:s30+$0x6220]  }
0x24d: {  	v11 =	vld [tilespmem:s30+$0x230]  }
0x24e: {  	v47 =	vld [tilespmem:s30+$0x6230]  }
0x24f: {  	v48 =	vld [tilespmem:s30+$0x240]  }
0x250: {  	v49 =	vld [tilespmem:s30+$0x6240]  }
0x251: {  	v50 =	vld [tilespmem:s30+$0x250]  }
0x252: {  	v16 =	vld [tilespmem:s30+$0x6250]  }
0x253: {  	v17 =	vld [tilespmem:s30+$0x260]  }
0x254: {  	v4 =	vadd.f32 v6, v4;
	v6 =	vld [tilespmem:s30+$0x6260]  }
0x255: {  	v7 =	vadd.f32 v8, v7;
	v8 =	vld [tilespmem:s30+$0x270]  }
0x256: {  	[tilespmem:s30+$0xC200] =	vst v4;
	v4 =	vadd.f32 v10, v9;
	v9 =	vld [tilespmem:s30+$0x6270]  }
0x257: {  	v59 =	vld [tilespmem:s16+$0x6240];
	[tilespmem:s30+$0xC210] =	vst v7;
	v7 =	vadd.f32 v47, v11  }
0x258: {  	v61 =	vld [tilespmem:s16+$0x250];
	[tilespmem:s30+$0xC220] =	vst v4;
	v4 =	vadd.f32 v49, v48  }
0x259: {  	v62 =	vld [tilespmem:s16+$0x6250];
	[tilespmem:s30+$0xC230] =	vst v7;
	v7 =	vadd.f32 v16, v50  }
0x25a: {  	v25 =	vld [tilespmem:s16+$0x260];
	[tilespmem:s30+$0xC240] =	vst v4;
	v4 =	vadd.f32 v6, v17  }
0x25b: {  	v26 =	vld [tilespmem:s16+$0x270];
	[tilespmem:s30+$0xC250] =	vst v7;
	v7 =	vadd.f32 v9, v8  }
0x25c: {  	s15 =	sadd.s32 $0x3800, s7;
	v5 =	vld [tilespmem:s16+$0x200];
	[tilespmem:s30+$0xC260] =	vst v4  }
0x25d: {  	s18 =	sor.u32 s1, s15;
	v3 =	vld [tilespmem:s16+$0x6200];
	[tilespmem:s30+$0xC270] =	vst v7  }
0x25e: {  	v7 =	vld [tilespmem:s18+$0x200]  }
0x25f: {  	v9 =	vld [tilespmem:s18+$0x6200]  }
0x260: {  	v53 =	vld [tilespmem:s18+$0x210]  }
0x261: {  	v54 =	vld [tilespmem:s18+$0x6210]  }
0x262: {  	v55 =	vld [tilespmem:s18+$0x220]  }
0x263: {  	v56 =	vld [tilespmem:s18+$0x6220]  }
0x264: {  	v18 =	vld [tilespmem:s18+$0x230]  }
0x265: {  	v19 =	vld [tilespmem:s18+$0x6230]  }
0x266: {  	v20 =	vld [tilespmem:s18+$0x240]  }
0x267: {  	v21 =	vld [tilespmem:s18+$0x6240]  }
0x268: {  	v22 =	vld [tilespmem:s18+$0x250]  }
0x269: {  	v23 =	vld [tilespmem:s18+$0x6250]  }
0x26a: {  	v24 =	vld [tilespmem:s18+$0x260]  }
0x26b: {  	v57 =	vld [tilespmem:s18+$0x270];
	v7 =	vadd.f32 v9, v7  }
0x26c: {  	v58 =	vld [tilespmem:s18+$0x6270];
	v14 =	vadd.f32 v54, v53  }
0x26d: {  	v9 =	vld [tilespmem:s18+$0x6260];
	v60 =	vadd.f32 v19, v18;
	[tilespmem:s18+$0xC200] =	vst v7  }
0x26e: {  	v10 =	vld [tilespmem:s16+$0x210];
	v7 =	vadd.f32 v56, v55;
	[tilespmem:s18+$0xC210] =	vst v14  }
0x26f: {  	v11 =	vld [tilespmem:s16+$0x6210];
	v63 =	vadd.f32 v23, v22;
	[tilespmem:s18+$0xC230] =	vst v60  }
0x270: {  	v6 =	vld [tilespmem:s16+$0x230];
	[tilespmem:s18+$0xC220] =	vst v7;
	v7 =	vadd.f32 v21, v20  }
0x271: {  	v8 =	vld [tilespmem:s16+$0x6230];
	v15 =	vadd.f32 v58, v57;
	[tilespmem:s18+$0xC250] =	vst v63  }
0x272: {  	v4 =	vld [tilespmem:s16+$0x240];
	[tilespmem:s18+$0xC240] =	vst v7;
	v7 =	vadd.f32 v9, v24  }
0x273: {  	s14 =	sadd.s32 $0x3C00, s7;
	[tilespmem:s18+$0xC270] =	vst v15;
	v9 =	vld [tilespmem:s16+$0x6260]  }
0x274: {  	s31 =	sor.u32 s1, s14;
	[tilespmem:s18+$0xC260] =	vst v7;
	v7 =	vld [tilespmem:s16+$0x6270]  }
0x275: {  	v15 =	vld [tilespmem:s31+$0x200]  }
0x276: {  	v17 =	vld [tilespmem:s31+$0x6200]  }
0x277: {  	v27 =	vld [tilespmem:s31+$0x210]  }
0x278: {  	v28 =	vld [tilespmem:s31+$0x6210]  }
0x279: {  	v3 =	vadd.f32 v3, v5;
	v29 =	vld [tilespmem:s31+$0x220]  }
0x27a: {  	v5 =	vld [tilespmem:s31+$0x6220]  }
0x27b: {  	[tilespmem:s16+$0xC200] =	vst v3;
	v3 =	vadd.f32 v52, v51;
	v10 =	vadd.f32 v11, v10;
	v11 =	vld [tilespmem:s31+$0x230]  }
0x27c: {  	v30 =	vld [tilespmem:s31+$0x6230]  }
0x27d: {  	[tilespmem:s16+$0xC220] =	vst v3;
	v6 =	vadd.f32 v8, v6;
	v8 =	vld [tilespmem:s31+$0x240]  }
0x27e: {  	[tilespmem:s16+$0xC210] =	vst v10;
	v3 =	vadd.f32 v59, v4;
	v4 =	vld [tilespmem:s31+$0x6240]  }
0x27f: {  	[tilespmem:s16+$0xC230] =	vst v6;
	v6 =	vadd.f32 v62, v61;
	v10 =	vld [tilespmem:s31+$0x250]  }
0x280: {  	[tilespmem:s16+$0xC240] =	vst v3;
	v31 =	vld [tilespmem:s31+$0x6260];
	v3 =	vadd.f32 v9, v25  }
0x281: {  	[tilespmem:s16+$0xC250] =	vst v6;
	v32 =	vld [tilespmem:s31+$0x270];
	v6 =	vadd.f32 v7, v26  }
0x282: {  	v9 =	vld [tilespmem:s31+$0x6250];
	[tilespmem:s16+$0xC260] =	vst v3;
	v3 =	vadd.f32 v17, v15  }
0x283: {  	v7 =	vld [tilespmem:s31+$0x260];
	[tilespmem:s16+$0xC270] =	vst v6;
	v6 =	vadd.f32 v28, v27  }
0x284: {  	s16 =	sor.u32 s0, s17;
	[tilespmem:s31+$0xC200] =	vst v3;
	v3 =	vadd.f32 v5, v29;
	v5 =	vld [tilespmem:s31+$0x6270]  }
0x285: {  	v47 =	vld [tilespmem:s16+$0x6230];
	[tilespmem:s31+$0xC210] =	vst v6;
	v6 =	vadd.f32 v30, v11  }
0x286: {  	v48 =	vld [tilespmem:s16+$0x240];
	[tilespmem:s31+$0xC220] =	vst v3;
	v3 =	vadd.f32 v4, v8  }
0x287: {  	v50 =	vld [tilespmem:s16+$0x6240];
	[tilespmem:s31+$0xC230] =	vst v6;
	v6 =	vadd.f32 v9, v10  }
0x288: {  	v52 =	vld [tilespmem:s16+$0x6250];
	[tilespmem:s31+$0xC240] =	vst v3;
	v3 =	vadd.f32 v31, v7  }
0x289: {  	v53 =	vld [tilespmem:s16+$0x6260];
	[tilespmem:s31+$0xC250] =	vst v6;
	v5 =	vadd.f32 v5, v32  }
0x28a: {  	v11 =	vld [tilespmem:s16+$0x200];
	[tilespmem:s31+$0xC260] =	vst v3  }
0x28b: {  	s18 =	sor.u32 s1, s7;
	v4 =	vld [tilespmem:s16+$0x6200];
	[tilespmem:s31+$0xC270] =	vst v5  }
0x28c: {  	v9 =	vld [tilespmem:s18+$0x4200]  }
0x28d: {  	v10 =	vld [tilespmem:s18+$0xA200]  }
0x28e: {  	v33 =	vld [tilespmem:s18+$0x4210]  }
0x28f: {  	v34 =	vld [tilespmem:s18+$0xA210]  }
0x290: {  	v35 =	vld [tilespmem:s18+$0x4220]  }
0x291: {  	v36 =	vld [tilespmem:s18+$0xA220]  }
0x292: {  	v37 =	vld [tilespmem:s18+$0x4230]  }
0x293: {  	v38 =	vld [tilespmem:s18+$0xA230]  }
0x294: {  	v39 =	vld [tilespmem:s18+$0x4240]  }
0x295: {  	v40 =	vld [tilespmem:s18+$0xA240]  }
0x296: {  	v41 =	vld [tilespmem:s18+$0x4250]  }
0x297: {  	v42 =	vld [tilespmem:s18+$0xA250]  }
0x298: {  	v4 =	vadd.f32 v4, v11;
	v43 =	vld [tilespmem:s18+$0x4260]  }
0x299: {  	v44 =	vld [tilespmem:s18+$0x4270];
	v9 =	vadd.f32 v10, v9  }
0x29a: {  	v45 =	vld [tilespmem:s18+$0xA270];
	[tilespmem:s16+$0xC200] =	vst v4;
	v12 =	vadd.f32 v34, v33  }
0x29b: {  	v10 =	vld [tilespmem:s18+$0xA260];
	v46 =	vadd.f32 v38, v37;
	[tilespmem:s18+$0x10200] =	vst v9  }
0x29c: {  	v8 =	vld [tilespmem:s16+$0x210];
	v9 =	vadd.f32 v36, v35;
	[tilespmem:s18+$0x10210] =	vst v12  }
0x29d: {  	v7 =	vld [tilespmem:s16+$0x6210];
	v49 =	vadd.f32 v42, v41;
	[tilespmem:s18+$0x10230] =	vst v46  }
0x29e: {  	s29 =	simm.s32 $0x0;
	v6 =	vld [tilespmem:s16+$0x220];
	[tilespmem:s18+$0x10220] =	vst v9;
	v9 =	vadd.f32 v40, v39  }
0x29f: {  	s1 =	smul.u32 $0x1800, s29;
	v3 =	vld [tilespmem:s16+$0x6220];
	v51 =	vadd.f32 v45, v44;
	[tilespmem:s18+$0x10250] =	vst v49  }
0x2a0: {  	v5 =	vld [tilespmem:s16+$0x230];
	[tilespmem:s18+$0x10240] =	vst v9;
	v9 =	vadd.f32 v10, v43  }
0x2a1: {  	s1 =	sadd.s32 $0x0, s1;
	v4 =	vld [tilespmem:s16+$0x270];
	[tilespmem:s18+$0x10270] =	vst v51  }
0x2a2: {  	s30 =	sor.u32 $0x4400, s1;
	v10 =	vld [tilespmem:s16+$0x250];
	[tilespmem:s18+$0x10260] =	vst v9  }
0x2a3: {  	v11 =	vld [tilespmem:s30+$0x200]  }
0x2a4: {  	v7 =	vadd.f32 v7, v8;
	v8 =	vld [tilespmem:s30+$0x6200]  }
0x2a5: {  	v3 =	vadd.f32 v3, v6;
	v9 =	vld [tilespmem:s16+$0x260]  }
0x2a6: {  	[tilespmem:s16+$0xC210] =	vst v7;
	v6 =	vld [tilespmem:s16+$0x6270];
	v5 =	vadd.f32 v47, v5  }
0x2a7: {  	[tilespmem:s16+$0xC220] =	vst v3;
	v3 =	vadd.f32 v50, v48  }
0x2a8: {  	[tilespmem:s16+$0xC230] =	vst v5;
	v5 =	vadd.f32 v52, v10  }
0x2a9: {  	[tilespmem:s16+$0xC240] =	vst v3;
	v3 =	vadd.f32 v8, v11  }
0x2aa: {  	[tilespmem:s16+$0xC250] =	vst v5;
	v5 =	vadd.f32 v53, v9  }
0x2ab: {  	s31 =	sor.u32 $0x4410, s1;
	[tilespmem:s30+$0xC200] =	vst v3;
	v3 =	vadd.f32 v6, v4  }
0x2ac: {  	[tilespmem:s16+$0xC260] =	vst v5;
	v4 =	vld [tilespmem:s31+$0x200]  }
0x2ad: {  	s15 =	sor.u32 s0, s15;
	v5 =	vld [tilespmem:s31+$0x6200];
	[tilespmem:s16+$0xC270] =	vst v3  }
0x2ae: {  	v3 =	vld [tilespmem:s15+$0x200]  }
0x2af: {  	v6 =	vld [tilespmem:s15+$0x6200]  }
0x2b0: {  	v7 =	vld [tilespmem:s15+$0x210]  }
0x2b1: {  	v8 =	vld [tilespmem:s15+$0x6210]  }
0x2b2: {  	v9 =	vld [tilespmem:s15+$0x6220];
	v4 =	vadd.f32 v5, v4  }
0x2b3: {  	v54 =	vld [tilespmem:s15+$0x6230]  }
0x2b4: {  	s17 =	sor.u32 $0x4420, s1;
	v55 =	vld [tilespmem:s15+$0x240];
	[tilespmem:s31+$0xC200] =	vst v4  }
0x2b5: {  	v10 =	vld [tilespmem:s17+$0x200]  }
0x2b6: {  	v11 =	vld [tilespmem:s17+$0x6200]  }
0x2b7: {  	v56 =	vld [tilespmem:s15+$0x6240]  }
0x2b8: {  	v57 =	vld [tilespmem:s15+$0x250]  }
0x2b9: {  	v58 =	vld [tilespmem:s15+$0x260]  }
0x2ba: {  	v5 =	vld [tilespmem:s15+$0x220];
	v7 =	vadd.f32 v8, v7  }
0x2bb: {  	v4 =	vld [tilespmem:s15+$0x230];
	v10 =	vadd.f32 v11, v10  }
0x2bc: {  	[tilespmem:s15+$0xC210] =	vst v7;
	v7 =	vld [tilespmem:s15+$0x6270]  }
0x2bd: {  	s18 =	sor.u32 $0x4430, s1;
	v11 =	vld [tilespmem:s15+$0x6250];
	[tilespmem:s17+$0xC200] =	vst v10  }
0x2be: {  	v3 =	vadd.f32 v6, v3;
	v6 =	vld [tilespmem:s18+$0x200]  }
0x2bf: {  	v8 =	vld [tilespmem:s18+$0x6200]  }
0x2c0: {  	[tilespmem:s15+$0xC200] =	vst v3;
	v3 =	vadd.f32 v9, v5;
	v10 =	vld [tilespmem:s15+$0x6260]  }
0x2c1: {  	v5 =	vld [tilespmem:s15+$0x270];
	v4 =	vadd.f32 v54, v4  }
0x2c2: {  	[tilespmem:s15+$0xC220] =	vst v3;
	v3 =	vadd.f32 v56, v55  }
0x2c3: {  	[tilespmem:s15+$0xC230] =	vst v4;
	v4 =	vadd.f32 v11, v57  }
0x2c4: {  	[tilespmem:s15+$0xC240] =	vst v3;
	v3 =	vadd.f32 v8, v6  }
0x2c5: {  	[tilespmem:s15+$0xC250] =	vst v4;
	v4 =	vadd.f32 v10, v58  }
0x2c6: {  	s29 =	sor.u32 $0x4440, s1;
	[tilespmem:s18+$0xC200] =	vst v3;
	v3 =	vadd.f32 v7, v5  }
0x2c7: {  	[tilespmem:s15+$0xC260] =	vst v4;
	v4 =	vld [tilespmem:s29+$0x200]  }
0x2c8: {  	s14 =	sor.u32 s0, s14;
	v5 =	vld [tilespmem:s29+$0x6200];
	[tilespmem:s15+$0xC270] =	vst v3  }
0x2c9: {  	v3 =	vld [tilespmem:s14+$0x200]  }
0x2ca: {  	v6 =	vld [tilespmem:s14+$0x6200]  }
0x2cb: {  	v7 =	vld [tilespmem:s14+$0x210]  }
0x2cc: {  	v8 =	vld [tilespmem:s14+$0x6210]  }
0x2cd: {  	v9 =	vld [tilespmem:s14+$0x6220];
	v4 =	vadd.f32 v5, v4  }
0x2ce: {  	v59 =	vld [tilespmem:s14+$0x6230]  }
0x2cf: {  	s30 =	sor.u32 $0x4450, s1;
	v60 =	vld [tilespmem:s14+$0x240];
	[tilespmem:s29+$0xC200] =	vst v4  }
0x2d0: {  	v10 =	vld [tilespmem:s30+$0x200]  }
0x2d1: {  	v11 =	vld [tilespmem:s30+$0x6200]  }
0x2d2: {  	v61 =	vld [tilespmem:s14+$0x6240]  }
0x2d3: {  	v62 =	vld [tilespmem:s14+$0x250]  }
0x2d4: {  	v63 =	vld [tilespmem:s14+$0x260]  }
0x2d5: {  	v5 =	vld [tilespmem:s14+$0x220];
	v7 =	vadd.f32 v8, v7  }
0x2d6: {  	v4 =	vld [tilespmem:s14+$0x230];
	v10 =	vadd.f32 v11, v10  }
0x2d7: {  	[tilespmem:s14+$0xC210] =	vst v7;
	v7 =	vld [tilespmem:s14+$0x6270]  }
0x2d8: {  	s31 =	sor.u32 $0x4460, s1;
	v11 =	vld [tilespmem:s14+$0x6250];
	[tilespmem:s30+$0xC200] =	vst v10  }
0x2d9: {  	v3 =	vadd.f32 v6, v3;
	v6 =	vld [tilespmem:s31+$0x200]  }
0x2da: {  	v8 =	vld [tilespmem:s31+$0x6200]  }
0x2db: {  	[tilespmem:s14+$0xC200] =	vst v3;
	v3 =	vadd.f32 v9, v5;
	v10 =	vld [tilespmem:s14+$0x6260]  }
0x2dc: {  	v5 =	vld [tilespmem:s14+$0x270];
	v4 =	vadd.f32 v59, v4  }
0x2dd: {  	[tilespmem:s14+$0xC220] =	vst v3;
	v3 =	vadd.f32 v61, v60  }
0x2de: {  	[tilespmem:s14+$0xC230] =	vst v4;
	v4 =	vadd.f32 v11, v62  }
0x2df: {  	[tilespmem:s14+$0xC240] =	vst v3;
	v3 =	vadd.f32 v8, v6  }
0x2e0: {  	[tilespmem:s14+$0xC250] =	vst v4;
	v4 =	vadd.f32 v10, v63  }
0x2e1: {  	s1 =	sor.u32 $0x4470, s1;
	[tilespmem:s31+$0xC200] =	vst v3;
	v3 =	vadd.f32 v7, v5  }
0x2e2: {  	[tilespmem:s14+$0xC260] =	vst v4;
	v6 =	vld [tilespmem:s1+$0x200]  }
0x2e3: {  	s28 =	sor.u32 s7, s0;
	v10 =	vld [tilespmem:s1+$0x6200];
	[tilespmem:s14+$0xC270] =	vst v3  }
0x2e4: {  	v7 =	vld [tilespmem:s28+$0x4200]  }
0x2e5: {  	v9 =	vld [tilespmem:s28+$0xA200]  }
0x2e6: {  	v5 =	vld [tilespmem:s28+$0x4210]  }
0x2e7: {  	v8 =	vld [tilespmem:s28+$0xA210]  }
0x2e8: {  	v4 =	vld [tilespmem:s28+$0x4220];
	v3 =	vadd.f32 v10, v6  }
0x2e9: {  	s7 =	simm.s32 $0x0;
	s14 =	simm.s32 $0x0;
	v6 =	vld [tilespmem:s28+$0xA220]  }
.LBB2_5:
0x2ea: {  	s14 =	sadd.s32 $0x2, s14;
	[tilespmem:s1+$0xC200] =	vst v3;
	v3 =	vadd.f32 v9, v7;
	v7 =	vld [tilespmem:s28+$0x4230]  }
0x2eb: {  	s0 =	sshrl.u32 s14, $0x3;
	p0 =	slt.u32 s14, $0xE;
	v9 =	vld [tilespmem:s28+$0xA230]  }
0x2ec: {  	s15 =	smul.u32 $0x1800, s0;
	[tilespmem:s28+$0x10200] =	vst v3;
	v3 =	vadd.f32 v8, v5;
	v5 =	vld [tilespmem:s28+$0x4240]  }
0x2ed: {  	s26 =	sadd.s32 $0x100, s26;
	v8 =	vld [tilespmem:s28+$0xA240]  }
0x2ee: {  	s16 =	sand.u32 $0x300, s26;
	s1 =	sadd.s32 $0x3000, s15;
	[tilespmem:s28+$0x10210] =	vst v3;
	v3 =	vadd.f32 v6, v4;
	v4 =	vld [tilespmem:s28+$0x4250]  }
0x2ef: {  	s30 =	sor.u32 $0x80, s16;
	s0 =	sor.u32 s16, s1;
	v6 =	vld [tilespmem:s28+$0xA250]  }
0x2f0: {  	s29 =	sor.u32 s15, s30;
	s17 =	sor.u32 s30, s1;
	v10 =	vld [tilespmem:s0+$0x200];
	[tilespmem:s28+$0x10220] =	vst v3;
	v3 =	vadd.f32 v9, v7  }
0x2f1: {  	v7 =	vld [tilespmem:s0+$0x6200]  }
0x2f2: {  	v9 =	vld [tilespmem:s0+$0x210];
	[tilespmem:s28+$0x10230] =	vst v3;
	v3 =	vadd.f32 v8, v5  }
0x2f3: {  	v5 =	vld [tilespmem:s0+$0x6210]  }
0x2f4: {  	v8 =	vld [tilespmem:s0+$0x220];
	[tilespmem:s28+$0x10240] =	vst v3;
	v3 =	vadd.f32 v6, v4  }
0x2f5: {  	v4 =	vld [tilespmem:s0+$0x6220]  }
0x2f6: {  	v6 =	vld [tilespmem:s0+$0x230];
	[tilespmem:s28+$0x10250] =	vst v3  }
0x2f7: {  	v3 =	vld [tilespmem:s0+$0x6230]  }
0x2f8: {  	v11 =	vld [tilespmem:s0+$0x240]  }
0x2f9: {  	v12 =	vld [tilespmem:s0+$0x6240]  }
0x2fa: {  	v13 =	vld [tilespmem:s0+$0x250]  }
0x2fb: {  	v14 =	vld [tilespmem:s0+$0x6250]  }
0x2fc: {  	v15 =	vld [tilespmem:s0+$0x260]  }
0x2fd: {  	v7 =	vadd.f32 v7, v10;
	v10 =	vld [tilespmem:s0+$0x6260]  }
0x2fe: {  	v5 =	vadd.f32 v5, v9;
	v9 =	vld [tilespmem:s0+$0x270]  }
0x2ff: {  	v4 =	vadd.f32 v4, v8;
	[tilespmem:s0+$0xC200] =	vst v7;
	v7 =	vld [tilespmem:s0+$0x6270]  }
0x300: {  	v3 =	vadd.f32 v3, v6;
	[tilespmem:s0+$0xC210] =	vst v5;
	v5 =	vld [tilespmem:s17+$0x200]  }
0x301: {  	[tilespmem:s0+$0xC220] =	vst v4;
	v4 =	vadd.f32 v12, v11;
	v6 =	vld [tilespmem:s17+$0x6200]  }
0x302: {  	[tilespmem:s0+$0xC230] =	vst v3;
	v3 =	vadd.f32 v14, v13;
	v8 =	vld [tilespmem:s17+$0x210]  }
0x303: {  	[tilespmem:s0+$0xC240] =	vst v4;
	v4 =	vadd.f32 v10, v15;
	v10 =	vld [tilespmem:s17+$0x6210]  }
0x304: {  	[tilespmem:s0+$0xC250] =	vst v3;
	v3 =	vadd.f32 v7, v9;
	v7 =	vld [tilespmem:s17+$0x220]  }
0x305: {  	s1 =	sadd.s32 $0x3400, s15;
	[tilespmem:s0+$0xC260] =	vst v4;
	v4 =	vld [tilespmem:s17+$0x6220]  }
0x306: {  	[tilespmem:s0+$0xC270] =	vst v3;
	s0 =	sor.u32 s16, s1;
	v3 =	vadd.f32 v6, v5;
	v5 =	vld [tilespmem:s17+$0x230];
	s1 =	sor.u32 s30, s1  }
0x307: {  	v6 =	vld [tilespmem:s0+$0x200]  }
0x308: {  	v9 =	vld [tilespmem:s0+$0x6200];
	[tilespmem:s17+$0xC200] =	vst v3;
	v3 =	vadd.f32 v10, v8  }
0x309: {  	v8 =	vld [tilespmem:s0+$0x210]  }
0x30a: {  	v10 =	vld [tilespmem:s0+$0x6210];
	[tilespmem:s17+$0xC210] =	vst v3;
	v3 =	vadd.f32 v4, v7  }
0x30b: {  	v4 =	vld [tilespmem:s0+$0x220]  }
0x30c: {  	v7 =	vld [tilespmem:s0+$0x6220];
	[tilespmem:s17+$0xC220] =	vst v3  }
0x30d: {  	v3 =	vld [tilespmem:s0+$0x230]  }
0x30e: {  	v11 =	vld [tilespmem:s0+$0x6230]  }
0x30f: {  	v12 =	vld [tilespmem:s0+$0x240]  }
0x310: {  	v13 =	vld [tilespmem:s0+$0x6240]  }
0x311: {  	v14 =	vld [tilespmem:s0+$0x250]  }
0x312: {  	v15 =	vld [tilespmem:s0+$0x6250]  }
0x313: {  	v16 =	vld [tilespmem:s0+$0x260]  }
0x314: {  	v6 =	vadd.f32 v9, v6;
	v9 =	vld [tilespmem:s0+$0x6260]  }
0x315: {  	v8 =	vadd.f32 v10, v8;
	v10 =	vld [tilespmem:s0+$0x270]  }
0x316: {  	v4 =	vadd.f32 v7, v4;
	[tilespmem:s0+$0xC200] =	vst v6;
	v6 =	vld [tilespmem:s0+$0x6270]  }
0x317: {  	v3 =	vadd.f32 v11, v3;
	[tilespmem:s0+$0xC210] =	vst v8;
	v7 =	vld [tilespmem:s17+$0x6230]  }
0x318: {  	[tilespmem:s0+$0xC220] =	vst v4;
	v4 =	vadd.f32 v13, v12;
	v8 =	vld [tilespmem:s17+$0x240]  }
0x319: {  	[tilespmem:s0+$0xC230] =	vst v3;
	v3 =	vadd.f32 v15, v14;
	v11 =	vld [tilespmem:s17+$0x6240]  }
0x31a: {  	[tilespmem:s0+$0xC240] =	vst v4;
	v4 =	vadd.f32 v9, v16;
	v9 =	vld [tilespmem:s17+$0x250]  }
0x31b: {  	[tilespmem:s0+$0xC250] =	vst v3;
	v3 =	vadd.f32 v6, v10;
	v6 =	vld [tilespmem:s17+$0x6250]  }
0x31c: {  	s18 =	sadd.s32 $0x3800, s15;
	[tilespmem:s0+$0xC260] =	vst v4;
	v4 =	vadd.f32 v7, v5;
	v5 =	vld [tilespmem:s17+$0x260]  }
0x31d: {  	s31 =	sor.u32 s16, s18;
	[tilespmem:s0+$0xC270] =	vst v3;
	v3 =	vld [tilespmem:s17+$0x6260];
	s0 =	sor.u32 s30, s18  }
0x31e: {  	v7 =	vld [tilespmem:s31+$0x200];
	[tilespmem:s17+$0xC230] =	vst v4;
	v4 =	vadd.f32 v11, v8  }
0x31f: {  	v8 =	vld [tilespmem:s31+$0x6200]  }
0x320: {  	v10 =	vld [tilespmem:s31+$0x210];
	[tilespmem:s17+$0xC240] =	vst v4;
	v4 =	vadd.f32 v6, v9  }
0x321: {  	v6 =	vld [tilespmem:s31+$0x6210]  }
0x322: {  	v9 =	vld [tilespmem:s31+$0x220];
	[tilespmem:s17+$0xC250] =	vst v4;
	v3 =	vadd.f32 v3, v5  }
0x323: {  	v4 =	vld [tilespmem:s31+$0x6220]  }
0x324: {  	v5 =	vld [tilespmem:s31+$0x230];
	[tilespmem:s17+$0xC260] =	vst v3  }
0x325: {  	v3 =	vld [tilespmem:s31+$0x6230]  }
0x326: {  	v11 =	vld [tilespmem:s31+$0x240]  }
0x327: {  	v12 =	vld [tilespmem:s31+$0x6240]  }
0x328: {  	v13 =	vld [tilespmem:s31+$0x250]  }
0x329: {  	v14 =	vld [tilespmem:s31+$0x6250]  }
0x32a: {  	v15 =	vld [tilespmem:s31+$0x260]  }
0x32b: {  	v7 =	vadd.f32 v8, v7;
	v8 =	vld [tilespmem:s31+$0x6260]  }
0x32c: {  	v6 =	vadd.f32 v6, v10;
	v10 =	vld [tilespmem:s31+$0x270]  }
0x32d: {  	v4 =	vadd.f32 v4, v9;
	[tilespmem:s31+$0xC200] =	vst v7;
	v7 =	vld [tilespmem:s31+$0x6270]  }
0x32e: {  	v3 =	vadd.f32 v3, v5;
	[tilespmem:s31+$0xC210] =	vst v6;
	v5 =	vld [tilespmem:s17+$0x270]  }
0x32f: {  	[tilespmem:s31+$0xC220] =	vst v4;
	v4 =	vadd.f32 v12, v11;
	v6 =	vld [tilespmem:s17+$0x6270]  }
0x330: {  	[tilespmem:s31+$0xC230] =	vst v3;
	v3 =	vadd.f32 v14, v13;
	v9 =	vld [tilespmem:s28+$0x4260]  }
0x331: {  	[tilespmem:s31+$0xC240] =	vst v4;
	v4 =	vadd.f32 v8, v15;
	v8 =	vld [tilespmem:s28+$0xA260]  }
0x332: {  	[tilespmem:s31+$0xC250] =	vst v3;
	v3 =	vadd.f32 v7, v10;
	v7 =	vld [tilespmem:s28+$0x4270]  }
0x333: {  	s18 =	sadd.s32 $0x3C00, s15;
	[tilespmem:s31+$0xC260] =	vst v4;
	v4 =	vld [tilespmem:s28+$0xA270]  }
0x334: {  	s30 =	sor.u32 s30, s18;
	[tilespmem:s31+$0xC270] =	vst v3;
	s31 =	sor.u32 s16, s18;
	v5 =	vadd.f32 v6, v5;
	v3 =	vld [tilespmem:s28+$0x4600]  }
0x335: {  	v6 =	vld [tilespmem:s31+$0x200]  }
0x336: {  	v10 =	vld [tilespmem:s31+$0x6200];
	[tilespmem:s17+$0xC270] =	vst v5;
	v5 =	vadd.f32 v8, v9  }
0x337: {  	v8 =	vld [tilespmem:s31+$0x210]  }
0x338: {  	v9 =	vld [tilespmem:s31+$0x6210];
	[tilespmem:s28+$0x10260] =	vst v5;
	v4 =	vadd.f32 v4, v7  }
0x339: {  	v5 =	vld [tilespmem:s31+$0x220]  }
0x33a: {  	v7 =	vld [tilespmem:s31+$0x6220];
	[tilespmem:s28+$0x10270] =	vst v4  }
0x33b: {  	v4 =	vld [tilespmem:s31+$0x230]  }
0x33c: {  	v11 =	vld [tilespmem:s31+$0x6230]  }
0x33d: {  	v12 =	vld [tilespmem:s31+$0x240]  }
0x33e: {  	v13 =	vld [tilespmem:s31+$0x6240]  }
0x33f: {  	v14 =	vld [tilespmem:s31+$0x250]  }
0x340: {  	v15 =	vld [tilespmem:s31+$0x6250]  }
0x341: {  	v16 =	vld [tilespmem:s31+$0x260]  }
0x342: {  	v6 =	vadd.f32 v10, v6;
	v10 =	vld [tilespmem:s31+$0x6260]  }
0x343: {  	v8 =	vadd.f32 v9, v8;
	v9 =	vld [tilespmem:s31+$0x270]  }
0x344: {  	v5 =	vadd.f32 v7, v5;
	[tilespmem:s31+$0xC200] =	vst v6;
	v6 =	vld [tilespmem:s31+$0x6270]  }
0x345: {  	v4 =	vadd.f32 v11, v4;
	[tilespmem:s31+$0xC210] =	vst v8;
	v7 =	vld [tilespmem:s1+$0x200]  }
0x346: {  	[tilespmem:s31+$0xC220] =	vst v5;
	v5 =	vadd.f32 v13, v12;
	v8 =	vld [tilespmem:s1+$0x6200]  }
0x347: {  	[tilespmem:s31+$0xC230] =	vst v4;
	v4 =	vadd.f32 v15, v14;
	v11 =	vld [tilespmem:s1+$0x210]  }
0x348: {  	[tilespmem:s31+$0xC240] =	vst v5;
	v5 =	vadd.f32 v10, v16;
	v10 =	vld [tilespmem:s1+$0x6210]  }
0x349: {  	[tilespmem:s31+$0xC250] =	vst v4;
	v4 =	vadd.f32 v6, v9;
	v6 =	vld [tilespmem:s1+$0x220]  }
0x34a: {  	[tilespmem:s31+$0xC260] =	vst v5;
	v5 =	vld [tilespmem:s1+$0x6220]  }
0x34b: {  	s16 =	sor.u32 s16, s15;
	[tilespmem:s31+$0xC270] =	vst v4;
	v4 =	vadd.f32 v8, v7;
	v7 =	vld [tilespmem:s1+$0x230]  }
0x34c: {  	v8 =	vld [tilespmem:s16+$0x4200]  }
0x34d: {  	v9 =	vld [tilespmem:s16+$0xA200];
	[tilespmem:s1+$0xC200] =	vst v4;
	v4 =	vadd.f32 v10, v11  }
0x34e: {  	v10 =	vld [tilespmem:s16+$0x4210]  }
0x34f: {  	v11 =	vld [tilespmem:s16+$0xA210];
	[tilespmem:s1+$0xC210] =	vst v4;
	v4 =	vadd.f32 v5, v6  }
0x350: {  	v5 =	vld [tilespmem:s16+$0x4220]  }
0x351: {  	v6 =	vld [tilespmem:s16+$0xA220];
	[tilespmem:s1+$0xC220] =	vst v4  }
0x352: {  	v4 =	vld [tilespmem:s16+$0x4230]  }
0x353: {  	v12 =	vld [tilespmem:s16+$0xA230]  }
0x354: {  	v13 =	vld [tilespmem:s16+$0x4240]  }
0x355: {  	v14 =	vld [tilespmem:s16+$0xA240]  }
0x356: {  	v15 =	vld [tilespmem:s16+$0x4250]  }
0x357: {  	v16 =	vld [tilespmem:s16+$0xA250]  }
0x358: {  	v17 =	vld [tilespmem:s16+$0x4260]  }
0x359: {  	v8 =	vadd.f32 v9, v8;
	v9 =	vld [tilespmem:s16+$0xA260]  }
0x35a: {  	v10 =	vadd.f32 v11, v10;
	v11 =	vld [tilespmem:s16+$0x4270]  }
0x35b: {  	v5 =	vadd.f32 v6, v5;
	[tilespmem:s16+$0x10200] =	vst v8;
	v6 =	vld [tilespmem:s16+$0xA270]  }
0x35c: {  	v4 =	vadd.f32 v12, v4;
	[tilespmem:s16+$0x10210] =	vst v10;
	v8 =	vld [tilespmem:s1+$0x6230]  }
0x35d: {  	s7 =	sadd.s32 $0x2, s7;
	[tilespmem:s16+$0x10220] =	vst v5;
	v5 =	vadd.f32 v14, v13;
	v10 =	vld [tilespmem:s1+$0x240]  }
0x35e: {  	s15 =	sshrl.u32 s7, $0x3;
	[tilespmem:s16+$0x10230] =	vst v4;
	v4 =	vadd.f32 v16, v15;
	v12 =	vld [tilespmem:s1+$0x6240]  }
0x35f: {  	s15 =	smul.u32 $0x1800, s15;
	[tilespmem:s16+$0x10240] =	vst v5;
	v5 =	vadd.f32 v9, v17;
	v9 =	vld [tilespmem:s1+$0x250]  }
0x360: {  	[tilespmem:s16+$0x10250] =	vst v4;
	v4 =	vadd.f32 v6, v11;
	v6 =	vld [tilespmem:s1+$0x6250]  }
0x361: {  	s15 =	sadd.s32 s15, s26;
	[tilespmem:s16+$0x10260] =	vst v5;
	v5 =	vadd.f32 v8, v7;
	v7 =	vld [tilespmem:s1+$0x260]  }
0x362: {  	[tilespmem:s16+$0x10270] =	vst v4;
	s16 =	sor.u32 $0x4400, s15;
	v4 =	vld [tilespmem:s1+$0x6260]  }
0x363: {  	v8 =	vld [tilespmem:s16+$0x200];
	[tilespmem:s1+$0xC230] =	vst v5;
	v5 =	vadd.f32 v12, v10  }
0x364: {  	v10 =	vld [tilespmem:s16+$0x6200]  }
0x365: {  	[tilespmem:s1+$0xC240] =	vst v5;
	v5 =	vadd.f32 v6, v9;
	v6 =	vld [tilespmem:s1+$0x270]  }
0x366: {  	v9 =	vld [tilespmem:s1+$0x6270]  }
0x367: {  	[tilespmem:s1+$0xC250] =	vst v5;
	v4 =	vadd.f32 v4, v7;
	v5 =	vld [tilespmem:s28+$0xA600]  }
0x368: {  	v7 =	vld [tilespmem:s28+$0x4610]  }
0x369: {  	v8 =	vadd.f32 v10, v8;
	[tilespmem:s1+$0xC260] =	vst v4;
	v4 =	vld [tilespmem:s28+$0xA610]  }
0x36a: {  	v10 =	vld [tilespmem:s28+$0x4620]  }
0x36b: {  	[tilespmem:s16+$0xC200] =	vst v8;
	s16 =	sor.u32 $0x4410, s15;
	v6 =	vadd.f32 v9, v6;
	v8 =	vld [tilespmem:s28+$0xA620]  }
0x36c: {  	v9 =	vld [tilespmem:s16+$0x200];
	v3 =	vadd.f32 v5, v3  }
0x36d: {  	v5 =	vld [tilespmem:s16+$0x6200];
	[tilespmem:s1+$0xC270] =	vst v6  }
0x36e: {  	v6 =	vld [tilespmem:s0+$0x200];
	[tilespmem:s28+$0x10600] =	vst v3;
	v3 =	vadd.f32 v4, v7  }
0x36f: {  	v4 =	vld [tilespmem:s0+$0x6200]  }
0x370: {  	v7 =	vld [tilespmem:s0+$0x210];
	[tilespmem:s28+$0x10610] =	vst v3;
	v3 =	vadd.f32 v8, v10  }
0x371: {  	v8 =	vld [tilespmem:s0+$0x6210]  }
0x372: {  	v5 =	vadd.f32 v5, v9;
	v9 =	vld [tilespmem:s0+$0x220];
	[tilespmem:s28+$0x10620] =	vst v3  }
0x373: {  	v3 =	vld [tilespmem:s0+$0x6220]  }
0x374: {  	s1 =	sor.u32 $0x4420, s15;
	[tilespmem:s16+$0xC200] =	vst v5;
	v4 =	vadd.f32 v4, v6;
	v5 =	vld [tilespmem:s0+$0x230]  }
0x375: {  	v6 =	vld [tilespmem:s1+$0x200]  }
0x376: {  	v10 =	vld [tilespmem:s1+$0x6200];
	[tilespmem:s0+$0xC200] =	vst v4;
	v4 =	vadd.f32 v8, v7  }
0x377: {  	v7 =	vld [tilespmem:s0+$0x6230]  }
0x378: {  	[tilespmem:s0+$0xC210] =	vst v4;
	v3 =	vadd.f32 v3, v9;
	v4 =	vld [tilespmem:s0+$0x240]  }
0x379: {  	v8 =	vld [tilespmem:s0+$0x6240]  }
0x37a: {  	[tilespmem:s0+$0xC220] =	vst v3;
	v3 =	vld [tilespmem:s0+$0x250]  }
0x37b: {  	v6 =	vadd.f32 v10, v6;
	v9 =	vld [tilespmem:s0+$0x6250]  }
0x37c: {  	v5 =	vadd.f32 v7, v5;
	v7 =	vld [tilespmem:s0+$0x260]  }
0x37d: {  	[tilespmem:s1+$0xC200] =	vst v6;
	s1 =	sor.u32 $0x4430, s15;
	v6 =	vld [tilespmem:s0+$0x6260]  }
0x37e: {  	v10 =	vld [tilespmem:s1+$0x200];
	[tilespmem:s0+$0xC230] =	vst v5;
	v4 =	vadd.f32 v8, v4  }
0x37f: {  	v5 =	vld [tilespmem:s1+$0x6200]  }
0x380: {  	[tilespmem:s0+$0xC240] =	vst v4;
	v3 =	vadd.f32 v9, v3;
	v4 =	vld [tilespmem:s0+$0x270]  }
0x381: {  	v8 =	vld [tilespmem:s0+$0x6270]  }
0x382: {  	[tilespmem:s0+$0xC250] =	vst v3;
	v3 =	vadd.f32 v6, v7;
	v6 =	vld [tilespmem:s28+$0x4630]  }
0x383: {  	v7 =	vld [tilespmem:s28+$0xA630]  }
0x384: {  	v5 =	vadd.f32 v5, v10;
	[tilespmem:s0+$0xC260] =	vst v3;
	v3 =	vld [tilespmem:s28+$0x4640]  }
0x385: {  	v9 =	vld [tilespmem:s28+$0xA640]  }
0x386: {  	[tilespmem:s1+$0xC200] =	vst v5;
	s1 =	sor.u32 $0x4440, s15;
	v4 =	vadd.f32 v8, v4;
	v5 =	vld [tilespmem:s28+$0x4650]  }
0x387: {  	v8 =	vld [tilespmem:s1+$0x200]  }
0x388: {  	v10 =	vld [tilespmem:s1+$0x6200];
	[tilespmem:s0+$0xC270] =	vst v4;
	v4 =	vadd.f32 v7, v6  }
0x389: {  	v6 =	vld [tilespmem:s30+$0x200]  }
0x38a: {  	v7 =	vld [tilespmem:s30+$0x6200];
	[tilespmem:s28+$0x10630] =	vst v4;
	v3 =	vadd.f32 v9, v3  }
0x38b: {  	v4 =	vld [tilespmem:s30+$0x210]  }
0x38c: {  	v9 =	vld [tilespmem:s30+$0x6210];
	[tilespmem:s28+$0x10640] =	vst v3  }
0x38d: {  	v3 =	vadd.f32 v10, v8;
	v8 =	vld [tilespmem:s30+$0x220]  }
0x38e: {  	v10 =	vld [tilespmem:s30+$0x6220]  }
0x38f: {  	s0 =	sor.u32 $0x4450, s15;
	[tilespmem:s1+$0xC200] =	vst v3;
	v3 =	vadd.f32 v7, v6;
	v6 =	vld [tilespmem:s30+$0x230]  }
0x390: {  	v7 =	vld [tilespmem:s0+$0x200]  }
0x391: {  	v11 =	vld [tilespmem:s0+$0x6200];
	[tilespmem:s30+$0xC200] =	vst v3;
	v3 =	vadd.f32 v9, v4  }
0x392: {  	v4 =	vld [tilespmem:s30+$0x6230]  }
0x393: {  	[tilespmem:s30+$0xC210] =	vst v3;
	v3 =	vadd.f32 v10, v8;
	v8 =	vld [tilespmem:s30+$0x240]  }
0x394: {  	v9 =	vld [tilespmem:s30+$0x6240]  }
0x395: {  	[tilespmem:s30+$0xC220] =	vst v3;
	v3 =	vld [tilespmem:s30+$0x250]  }
0x396: {  	v7 =	vadd.f32 v11, v7;
	v10 =	vld [tilespmem:s30+$0x6250]  }
0x397: {  	v4 =	vadd.f32 v4, v6;
	v6 =	vld [tilespmem:s30+$0x260]  }
0x398: {  	[tilespmem:s0+$0xC200] =	vst v7;
	s0 =	sor.u32 $0x4460, s15;
	v7 =	vld [tilespmem:s30+$0x6260]  }
0x399: {  	v11 =	vld [tilespmem:s0+$0x200];
	[tilespmem:s30+$0xC230] =	vst v4;
	v4 =	vadd.f32 v9, v8  }
0x39a: {  	v8 =	vld [tilespmem:s0+$0x6200]  }
0x39b: {  	[tilespmem:s30+$0xC240] =	vst v4;
	v3 =	vadd.f32 v10, v3;
	v4 =	vld [tilespmem:s30+$0x270]  }
0x39c: {  	v9 =	vld [tilespmem:s30+$0x6270]  }
0x39d: {  	[tilespmem:s30+$0xC250] =	vst v3;
	v3 =	vadd.f32 v7, v6;
	v6 =	vld [tilespmem:s28+$0xA650]  }
0x39e: {  	v10 =	vld [tilespmem:s28+$0x4660]  }
0x39f: {  	v7 =	vadd.f32 v8, v11;
	[tilespmem:s30+$0xC260] =	vst v3;
	v3 =	vld [tilespmem:s28+$0xA660]  }
0x3a0: {  	v8 =	vld [tilespmem:s28+$0x4670]  }
0x3a1: {  	s1 =	sor.u32 $0x4470, s15;
	[tilespmem:s0+$0xC200] =	vst v7;
	v4 =	vadd.f32 v9, v4;
	v11 =	vld [tilespmem:s28+$0xA670]  }
0x3a2: {  	v12 =	vld [tilespmem:s1+$0x200];
	v5 =	vadd.f32 v6, v5  }
0x3a3: {  	v6 =	vld [tilespmem:s1+$0x6200];
	[tilespmem:s30+$0xC270] =	vst v4  }
0x3a4: {  	v7 =	vld [tilespmem:s29+$0x4200];
	[tilespmem:s28+$0x10650] =	vst v5;
	v3 =	vadd.f32 v3, v10  }
.Ltmp1:
0x3a5: {  	v9 =	vld [tilespmem:s29+$0xA200];
	(pc) =	sbr.rel @p0 .LBB2_5-.Ltmp1, $4  }
0x3a6: {  	v5 =	vld [tilespmem:s29+$0x4210];
	[tilespmem:s28+$0x10660] =	vst v3;
	v10 =	vadd.f32 v11, v8  }
0x3a7: {  	v8 =	vld [tilespmem:s29+$0xA210]  }
0x3a8: {  	v3 =	vadd.f32 v6, v12;
	v4 =	vld [tilespmem:s29+$0x4220];
	[tilespmem:s28+$0x10670] =	vst v10;
	s28 =	smov.u32 s29  }
0x3a9: {  	v6 =	vld [tilespmem:s28+$0xA220]  }
0x3aa: {  	v35 =	vld [tilespmem:s28+$0x4230]  }
0x3ab: {  	v10 =	vld [tilespmem:s28+$0xA230]  }
0x3ac: {  	v36 =	vld [tilespmem:s28+$0x4240]  }
0x3ad: {  	v37 =	vld [tilespmem:s28+$0xA240]  }
0x3ae: {  	v38 =	vld [tilespmem:s28+$0x4250]  }
0x3af: {  	v11 =	vld [tilespmem:s28+$0xA250]  }
0x3b0: {  	v41 =	vld [tilespmem:s28+$0x4260]  }
0x3b1: {  	v42 =	vld [tilespmem:s28+$0xA260]  }
0x3b2: {  	v43 =	vld [tilespmem:s28+$0x4270]  }
0x3b3: {  	v44 =	vld [tilespmem:s28+$0xA270]  }
0x3b4: {  	v45 =	vld [tilespmem:s28+$0x4600]  }
0x3b5: {  	v46 =	vld [tilespmem:s28+$0xA600]  }
0x3b6: {  	v47 =	vld [tilespmem:s28+$0x4610]  }
0x3b7: {  	v48 =	vld [tilespmem:s28+$0xA610]  }
0x3b8: {  	v49 =	vld [tilespmem:s28+$0x4620]  }
0x3b9: {  	v7 =	vadd.f32 v9, v7;
	v50 =	vld [tilespmem:s28+$0xA620]  }
0x3ba: {  	v53 =	vld [tilespmem:s28+$0x4630];
	[tilespmem:s1+$0xC200] =	vst v3;
	v5 =	vadd.f32 v8, v5  }
0x3bb: {  	v54 =	vld [tilespmem:s28+$0xA630];
	[tilespmem:s28+$0x10200] =	vst v7;
	v4 =	vadd.f32 v6, v4  }
0x3bc: {  	v55 =	vld [tilespmem:s28+$0x4640];
	[tilespmem:s28+$0x10210] =	vst v5;
	v39 =	vadd.f32 v10, v35  }
0x3bd: {  	v59 =	vld [tilespmem:s28+$0x4660];
	v40 =	vadd.f32 v37, v36;
	[tilespmem:s28+$0x10220] =	vst v4  }
0x3be: {  	v60 =	vld [tilespmem:s28+$0xA660];
	v5 =	vadd.f32 v11, v38;
	[tilespmem:s28+$0x10230] =	vst v39  }
0x3bf: {  	v61 =	vld [tilespmem:s28+$0x4670];
	v6 =	vadd.f32 v44, v43;
	[tilespmem:s28+$0x10240] =	vst v40  }
0x3c0: {  	v62 =	vld [tilespmem:s28+$0xA670];
	v51 =	vadd.f32 v48, v47;
	[tilespmem:s28+$0x10250] =	vst v5  }
0x3c1: {  	v56 =	vld [tilespmem:s28+$0xA640];
	v52 =	vadd.f32 v50, v49;
	[tilespmem:s28+$0x10270] =	vst v6  }
0x3c2: {  	v57 =	vld [tilespmem:s28+$0x4650];
	v4 =	vadd.f32 v42, v41;
	[tilespmem:s28+$0x10610] =	vst v51  }
0x3c3: {  	v58 =	vld [tilespmem:s28+$0xA650];
	v3 =	vadd.f32 v60, v59;
	[tilespmem:s28+$0x10620] =	vst v52  }
0x3c4: {  	[tilespmem:s28+$0x10260] =	vst v4;
	v4 =	vadd.f32 v46, v45  }
0x3c5: {  	s8 =	sadd.s32 $0x1, s8;
	v63 =	vadd.f32 v62, v61;
	[tilespmem:s28+$0x10660] =	vst v3  }
0x3c6: {  	s0 =	sor.u32 s5, s13;
	p0 =	sne.s32 s8, $0x8;
	[tilespmem:s28+$0x10600] =	vst v4;
	v4 =	vadd.f32 v54, v53  }
.Ltmp2:
0x3c7: {  	s0 =	sshrl.u32 s0, $0x3;
	v6 =	vadd.f32 v56, v55;
	[tilespmem:s28+$0x10670] =	vst v63;
	(pc) =	sbr.rel @p0 .LBB2_2-.Ltmp2, $4  }
0x3c8: {  	s0 =	smul.u32 $0x300, s0;
	[tilespmem:s28+$0x10630] =	vst v4;
	v4 =	vadd.f32 v58, v57  }
0x3c9: {  	[tilespmem:s28+$0x10640] =	vst v6  }
0x3ca: {  	s0 =	sadd.s32 s6, s0;
	[tilespmem:s28+$0x10650] =	vst v4  }
0x3cb: {  	[hbm4b:s0+s4] =	stream.linear.scatter [tilespmem:s25], [sflag:$0x4], $0x3000, $0x38;
	[tilespmem:$0x12200] =	vst v63  }
0x3cc: {  	s0 =	simm.s32 $0x3  }
0x3cd: {  	_ =	swait.ge [sflag:s0], $0x3000  }
0x3ce: {  	[sflag:s0] =	ssyncset.done $0x0  }
0x3cf: {  	s1 =	simm.s32 $0x4;
	[sflag:s0] =	ssyncadd.s32 $0xFFFFD000  }
0x3d0: {  	_ =	swait.ge [sflag:s1], $0x3000  }
0x3d1: {  	s7 =	rddreg [dreg:$0x8]  }
0x3d2: {  	s31 =	rddreg [dreg:$0x7];
	s7 =	sadd.s32 $0x1, s7  }
0x3d3: {  	p0 =	sne.s32 s7, s31  }
.Ltmp3:
0x3d4: {  	_ = 	snop;
	(pc) =	sbr.rel @p0 .LBB2_1-.Ltmp3, $3  }
0x3d5: {  	_ =	sdelay $0x1  }
0x3d6: {  	[sflag:s1] =	ssyncset.done $0x0  }
0x3d7: {  	[sflag:s1] =	ssyncadd.s32 $0xFFFFD000  }
0x3d8: {  	_ =	sfence.sel $0x180000  }
0x3d9: {  	[bflag:$0x0] =	sbarrier.arrive $0xFFFF  }
0x3da: {  	_ =	strace $0x90000047  }
0x3db: {  	s0 =	stileid.u32;
	[bflag:$0x2] =	sbarrier.arrive $0xFFFF  }
0x3dc: {  	p0 =	sne.s32 s0, $0x0;
	s0 =	rddreg [dreg:$0x4]  }
0x3dd: {  	s0 =	sadd.s32 @!p0 $0x100000, s0  }
0x3de: {  	[sflag:s0] =	ssyncadd.tile.s32 @!p0 $0x1;
	_ =	shalt  }
.Lfunc_end2:
_tile_overlayer_lowered:
.L_overlay_start_2:
0x3df: {  	(tag) =	ssettag $0x2  }
0x3e0: {  	s0 =	rddreg [dreg:$0x0];
	s2 =	stileid.u32  }
0x3e1: {  	s1 =	rddreg [dreg:$0x1];
	p0 =	sne.s32 s2, $0x0  }
0x3e2: {  	s3 =	rddreg [dreg:$0x2];
	[bflag:$0x3] =	sbarrier.arrive $0xFFFF;
	s2 =	simm.s32 @!p0 $0x1C05  }
0x3e3: {  	[timem:s3], [sflag:s2] =	dma.local @!p0 [hbm:s0], s1  }
0x3e4: {  	s0 =	simm.s32 @!p0 $0x5  }
0x3e5: {  	_ =	swait.ge @!p0 [sflag:s0], s1  }
0x3e6: {  	s1 =	ssub.s32 @!p0 $0x0, s1;
	[sflag:s0] =	ssyncset.done @!p0 $0x0  }
0x3e7: {  	[sflag:s0] =	ssyncadd.s32 @!p0 s1  }
0x3e8: {  	[bflag:$0x3] =	sbarrier.arrive $0xFFFF  }
0x3e9: {  	_ =	shalt  }

</sc_bundles>
